<compile_context>
chip_gen: v7x
topology: tpu7x:2x2x1
jax: 0.10.2.dev20260603
libtpu: 0.0.44.dev20260713+nightly
codegen_flags: <defaults>
</compile_context>

<pallas_src>
import jax
import jax.numpy as jnp
from jax import lax
from jax.experimental import pallas as pl
from jax.experimental.pallas import tpu as pltpu
from jax.experimental.pallas import tpu_sc as plsc

_NC = 2
_NS = 16
_NW = _NC * _NS
_CHUNK = 128
_ECHUNK = 64
_LANES = 16


def _sc_mesh():
    return plsc.VectorSubcoreMesh(core_axis_name="c", subcore_axis_name="s")


def _degree_kernel(npad, ept):

    def body(src_hbm, dst_hbm, out_hbm, idxs, idxd, hs, hd):
        c = lax.axis_index("c")
        s = lax.axis_index("s")
        wid = c * _NS + s

        pltpu.sync_copy(src_hbm.at[wid], idxs)
        pltpu.sync_copy(dst_hbm.at[wid], idxd)

        @pl.loop(0, npad, step=_LANES)
        def _(r):
            hs[pl.ds(r, _LANES)] = jnp.zeros((_LANES,), jnp.float32)
            hd[pl.ds(r, _LANES)] = jnp.zeros((_LANES,), jnp.float32)

        ones = jnp.ones((_LANES,), jnp.float32)

        @pl.loop(0, ept, step=_LANES)
        def _(k):
            plsc.addupdate_scatter(hs, [idxs[pl.ds(k, _LANES)]], ones)
            plsc.addupdate_scatter(hd, [idxd[pl.ds(k, _LANES)]], ones)

        pltpu.sync_copy(hs, out_hbm.at[0, wid])
        pltpu.sync_copy(hd, out_hbm.at[1, wid])

    return pl.kernel(
        body,
        out_type=jax.ShapeDtypeStruct((2, _NW, npad), jnp.float32),
        mesh=_sc_mesh(),
        compiler_params=pltpu.CompilerParams(needs_layout_passes=False),
        scratch_types=[
            pltpu.VMEM((ept,), jnp.int32),
            pltpu.VMEM((ept,), jnp.int32),
            pltpu.VMEM((npad,), jnp.float32),
            pltpu.VMEM((npad,), jnp.float32),
        ],
    )


def _norms_kernel(hists, blkn):
    npad = hists.shape[2]

    def body(h_ref, ns_ref, nd_ref):
        ds_ = jnp.sum(h_ref[0], axis=0)
        dd_ = jnp.sum(h_ref[1], axis=0)
        ns = lax.rsqrt(jnp.maximum(ds_, 1.0))[:, None]
        nd_ = lax.rsqrt(jnp.maximum(dd_, 1.0))[:, None]
        ns_ref[...] = jnp.broadcast_to(ns, (blkn, _LANES))
        nd_ref[...] = jnp.broadcast_to(nd_, (blkn, _LANES))

    return pl.pallas_call(
        body,
        grid=(npad // blkn,),
        in_specs=[pl.BlockSpec((2, _NW, blkn), lambda i: (0, 0, i))],
        out_specs=[
            pl.BlockSpec((blkn, _LANES), lambda i: (i, 0)),
            pl.BlockSpec((blkn, _LANES), lambda i: (i, 0)),
        ],
        out_shape=[
            jax.ShapeDtypeStruct((npad, _LANES), jnp.float32),
            jax.ShapeDtypeStruct((npad, _LANES), jnp.float32),
        ],
    )(hists)


def _aggregate_kernel(npad, d, k1, kx):
    nrows = npad // _NS
    nbuf = 3
    kmax = max(k1, kx)

    def body(table_hbm, sd_hbm, out_hbm, sdti, r0, r1, r2,
             gs0, gs1, gs2, ss0, ss1, ss2, acc):
        c = lax.axis_index("c")
        s = lax.axis_index("s")
        wid = c * _NS + s
        rbase = s * nrows
        rows = (r0, r1, r2)
        gsem = (gs0, gs1, gs2)
        ssem = (ss0, ss1, ss2)

        @pl.loop(0, _ECHUNK)
        def _(i):
            @pl.loop(0, d, step=_LANES)
            def _(j):
                r0[i, pl.ds(j, _LANES)] = jnp.zeros((_LANES,), jnp.float32)

        @pl.loop(0, nrows, step=_ECHUNK)
        def _(r):
            pltpu.sync_copy(r0, acc.at[pl.ds(rbase + r, _ECHUNK)])

        def start_g(b, j):
            pltpu.async_copy(table_hbm.at[sdti.at[j, pl.ds(0, _ECHUNK)]],
                             rows[b], gsem[b])

        def wait_g(b, j):
            pltpu.make_async_copy(table_hbm.at[sdti.at[j, pl.ds(0, _ECHUNK)]],
                                  rows[b], gsem[b]).wait()

        def start_s(b, j):
            pltpu.async_copy(rows[b], acc.at[sdti.at[j, pl.ds(_ECHUNK, _ECHUNK)]],
                             ssem[b], add=True)

        def wait_s(b, j):
            pltpu.make_async_copy(rows[b], acc.at[sdti.at[j, pl.ds(_ECHUNK, _ECHUNK)]],
                                  ssem[b]).wait()

        def pipeline(knch):
            for b in range(nbuf):
                start_g(b, b)

            @pl.loop(0, knch - nbuf, step=nbuf)
            def _(j0):
                for b in range(nbuf):
                    wait_g(b, j0 + b)
                    start_s(b, j0 + b)
                for b in range(nbuf):
                    wait_s(b, j0 + b)
                    start_g(b, j0 + nbuf + b)

            for b in range(nbuf):
                wait_g(b, knch - nbuf + b)
                start_s(b, knch - nbuf + b)
            for b in range(nbuf):
                wait_s(b, knch - nbuf + b)

        plsc.subcore_barrier()

        pltpu.sync_copy(sd_hbm.at[wid], sdti)
        pipeline(k1)

        if kx:
            @pl.when(c == 0)
            def _():
                pltpu.sync_copy(sd_hbm.at[_NW + s], sdti)
                pipeline(kx)

        plsc.subcore_barrier()

        @pl.loop(0, nrows, step=_CHUNK)
        def _(r):
            pltpu.sync_copy(acc.at[pl.ds(rbase + r, _CHUNK)],
                            out_hbm.at[c, pl.ds(rbase + r, _CHUNK)])

    return pl.kernel(
        body,
        out_type=jax.ShapeDtypeStruct((_NC, npad, d), jnp.float32),
        mesh=_sc_mesh(),
        scratch_types=[
            pltpu.VMEM((kmax, 2 * _ECHUNK), jnp.int32),
            pltpu.VMEM((_ECHUNK, d), jnp.float32),
            pltpu.VMEM((_ECHUNK, d), jnp.float32),
            pltpu.VMEM((_ECHUNK, d), jnp.float32),
            pltpu.SemaphoreType.DMA,
            pltpu.SemaphoreType.DMA,
            pltpu.SemaphoreType.DMA,
            pltpu.SemaphoreType.DMA,
            pltpu.SemaphoreType.DMA,
            pltpu.SemaphoreType.DMA,
            pltpu.VMEM_SHARED((npad, d), jnp.float32),
        ],
    )


def _norm_cols(tab_ref):
    return tab_ref[...][:, 0:1]


def _mm2_kernel(x, w0, rw0, blk):
    n, d = x.shape

    def body(x_ref, w_ref, rw_ref, o1_ref, o2_ref):
        xb = x_ref[...]
        o1_ref[...] = jnp.dot(xb, w_ref[...], preferred_element_type=jnp.float32)
        o2_ref[...] = jnp.dot(xb, rw_ref[...], preferred_element_type=jnp.float32)

    return pl.pallas_call(
        body,
        grid=(n // blk,),
        in_specs=[
            pl.BlockSpec((blk, d), lambda i: (i, 0)),
            pl.BlockSpec((d, d), lambda i: (0, 0)),
            pl.BlockSpec((d, d), lambda i: (0, 0)),
        ],
        out_specs=[
            pl.BlockSpec((blk, d), lambda i: (i, 0)),
            pl.BlockSpec((blk, d), lambda i: (i, 0)),
        ],
        out_shape=[
            jax.ShapeDtypeStruct((n, d), jnp.float32),
            jax.ShapeDtypeStruct((n, d), jnp.float32),
        ],
    )(x, w0, rw0)


def _build0_kernel(xw0, xrw0, deg_s, rb0, blk):
    n, d = xw0.shape

    def body(xw_ref, xrw_ref, ds_ref, rb_ref, hs_ref, r_ref):
        ns = _norm_cols(ds_ref)
        hs_ref[...] = xw_ref[...] * ns
        r_ref[...] = xrw_ref[...] + rb_ref[...]

    return pl.pallas_call(
        body,
        grid=(n // blk,),
        in_specs=[
            pl.BlockSpec((blk, d), lambda i: (i, 0)),
            pl.BlockSpec((blk, d), lambda i: (i, 0)),
            pl.BlockSpec((blk, _LANES), lambda i: (i, 0)),
            pl.BlockSpec((1, d), lambda i: (0, 0)),
        ],
        out_specs=[
            pl.BlockSpec((blk, d), lambda i: (i, 0)),
            pl.BlockSpec((blk, d), lambda i: (i, 0)),
        ],
        out_shape=[
            jax.ShapeDtypeStruct((n, d), jnp.float32),
            jax.ShapeDtypeStruct((n, d), jnp.float32),
        ],
    )(xw0, xrw0, deg_s, rb0)


def _combine_kernel(agg, deg_s, deg_d, b, r_in, w_next, rw_next, rb_next, blk):
    n = r_in.shape[0]
    d = r_in.shape[1]

    def body(agg_ref, ds_ref, dd_ref, b_ref, r_ref, w_ref, rw_ref, rb_ref,
             hs_ref, rn_ref):
        nd_ = _norm_cols(dd_ref)
        a = agg_ref[0] + agg_ref[1]
        h = jnp.maximum(a * nd_ + b_ref[...], 0.0) + r_ref[...]
        ns = _norm_cols(ds_ref)
        hs_ref[...] = jnp.dot(h, w_ref[...],
                              preferred_element_type=jnp.float32) * ns
        rn_ref[...] = jnp.dot(h, rw_ref[...],
                              preferred_element_type=jnp.float32) + rb_ref[...]

    return pl.pallas_call(
        body,
        grid=(n // blk,),
        in_specs=[
            pl.BlockSpec((_NC, blk, d), lambda i: (0, i, 0)),
            pl.BlockSpec((blk, _LANES), lambda i: (i, 0)),
            pl.BlockSpec((blk, _LANES), lambda i: (i, 0)),
            pl.BlockSpec((1, d), lambda i: (0, 0)),
            pl.BlockSpec((blk, d), lambda i: (i, 0)),
            pl.BlockSpec((d, d), lambda i: (0, 0)),
            pl.BlockSpec((d, d), lambda i: (0, 0)),
            pl.BlockSpec((1, d), lambda i: (0, 0)),
        ],
        out_specs=[
            pl.BlockSpec((blk, d), lambda i: (i, 0)),
            pl.BlockSpec((blk, d), lambda i: (i, 0)),
        ],
        out_shape=[
            jax.ShapeDtypeStruct((n, d), jnp.float32),
            jax.ShapeDtypeStruct((n, d), jnp.float32),
        ],
    )(agg, deg_s, deg_d, b, r_in, w_next, rw_next, rb_next)


def _combine2_kernel(agg, deg_s, deg_d, b, r_in, w_next, blk):
    n = r_in.shape[0]
    d = r_in.shape[1]

    def body(agg_ref, ds_ref, dd_ref, b_ref, r_ref, w_ref, hs_ref, h_ref):
        nd_ = _norm_cols(dd_ref)
        a = agg_ref[0] + agg_ref[1]
        h = jnp.maximum(a * nd_ + b_ref[...], 0.0) + r_ref[...]
        ns = _norm_cols(ds_ref)
        h_ref[...] = h
        hs_ref[...] = jnp.dot(h, w_ref[...],
                              preferred_element_type=jnp.float32) * ns

    return pl.pallas_call(
        body,
        grid=(n // blk,),
        in_specs=[
            pl.BlockSpec((_NC, blk, d), lambda i: (0, i, 0)),
            pl.BlockSpec((blk, _LANES), lambda i: (i, 0)),
            pl.BlockSpec((blk, _LANES), lambda i: (i, 0)),
            pl.BlockSpec((1, d), lambda i: (0, 0)),
            pl.BlockSpec((blk, d), lambda i: (i, 0)),
            pl.BlockSpec((d, d), lambda i: (0, 0)),
        ],
        out_specs=[
            pl.BlockSpec((blk, d), lambda i: (i, 0)),
            pl.BlockSpec((blk, d), lambda i: (i, 0)),
        ],
        out_shape=[
            jax.ShapeDtypeStruct((n, d), jnp.float32),
            jax.ShapeDtypeStruct((n, d), jnp.float32),
        ],
    )(agg, deg_s, deg_d, b, r_in, w_next)


def _final_kernel(agg, deg_d, b, h2, blk):
    n, d = h2.shape

    def body(agg_ref, dd_ref, b_ref, h_ref, o_ref):
        nd_ = _norm_cols(dd_ref)
        a = agg_ref[0] + agg_ref[1]
        o_ref[...] = a * nd_ + b_ref[...] + h_ref[...]

    return pl.pallas_call(
        body,
        grid=(n // blk,),
        in_specs=[
            pl.BlockSpec((_NC, blk, d), lambda i: (0, i, 0)),
            pl.BlockSpec((blk, _LANES), lambda i: (i, 0)),
            pl.BlockSpec((1, d), lambda i: (0, 0)),
            pl.BlockSpec((blk, d), lambda i: (i, 0)),
        ],
        out_specs=pl.BlockSpec((blk, d), lambda i: (i, 0)),
        out_shape=jax.ShapeDtypeStruct((n, d), jnp.float32),
    )(agg, deg_d, b, h2)


def kernel(x, edge_index, W0, b0, W1, b1, W2, b2, RW0, Rb0, RW1, Rb1):
    n, d = x.shape
    e = edge_index.shape[1]

    npad = ((n + _CHUNK * _NS - 1) // (_CHUNK * _NS)) * (_CHUNK * _NS)
    ktot = ((e + _NS * _ECHUNK - 1) // (_NS * _ECHUNK) + 5) // 6 * 6
    k1 = ktot // 2
    kx = 0
    kmax = max(k1, kx)
    tot_chunks = ktot * _NS
    epad = tot_chunks * _ECHUNK
    ept = epad // _NW
    pad = epad - e

    src = edge_index[0]
    dst = edge_index[1]
    junk = n + (jnp.arange(pad, dtype=jnp.int32) % (npad - n))
    src_g = jnp.concatenate([src, jnp.zeros((pad,), jnp.int32)])
    src_d = jnp.concatenate([src, junk])
    dst_p = jnp.concatenate([dst, junk])
    sd_flat = jnp.concatenate([src_g.reshape(tot_chunks, _ECHUNK),
                               dst_p.reshape(tot_chunks, _ECHUNK)], axis=1)
    slack = jnp.concatenate(
        [jnp.zeros((_NW + _NS, kmax, _ECHUNK), jnp.int32),
         jnp.full((_NW + _NS, kmax, _ECHUNK), n, jnp.int32)], axis=2)
    sd3 = slack.at[:_NW, :k1].set(
        sd_flat[:_NW * k1].reshape(_NW, k1, 2 * _ECHUNK))
    if kx:
        sd3 = sd3.at[_NW:, :kx].set(
            sd_flat[_NW * k1:].reshape(_NS, kx, 2 * _ECHUNK))

    b0r = b0.reshape(1, d)
    b2r = b2.reshape(1, d)
    b1r = b1.reshape(1, d)
    rb0r = Rb0.reshape(1, d)
    rb1r = Rb1.reshape(1, d)

    blk = 1000 if n % 1000 == 0 else 8

    hists = _degree_kernel(npad, ept)(src_d.reshape(_NW, ept), dst_p.reshape(_NW, ept))
    xw0, xrw0 = _mm2_kernel(x, W0, RW0, blk)
    deg_s, deg_d = _norms_kernel(hists, 1024)

    agg_fn = _aggregate_kernel(npad, d, k1, kx)

    hs0, r0 = _build0_kernel(xw0, xrw0, deg_s, rb0r, blk)
    agg0 = agg_fn(hs0, sd3)
    hs1, r1 = _combine_kernel(agg0, deg_s, deg_d, b0r, r0, W1, RW1, rb1r, blk)
    agg1 = agg_fn(hs1, sd3)
    hs2, h2 = _combine2_kernel(agg1, deg_s, deg_d, b1r, r1, W2, blk)
    agg2 = agg_fn(hs2, sd3)
    return _final_kernel(agg2, deg_d, b2r, h2, blk)

# --- scband reference (transcript-rebuilt; emitter-appended) ---
"""Pipeline reference for scband-gcn-16819091931355 (READ-ONLY COPY).

The authoritative reference and input builder live on the scoring server;
editing this copy changes nothing except your own understanding.
"""

import jax, jax.numpy as jnp
import numpy as np

N = 10000
E = 320000
D = 128


def setup_inputs(seed: int = 0) -> dict:
    key = jax.random.key(seed)
    ks = jax.random.split(key, 14)
    s = 1.0 / np.sqrt(D)
    inp = {
        "x": jax.random.normal(ks[0], (N, D), dtype=jnp.float32),
        "edge_index": jax.random.randint(ks[1], (2, E), 0, N, dtype=jnp.int32),
        "W0": jax.random.normal(ks[2], (D, D), dtype=jnp.float32) * s,
        "b0": jnp.zeros((D,), dtype=jnp.float32),
        "W1": jax.random.normal(ks[3], (D, D), dtype=jnp.float32) * s,
        "b1": jnp.zeros((D,), dtype=jnp.float32),
        "W2": jax.random.normal(ks[4], (D, D), dtype=jnp.float32) * s,
        "b2": jnp.zeros((D,), dtype=jnp.float32),
        "RW0": jax.random.normal(ks[5], (D, D), dtype=jnp.float32) * s,
        "Rb0": jnp.zeros((D,), dtype=jnp.float32),
        "RW1": jax.random.normal(ks[6], (D, D), dtype=jnp.float32) * s,
        "Rb1": jnp.zeros((D,), dtype=jnp.float32),
    }
    return inp


def _gcn_layer(h, src, dst, W, b, act):
    # DGL GraphConv with norm='both': D_out^{-1/2} scaling on src feats,
    # scatter-add aggregation to dst, D_in^{-1/2} scaling, linear, activation.
    ones = jnp.ones((src.shape[0],), dtype=h.dtype)
    deg_out = jax.ops.segment_sum(ones, src, num_segments=N)
    deg_in = jax.ops.segment_sum(ones, dst, num_segments=N)
    norm_src = jax.lax.rsqrt(jnp.maximum(deg_out, 1.0))
    norm_dst = jax.lax.rsqrt(jnp.maximum(deg_in, 1.0))
    h = h * norm_src[:, None]
    h = h @ W  # in_feats >= out_feats: apply weight before aggregation
    msgs = jnp.take(h, src, axis=0)  # gather over edges
    agg = jax.ops.segment_sum(msgs, dst, num_segments=N)  # scatter-add
    out = agg * norm_dst[:, None] + b
    if act is not None:
        out = act(out)
    return out


def reference(x, edge_index, W0, b0, W1, b1, W2, b2, RW0, Rb0, RW1, Rb1):
    src = edge_index[0]
    dst = edge_index[1]
    # dropout p=0.0 -> identity; full-graph blocks: num_dst_nodes == N each layer
    h = x
    h_res = h
    h = _gcn_layer(h, src, dst, W0, b0, jax.nn.relu)
    h = h + (h_res @ RW0 + Rb0)
    h_res = h
    h = _gcn_layer(h, src, dst, W1, b1, jax.nn.relu)
    h = h + (h_res @ RW1 + Rb1)
    h_res = h
    h = _gcn_layer(h, src, dst, W2, b2, None)
    # final residual is Identity; torch in-place += mutates the collected view,
    # so the returned tensor includes this residual add
    h = h + h_res
    return h

if __name__ == "__main__":
    import jax
    _d = setup_inputs()
    print(jax.jit(kernel)(*tuple(_d.values())))

</pallas_src>

<mosaic_0001>
#map = affine_map<(d0, d1) -> (0, 0)>
#map1 = affine_map<(d0, d1) -> (0, 0, 0)>
module attributes {stable_mosaic.version = 14 : i64} {
  func.func @body(%arg0: i32, %arg1: i32, %arg2: memref<10000x128xf32, #tpu.memory_space<hbm>>, %arg3: memref<48x159x128xi32, #tpu.memory_space<hbm>>, %arg4: memref<2x10240x128xf32, #tpu.memory_space<hbm>>, %arg5: memref<159x128xi32, #tpu.memory_space<vmem>>, %arg6: memref<64x128xf32, #tpu.memory_space<vmem>>, %arg7: memref<64x128xf32, #tpu.memory_space<vmem>>, %arg8: memref<64x128xf32, #tpu.memory_space<vmem>>, %arg9: memref<!tpu.dma_semaphore, #tpu.memory_space<semaphore_mem>>, %arg10: memref<!tpu.dma_semaphore, #tpu.memory_space<semaphore_mem>>, %arg11: memref<!tpu.dma_semaphore, #tpu.memory_space<semaphore_mem>>, %arg12: memref<!tpu.dma_semaphore, #tpu.memory_space<semaphore_mem>>, %arg13: memref<!tpu.dma_semaphore, #tpu.memory_space<semaphore_mem>>, %arg14: memref<!tpu.dma_semaphore, #tpu.memory_space<semaphore_mem>>, %arg15: memref<10240x128xf32, #tpu.memory_space<vmem_shared>>) attributes {dimension_semantics = [#tpu.dimension_semantics<core_parallel>, #tpu.dimension_semantics<subcore_parallel>], iteration_bounds = array<i64: 2, 16>, scalar_prefetch = 0 : i64, scratch_operands = 11 : i64, tpu.core_type = #tpu.core_type<sc_vector_subcore>, window_params = [{transform_indices = #map}, {transform_indices = #map1}, {transform_indices = #map1}]} {
    %mul3A = arith.constant 16 : i32
    %mul3A_0 = arith.muli %arg0, %mul3A : i32
    %add3A = arith.addi %mul3A_0, %arg1 : i32
    %mul3A_1 = arith.constant 640 : i32
    %mul3A_2 = arith.muli %arg1, %mul3A_1 : i32
    %scan3A = arith.constant 0 : i32
    %scan3A_3 = arith.constant 64 : i32
    %scan3A_4 = arith.addi %scan3A, %scan3A_3 : i32
    %scan3A_5 = arith.constant 1 : i32
    scf.for %scan3A_105 = %scan3A to %scan3A_4 step %scan3A_5  : i32 {
      %mul3A_106 = arith.constant 1 : i32
      %mul3A_107 = arith.muli %scan3A_105, %mul3A_106 : i32
      %add3A_108 = arith.constant 0 : i32
      %add3A_109 = arith.addi %add3A_108, %mul3A_107 : i32
      %scan3A_110 = arith.constant 0 : i32
      %scan3A_111 = arith.constant 8 : i32
      %scan3A_112 = arith.addi %scan3A_110, %scan3A_111 : i32
      %scan3A_113 = arith.constant 1 : i32
      scf.for %scan3A_115 = %scan3A_110 to %scan3A_112 step %scan3A_113  : i32 {
        %mul3A_116 = arith.constant 16 : i32
        %mul3A_117 = arith.muli %scan3A_115, %mul3A_116 : i32
        %add3A_118 = arith.constant 0 : i32
        %add3A_119 = arith.addi %add3A_118, %mul3A_117 : i32
        %broadcast_in_dim3A = arith.constant 0.000000e+00 : f32
        %broadcast_in_dim3A_120 = vector.broadcast %broadcast_in_dim3A : f32 to vector<16xf32>
        %swap3A = arith.index_cast %add3A_109 : i32 to index
        %swap3A_121 = arith.index_cast %add3A_119 : i32 to index
        %swap3A_122 = tpu.vector_load %arg6[%swap3A, %swap3A_121] {strides = array<i32>} : memref<64x128xf32, #tpu.memory_space<vmem>>, vector<1x16xf32>,
        %swap3A_123 = vector.shape_cast %swap3A_122 : vector<1x16xf32> to vector<16xf32>
        %swap3A_124 = vector.shape_cast %broadcast_in_dim3A_120 : vector<16xf32> to vector<1x16xf32>
        tpu.vector_store %arg6[%swap3A, %swap3A_121], %swap3A_124 {strides = array<i32>} : memref<64x128xf32, #tpu.memory_space<vmem>>, vector<1x16xf32>,
      }
      %scan3A_114 = arith.constant 8 : i32
    }
    %scan3A_6 = arith.constant 64 : i32
    %scan3A_7 = arith.constant 0 : i32
    %scan3A_8 = arith.constant 10 : i32
    %scan3A_9 = arith.addi %scan3A_7, %scan3A_8 : i32
    %scan3A_10 = arith.constant 1 : i32
    scf.for %scan3A_105 = %scan3A_7 to %scan3A_9 step %scan3A_10  : i32 {
      %mul3A_106 = arith.constant 64 : i32
      %mul3A_107 = arith.muli %scan3A_105, %mul3A_106 : i32
      %add3A_108 = arith.constant 0 : i32
      %add3A_109 = arith.addi %add3A_108, %mul3A_107 : i32
      %add3A_110 = arith.addi %mul3A_2, %add3A_109 : i32
      "tpu.region"() ({
        %run_scoped3A = tpu.sem_alloc : memref<!tpu.dma_semaphore, #tpu.memory_space<semaphore_mem>>
        %dma_start3A_111 = arith.constant 0 : i32
        %dma_start3A_112 = tpu.memref_slice %arg15[%add3A_110, %dma_start3A_111] : memref<10240x128xf32, #tpu.memory_space<vmem_shared>> -> memref<64x128xf32, #tpu.memory_space<vmem_shared>>
        %dma_start3A_113 = arith.constant 0 : i32
        %dma_start3A_114 = tpu.memref_slice %arg15[%add3A_110, %dma_start3A_113] : memref<10240x128xf32, #tpu.memory_space<vmem_shared>> -> memref<64x128xf32, #tpu.memory_space<vmem_shared>>
        tpu.enqueue_dma source(%arg6 : memref<64x128xf32, #tpu.memory_space<vmem>>) target(%dma_start3A_114 : memref<64x128xf32, #tpu.memory_space<vmem_shared>>) target_semaphore(%run_scoped3A : memref<!tpu.dma_semaphore, #tpu.memory_space<semaphore_mem>>)
        %dma_wait3A_115 = arith.constant 0 : i32
        %dma_wait3A_116 = tpu.memref_slice %arg15[%add3A_110, %dma_wait3A_115] : memref<10240x128xf32, #tpu.memory_space<vmem_shared>> -> memref<64x128xf32, #tpu.memory_space<vmem_shared>>
        %dma_wait3A_117 = arith.constant 0 : i32
        %dma_wait3A_118 = tpu.memref_slice %arg15[%add3A_110, %dma_wait3A_117] : memref<10240x128xf32, #tpu.memory_space<vmem_shared>> -> memref<64x128xf32, #tpu.memory_space<vmem_shared>>
        tpu.wait_dma2 semaphore(%run_scoped3A : memref<!tpu.dma_semaphore, #tpu.memory_space<semaphore_mem>>) src(%arg6 : memref<64x128xf32, #tpu.memory_space<vmem>>) dst(%dma_wait3A_118 : memref<64x128xf32, #tpu.memory_space<vmem_shared>>)
        tpu.yield
      }) : () -> ()
    }
    %scan3A_11 = arith.constant 10 : i32
    %barrier3A = arith.constant 0 : index
    tpu.barrier barrier_id(%barrier3A)
    "tpu.region"() ({
      %run_scoped3A = tpu.sem_alloc : memref<!tpu.dma_semaphore, #tpu.memory_space<semaphore_mem>>
      %dma_start3A_105 = arith.constant 0 : i32
      %dma_start3A_106 = arith.constant 0 : i32
      %dma_start3A_107 = tpu.memref_slice %arg3[%add3A, %dma_start3A_105, %dma_start3A_106] : memref<48x159x128xi32, #tpu.memory_space<hbm>> -> memref<1x159x128xi32, #tpu.memory_space<hbm>>
      %dma_start3A_108 = tpu.memref_squeeze %dma_start3A_107 : memref<1x159x128xi32, #tpu.memory_space<hbm>> -> memref<159x128xi32, #tpu.memory_space<hbm>>
      %dma_start3A_109 = arith.constant 0 : i32
      %dma_start3A_110 = arith.constant 0 : i32
      %dma_start3A_111 = tpu.memref_slice %arg3[%add3A, %dma_start3A_109, %dma_start3A_110] : memref<48x159x128xi32, #tpu.memory_space<hbm>> -> memref<1x159x128xi32, #tpu.memory_space<hbm>>
      %dma_start3A_112 = tpu.memref_squeeze %dma_start3A_111 : memref<1x159x128xi32, #tpu.memory_space<hbm>> -> memref<159x128xi32, #tpu.memory_space<hbm>>
      tpu.enqueue_dma source(%dma_start3A_112 : memref<159x128xi32, #tpu.memory_space<hbm>>) target(%arg5 : memref<159x128xi32, #tpu.memory_space<vmem>>) target_semaphore(%run_scoped3A : memref<!tpu.dma_semaphore, #tpu.memory_space<semaphore_mem>>)
      %dma_wait3A_113 = arith.constant 0 : i32
      %dma_wait3A_114 = arith.constant 0 : i32
      %dma_wait3A_115 = tpu.memref_slice %arg3[%add3A, %dma_wait3A_113, %dma_wait3A_114] : memref<48x159x128xi32, #tpu.memory_space<hbm>> -> memref<1x159x128xi32, #tpu.memory_space<hbm>>
      %dma_wait3A_116 = tpu.memref_squeeze %dma_wait3A_115 : memref<1x159x128xi32, #tpu.memory_space<hbm>> -> memref<159x128xi32, #tpu.memory_space<hbm>>
      %dma_wait3A_117 = arith.constant 0 : i32
      %dma_wait3A_118 = arith.constant 0 : i32
      %dma_wait3A_119 = tpu.memref_slice %arg3[%add3A, %dma_wait3A_117, %dma_wait3A_118] : memref<48x159x128xi32, #tpu.memory_space<hbm>> -> memref<1x159x128xi32, #tpu.memory_space<hbm>>
      %dma_wait3A_120 = tpu.memref_squeeze %dma_wait3A_119 : memref<1x159x128xi32, #tpu.memory_space<hbm>> -> memref<159x128xi32, #tpu.memory_space<hbm>>
      tpu.wait_dma2 semaphore(%run_scoped3A : memref<!tpu.dma_semaphore, #tpu.memory_space<semaphore_mem>>) src(%dma_wait3A_120 : memref<159x128xi32, #tpu.memory_space<hbm>>) dst(%arg5 : memref<159x128xi32, #tpu.memory_space<vmem>>)
      tpu.yield
    }) : () -> ()
    %dma_start3A = arith.constant 0 : i32
    %dma_start3A_12 = arith.constant 0 : i32
    %dma_start3A_13 = tpu.memref_slice %arg5[%dma_start3A, %dma_start3A_12] : memref<159x128xi32, #tpu.memory_space<vmem>> -> memref<1x64xi32, #tpu.memory_space<vmem>>
    %dma_start3A_14 = tpu.memref_squeeze %dma_start3A_13 : memref<1x64xi32, #tpu.memory_space<vmem>> -> memref<64xi32, #tpu.memory_space<vmem>>
    %dma_start3A_15 = arith.constant 0 : i32
    %dma_start3A_16 = arith.constant 0 : i32
    %dma_start3A_17 = tpu.memref_slice %arg2[%dma_start3A_15, %dma_start3A_16] : memref<10000x128xf32, #tpu.memory_space<hbm>> -> memref<10000x128xf32, #tpu.memory_space<hbm>>
    tpu.enqueue_indirect_dma source(%dma_start3A_17 : memref<10000x128xf32, #tpu.memory_space<hbm>>) target(%arg6 : memref<64x128xf32, #tpu.memory_space<vmem>>) offsets(%dma_start3A_14 : memref<64xi32, #tpu.memory_space<vmem>>) semaphore(%arg9 : memref<!tpu.dma_semaphore, #tpu.memory_space<semaphore_mem>>)
    %dma_start3A_18 = arith.constant 1 : i32
    %dma_start3A_19 = arith.constant 0 : i32
    %dma_start3A_20 = tpu.memref_slice %arg5[%dma_start3A_18, %dma_start3A_19] : memref<159x128xi32, #tpu.memory_space<vmem>> -> memref<1x64xi32, #tpu.memory_space<vmem>>
    %dma_start3A_21 = tpu.memref_squeeze %dma_start3A_20 : memref<1x64xi32, #tpu.memory_space<vmem>> -> memref<64xi32, #tpu.memory_space<vmem>>
    %dma_start3A_22 = arith.constant 0 : i32
    %dma_start3A_23 = arith.constant 0 : i32
    %dma_start3A_24 = tpu.memref_slice %arg2[%dma_start3A_22, %dma_start3A_23] : memref<10000x128xf32, #tpu.memory_space<hbm>> -> memref<10000x128xf32, #tpu.memory_space<hbm>>
    tpu.enqueue_indirect_dma source(%dma_start3A_24 : memref<10000x128xf32, #tpu.memory_space<hbm>>) target(%arg7 : memref<64x128xf32, #tpu.memory_space<vmem>>) offsets(%dma_start3A_21 : memref<64xi32, #tpu.memory_space<vmem>>) semaphore(%arg10 : memref<!tpu.dma_semaphore, #tpu.memory_space<semaphore_mem>>)
    %dma_start3A_25 = arith.constant 2 : i32
    %dma_start3A_26 = arith.constant 0 : i32
    %dma_start3A_27 = tpu.memref_slice %arg5[%dma_start3A_25, %dma_start3A_26] : memref<159x128xi32, #tpu.memory_space<vmem>> -> memref<1x64xi32, #tpu.memory_space<vmem>>
    %dma_start3A_28 = tpu.memref_squeeze %dma_start3A_27 : memref<1x64xi32, #tpu.memory_space<vmem>> -> memref<64xi32, #tpu.memory_space<vmem>>
    %dma_start3A_29 = arith.constant 0 : i32
    %dma_start3A_30 = arith.constant 0 : i32
    %dma_start3A_31 = tpu.memref_slice %arg2[%dma_start3A_29, %dma_start3A_30] : memref<10000x128xf32, #tpu.memory_space<hbm>> -> memref<10000x128xf32, #tpu.memory_space<hbm>>
    tpu.enqueue_indirect_dma source(%dma_start3A_31 : memref<10000x128xf32, #tpu.memory_space<hbm>>) target(%arg8 : memref<64x128xf32, #tpu.memory_space<vmem>>) offsets(%dma_start3A_28 : memref<64xi32, #tpu.memory_space<vmem>>) semaphore(%arg11 : memref<!tpu.dma_semaphore, #tpu.memory_space<semaphore_mem>>)
    %scan3A_32 = arith.constant 0 : i32
    %scan3A_33 = arith.constant 52 : i32
    %scan3A_34 = arith.addi %scan3A_32, %scan3A_33 : i32
    %scan3A_35 = arith.constant 1 : i32
    scf.for %scan3A_105 = %scan3A_32 to %scan3A_34 step %scan3A_35  : i32 {
      %mul3A_106 = arith.constant 3 : i32
      %mul3A_107 = arith.muli %scan3A_105, %mul3A_106 : i32
      %add3A_108 = arith.constant 0 : i32
      %add3A_109 = arith.addi %add3A_108, %mul3A_107 : i32
      %add3A_110 = arith.constant 0 : i32
      %add3A_111 = arith.addi %add3A_109, %add3A_110 : i32
      %dma_wait3A_112 = arith.constant 0 : i32
      %dma_wait3A_113 = tpu.memref_slice %arg5[%add3A_111, %dma_wait3A_112] : memref<159x128xi32, #tpu.memory_space<vmem>> -> memref<1x64xi32, #tpu.memory_space<vmem>>
      %dma_wait3A_114 = tpu.memref_squeeze %dma_wait3A_113 : memref<1x64xi32, #tpu.memory_space<vmem>> -> memref<64xi32, #tpu.memory_space<vmem>>
      %dma_wait3A_115 = arith.constant 0 : i32
      %dma_wait3A_116 = arith.constant 0 : i32
      %dma_wait3A_117 = tpu.memref_slice %arg2[%dma_wait3A_115, %dma_wait3A_116] : memref<10000x128xf32, #tpu.memory_space<hbm>> -> memref<10000x128xf32, #tpu.memory_space<hbm>>
      tpu.wait_indirect_dma semaphore(%arg9 : memref<!tpu.dma_semaphore, #tpu.memory_space<semaphore_mem>>) src(%dma_wait3A_117 : memref<10000x128xf32, #tpu.memory_space<hbm>>) dst(%arg6 : memref<64x128xf32, #tpu.memory_space<vmem>>)
      %add3A_118 = arith.constant 0 : i32
      %add3A_119 = arith.addi %add3A_109, %add3A_118 : i32
      %dma_start3A_120 = arith.constant 64 : i32
      %dma_start3A_121 = tpu.memref_slice %arg5[%add3A_119, %dma_start3A_120] : memref<159x128xi32, #tpu.memory_space<vmem>> -> memref<1x64xi32, #tpu.memory_space<vmem>>
      %dma_start3A_122 = tpu.memref_squeeze %dma_start3A_121 : memref<1x64xi32, #tpu.memory_space<vmem>> -> memref<64xi32, #tpu.memory_space<vmem>>
      %dma_start3A_123 = arith.constant 0 : i32
      %dma_start3A_124 = arith.constant 0 : i32
      %dma_start3A_125 = tpu.memref_slice %arg15[%dma_start3A_123, %dma_start3A_124] : memref<10240x128xf32, #tpu.memory_space<vmem_shared>> -> memref<10240x128xf32, #tpu.memory_space<vmem_shared>>
      tpu.enqueue_indirect_dma source(%arg6 : memref<64x128xf32, #tpu.memory_space<vmem>>) target(%dma_start3A_125 : memref<10240x128xf32, #tpu.memory_space<vmem_shared>>) offsets(%dma_start3A_122 : memref<64xi32, #tpu.memory_space<vmem>>) semaphore(%arg12 : memref<!tpu.dma_semaphore, #tpu.memory_space<semaphore_mem>>) {add = true}
      %add3A_126 = arith.constant 1 : i32
      %add3A_127 = arith.addi %add3A_109, %add3A_126 : i32
      %dma_wait3A_128 = arith.constant 0 : i32
      %dma_wait3A_129 = tpu.memref_slice %arg5[%add3A_127, %dma_wait3A_128] : memref<159x128xi32, #tpu.memory_space<vmem>> -> memref<1x64xi32, #tpu.memory_space<vmem>>
      %dma_wait3A_130 = tpu.memref_squeeze %dma_wait3A_129 : memref<1x64xi32, #tpu.memory_space<vmem>> -> memref<64xi32, #tpu.memory_space<vmem>>
      %dma_wait3A_131 = arith.constant 0 : i32
      %dma_wait3A_132 = arith.constant 0 : i32
      %dma_wait3A_133 = tpu.memref_slice %arg2[%dma_wait3A_131, %dma_wait3A_132] : memref<10000x128xf32, #tpu.memory_space<hbm>> -> memref<10000x128xf32, #tpu.memory_space<hbm>>
      tpu.wait_indirect_dma semaphore(%arg10 : memref<!tpu.dma_semaphore, #tpu.memory_space<semaphore_mem>>) src(%dma_wait3A_133 : memref<10000x128xf32, #tpu.memory_space<hbm>>) dst(%arg7 : memref<64x128xf32, #tpu.memory_space<vmem>>)
      %add3A_134 = arith.constant 1 : i32
      %add3A_135 = arith.addi %add3A_109, %add3A_134 : i32
      %dma_start3A_136 = arith.constant 64 : i32
      %dma_start3A_137 = tpu.memref_slice %arg5[%add3A_135, %dma_start3A_136] : memref<159x128xi32, #tpu.memory_space<vmem>> -> memref<1x64xi32, #tpu.memory_space<vmem>>
      %dma_start3A_138 = tpu.memref_squeeze %dma_start3A_137 : memref<1x64xi32, #tpu.memory_space<vmem>> -> memref<64xi32, #tpu.memory_space<vmem>>
      %dma_start3A_139 = arith.constant 0 : i32
      %dma_start3A_140 = arith.constant 0 : i32
      %dma_start3A_141 = tpu.memref_slice %arg15[%dma_start3A_139, %dma_start3A_140] : memref<10240x128xf32, #tpu.memory_space<vmem_shared>> -> memref<10240x128xf32, #tpu.memory_space<vmem_shared>>
      tpu.enqueue_indirect_dma source(%arg7 : memref<64x128xf32, #tpu.memory_space<vmem>>) target(%dma_start3A_141 : memref<10240x128xf32, #tpu.memory_space<vmem_shared>>) offsets(%dma_start3A_138 : memref<64xi32, #tpu.memory_space<vmem>>) semaphore(%arg13 : memref<!tpu.dma_semaphore, #tpu.memory_space<semaphore_mem>>) {add = true}
      %add3A_142 = arith.constant 2 : i32
      %add3A_143 = arith.addi %add3A_109, %add3A_142 : i32
      %dma_wait3A_144 = arith.constant 0 : i32
      %dma_wait3A_145 = tpu.memref_slice %arg5[%add3A_143, %dma_wait3A_144] : memref<159x128xi32, #tpu.memory_space<vmem>> -> memref<1x64xi32, #tpu.memory_space<vmem>>
      %dma_wait3A_146 = tpu.memref_squeeze %dma_wait3A_145 : memref<1x64xi32, #tpu.memory_space<vmem>> -> memref<64xi32, #tpu.memory_space<vmem>>
      %dma_wait3A_147 = arith.constant 0 : i32
      %dma_wait3A_148 = arith.constant 0 : i32
      %dma_wait3A_149 = tpu.memref_slice %arg2[%dma_wait3A_147, %dma_wait3A_148] : memref<10000x128xf32, #tpu.memory_space<hbm>> -> memref<10000x128xf32, #tpu.memory_space<hbm>>
      tpu.wait_indirect_dma semaphore(%arg11 : memref<!tpu.dma_semaphore, #tpu.memory_space<semaphore_mem>>) src(%dma_wait3A_149 : memref<10000x128xf32, #tpu.memory_space<hbm>>) dst(%arg8 : memref<64x128xf32, #tpu.memory_space<vmem>>)
      %add3A_150 = arith.constant 2 : i32
      %add3A_151 = arith.addi %add3A_109, %add3A_150 : i32
      %dma_start3A_152 = arith.constant 64 : i32
      %dma_start3A_153 = tpu.memref_slice %arg5[%add3A_151, %dma_start3A_152] : memref<159x128xi32, #tpu.memory_space<vmem>> -> memref<1x64xi32, #tpu.memory_space<vmem>>
      %dma_start3A_154 = tpu.memref_squeeze %dma_start3A_153 : memref<1x64xi32, #tpu.memory_space<vmem>> -> memref<64xi32, #tpu.memory_space<vmem>>
      %dma_start3A_155 = arith.constant 0 : i32
      %dma_start3A_156 = arith.constant 0 : i32
      %dma_start3A_157 = tpu.memref_slice %arg15[%dma_start3A_155, %dma_start3A_156] : memref<10240x128xf32, #tpu.memory_space<vmem_shared>> -> memref<10240x128xf32, #tpu.memory_space<vmem_shared>>
      tpu.enqueue_indirect_dma source(%arg8 : memref<64x128xf32, #tpu.memory_space<vmem>>) target(%dma_start3A_157 : memref<10240x128xf32, #tpu.memory_space<vmem_shared>>) offsets(%dma_start3A_154 : memref<64xi32, #tpu.memory_space<vmem>>) semaphore(%arg14 : memref<!tpu.dma_semaphore, #tpu.memory_space<semaphore_mem>>) {add = true}
      %add3A_158 = arith.constant 0 : i32
      %add3A_159 = arith.addi %add3A_109, %add3A_158 : i32
      %dma_wait3A_160 = arith.constant 64 : i32
      %dma_wait3A_161 = tpu.memref_slice %arg5[%add3A_159, %dma_wait3A_160] : memref<159x128xi32, #tpu.memory_space<vmem>> -> memref<1x64xi32, #tpu.memory_space<vmem>>
      %dma_wait3A_162 = tpu.memref_squeeze %dma_wait3A_161 : memref<1x64xi32, #tpu.memory_space<vmem>> -> memref<64xi32, #tpu.memory_space<vmem>>
      %dma_wait3A_163 = arith.constant 0 : i32
      %dma_wait3A_164 = arith.constant 0 : i32
      %dma_wait3A_165 = tpu.memref_slice %arg15[%dma_wait3A_163, %dma_wait3A_164] : memref<10240x128xf32, #tpu.memory_space<vmem_shared>> -> memref<10240x128xf32, #tpu.memory_space<vmem_shared>>
      tpu.wait_indirect_dma semaphore(%arg12 : memref<!tpu.dma_semaphore, #tpu.memory_space<semaphore_mem>>) src(%arg6 : memref<64x128xf32, #tpu.memory_space<vmem>>) dst(%dma_wait3A_165 : memref<10240x128xf32, #tpu.memory_space<vmem_shared>>)
      %add3A_166 = arith.constant 3 : i32
      %add3A_167 = arith.addi %add3A_109, %add3A_166 : i32
      %add3A_168 = arith.constant 0 : i32
      %add3A_169 = arith.addi %add3A_167, %add3A_168 : i32
      %dma_start3A_170 = arith.constant 0 : i32
      %dma_start3A_171 = tpu.memref_slice %arg5[%add3A_169, %dma_start3A_170] : memref<159x128xi32, #tpu.memory_space<vmem>> -> memref<1x64xi32, #tpu.memory_space<vmem>>
      %dma_start3A_172 = tpu.memref_squeeze %dma_start3A_171 : memref<1x64xi32, #tpu.memory_space<vmem>> -> memref<64xi32, #tpu.memory_space<vmem>>
      %dma_start3A_173 = arith.constant 0 : i32
      %dma_start3A_174 = arith.constant 0 : i32
      %dma_start3A_175 = tpu.memref_slice %arg2[%dma_start3A_173, %dma_start3A_174] : memref<10000x128xf32, #tpu.memory_space<hbm>> -> memref<10000x128xf32, #tpu.memory_space<hbm>>
      tpu.enqueue_indirect_dma source(%dma_start3A_175 : memref<10000x128xf32, #tpu.memory_space<hbm>>) target(%arg6 : memref<64x128xf32, #tpu.memory_space<vmem>>) offsets(%dma_start3A_172 : memref<64xi32, #tpu.memory_space<vmem>>) semaphore(%arg9 : memref<!tpu.dma_semaphore, #tpu.memory_space<semaphore_mem>>)
      %add3A_176 = arith.constant 1 : i32
      %add3A_177 = arith.addi %add3A_109, %add3A_176 : i32
      %dma_wait3A_178 = arith.constant 64 : i32
      %dma_wait3A_179 = tpu.memref_slice %arg5[%add3A_177, %dma_wait3A_178] : memref<159x128xi32, #tpu.memory_space<vmem>> -> memref<1x64xi32, #tpu.memory_space<vmem>>
      %dma_wait3A_180 = tpu.memref_squeeze %dma_wait3A_179 : memref<1x64xi32, #tpu.memory_space<vmem>> -> memref<64xi32, #tpu.memory_space<vmem>>
      %dma_wait3A_181 = arith.constant 0 : i32
      %dma_wait3A_182 = arith.constant 0 : i32
      %dma_wait3A_183 = tpu.memref_slice %arg15[%dma_wait3A_181, %dma_wait3A_182] : memref<10240x128xf32, #tpu.memory_space<vmem_shared>> -> memref<10240x128xf32, #tpu.memory_space<vmem_shared>>
      tpu.wait_indirect_dma semaphore(%arg13 : memref<!tpu.dma_semaphore, #tpu.memory_space<semaphore_mem>>) src(%arg7 : memref<64x128xf32, #tpu.memory_space<vmem>>) dst(%dma_wait3A_183 : memref<10240x128xf32, #tpu.memory_space<vmem_shared>>)
      %add3A_184 = arith.constant 3 : i32
      %add3A_185 = arith.addi %add3A_109, %add3A_184 : i32
      %add3A_186 = arith.constant 1 : i32
      %add3A_187 = arith.addi %add3A_185, %add3A_186 : i32
      %dma_start3A_188 = arith.constant 0 : i32
      %dma_start3A_189 = tpu.memref_slice %arg5[%add3A_187, %dma_start3A_188] : memref<159x128xi32, #tpu.memory_space<vmem>> -> memref<1x64xi32, #tpu.memory_space<vmem>>
      %dma_start3A_190 = tpu.memref_squeeze %dma_start3A_189 : memref<1x64xi32, #tpu.memory_space<vmem>> -> memref<64xi32, #tpu.memory_space<vmem>>
      %dma_start3A_191 = arith.constant 0 : i32
      %dma_start3A_192 = arith.constant 0 : i32
      %dma_start3A_193 = tpu.memref_slice %arg2[%dma_start3A_191, %dma_start3A_192] : memref<10000x128xf32, #tpu.memory_space<hbm>> -> memref<10000x128xf32, #tpu.memory_space<hbm>>
      tpu.enqueue_indirect_dma source(%dma_start3A_193 : memref<10000x128xf32, #tpu.memory_space<hbm>>) target(%arg7 : memref<64x128xf32, #tpu.memory_space<vmem>>) offsets(%dma_start3A_190 : memref<64xi32, #tpu.memory_space<vmem>>) semaphore(%arg10 : memref<!tpu.dma_semaphore, #tpu.memory_space<semaphore_mem>>)
      %add3A_194 = arith.constant 2 : i32
      %add3A_195 = arith.addi %add3A_109, %add3A_194 : i32
      %dma_wait3A_196 = arith.constant 64 : i32
      %dma_wait3A_197 = tpu.memref_slice %arg5[%add3A_195, %dma_wait3A_196] : memref<159x128xi32, #tpu.memory_space<vmem>> -> memref<1x64xi32, #tpu.memory_space<vmem>>
      %dma_wait3A_198 = tpu.memref_squeeze %dma_wait3A_197 : memref<1x64xi32, #tpu.memory_space<vmem>> -> memref<64xi32, #tpu.memory_space<vmem>>
      %dma_wait3A_199 = arith.constant 0 : i32
      %dma_wait3A_200 = arith.constant 0 : i32
      %dma_wait3A_201 = tpu.memref_slice %arg15[%dma_wait3A_199, %dma_wait3A_200] : memref<10240x128xf32, #tpu.memory_space<vmem_shared>> -> memref<10240x128xf32, #tpu.memory_space<vmem_shared>>
      tpu.wait_indirect_dma semaphore(%arg14 : memref<!tpu.dma_semaphore, #tpu.memory_space<semaphore_mem>>) src(%arg8 : memref<64x128xf32, #tpu.memory_space<vmem>>) dst(%dma_wait3A_201 : memref<10240x128xf32, #tpu.memory_space<vmem_shared>>)
      %add3A_202 = arith.constant 3 : i32
      %add3A_203 = arith.addi %add3A_109, %add3A_202 : i32
      %add3A_204 = arith.constant 2 : i32
      %add3A_205 = arith.addi %add3A_203, %add3A_204 : i32
      %dma_start3A_206 = arith.constant 0 : i32
      %dma_start3A_207 = tpu.memref_slice %arg5[%add3A_205, %dma_start3A_206] : memref<159x128xi32, #tpu.memory_space<vmem>> -> memref<1x64xi32, #tpu.memory_space<vmem>>
      %dma_start3A_208 = tpu.memref_squeeze %dma_start3A_207 : memref<1x64xi32, #tpu.memory_space<vmem>> -> memref<64xi32, #tpu.memory_space<vmem>>
      %dma_start3A_209 = arith.constant 0 : i32
      %dma_start3A_210 = arith.constant 0 : i32
      %dma_start3A_211 = tpu.memref_slice %arg2[%dma_start3A_209, %dma_start3A_210] : memref<10000x128xf32, #tpu.memory_space<hbm>> -> memref<10000x128xf32, #tpu.memory_space<hbm>>
      tpu.enqueue_indirect_dma source(%dma_start3A_211 : memref<10000x128xf32, #tpu.memory_space<hbm>>) target(%arg8 : memref<64x128xf32, #tpu.memory_space<vmem>>) offsets(%dma_start3A_208 : memref<64xi32, #tpu.memory_space<vmem>>) semaphore(%arg11 : memref<!tpu.dma_semaphore, #tpu.memory_space<semaphore_mem>>)
    }
    %scan3A_36 = arith.constant 52 : i32
    %dma_wait3A = arith.constant 156 : i32
    %dma_wait3A_37 = arith.constant 0 : i32
    %dma_wait3A_38 = tpu.memref_slice %arg5[%dma_wait3A, %dma_wait3A_37] : memref<159x128xi32, #tpu.memory_space<vmem>> -> memref<1x64xi32, #tpu.memory_space<vmem>>
    %dma_wait3A_39 = tpu.memref_squeeze %dma_wait3A_38 : memref<1x64xi32, #tpu.memory_space<vmem>> -> memref<64xi32, #tpu.memory_space<vmem>>
    %dma_wait3A_40 = arith.constant 0 : i32
    %dma_wait3A_41 = arith.constant 0 : i32
    %dma_wait3A_42 = tpu.memref_slice %arg2[%dma_wait3A_40, %dma_wait3A_41] : memref<10000x128xf32, #tpu.memory_space<hbm>> -> memref<10000x128xf32, #tpu.memory_space<hbm>>
    tpu.wait_indirect_dma semaphore(%arg9 : memref<!tpu.dma_semaphore, #tpu.memory_space<semaphore_mem>>) src(%dma_wait3A_42 : memref<10000x128xf32, #tpu.memory_space<hbm>>) dst(%arg6 : memref<64x128xf32, #tpu.memory_space<vmem>>)
    %dma_start3A_43 = arith.constant 156 : i32
    %dma_start3A_44 = arith.constant 64 : i32
    %dma_start3A_45 = tpu.memref_slice %arg5[%dma_start3A_43, %dma_start3A_44] : memref<159x128xi32, #tpu.memory_space<vmem>> -> memref<1x64xi32, #tpu.memory_space<vmem>>
    %dma_start3A_46 = tpu.memref_squeeze %dma_start3A_45 : memref<1x64xi32, #tpu.memory_space<vmem>> -> memref<64xi32, #tpu.memory_space<vmem>>
    %dma_start3A_47 = arith.constant 0 : i32
    %dma_start3A_48 = arith.constant 0 : i32
    %dma_start3A_49 = tpu.memref_slice %arg15[%dma_start3A_47, %dma_start3A_48] : memref<10240x128xf32, #tpu.memory_space<vmem_shared>> -> memref<10240x128xf32, #tpu.memory_space<vmem_shared>>
    tpu.enqueue_indirect_dma source(%arg6 : memref<64x128xf32, #tpu.memory_space<vmem>>) target(%dma_start3A_49 : memref<10240x128xf32, #tpu.memory_space<vmem_shared>>) offsets(%dma_start3A_46 : memref<64xi32, #tpu.memory_space<vmem>>) semaphore(%arg12 : memref<!tpu.dma_semaphore, #tpu.memory_space<semaphore_mem>>) {add = true}
    %dma_wait3A_50 = arith.constant 157 : i32
    %dma_wait3A_51 = arith.constant 0 : i32
    %dma_wait3A_52 = tpu.memref_slice %arg5[%dma_wait3A_50, %dma_wait3A_51] : memref<159x128xi32, #tpu.memory_space<vmem>> -> memref<1x64xi32, #tpu.memory_space<vmem>>
    %dma_wait3A_53 = tpu.memref_squeeze %dma_wait3A_52 : memref<1x64xi32, #tpu.memory_space<vmem>> -> memref<64xi32, #tpu.memory_space<vmem>>
    %dma_wait3A_54 = arith.constant 0 : i32
    %dma_wait3A_55 = arith.constant 0 : i32
    %dma_wait3A_56 = tpu.memref_slice %arg2[%dma_wait3A_54, %dma_wait3A_55] : memref<10000x128xf32, #tpu.memory_space<hbm>> -> memref<10000x128xf32, #tpu.memory_space<hbm>>
    tpu.wait_indirect_dma semaphore(%arg10 : memref<!tpu.dma_semaphore, #tpu.memory_space<semaphore_mem>>) src(%dma_wait3A_56 : memref<10000x128xf32, #tpu.memory_space<hbm>>) dst(%arg7 : memref<64x128xf32, #tpu.memory_space<vmem>>)
    %dma_start3A_57 = arith.constant 157 : i32
    %dma_start3A_58 = arith.constant 64 : i32
    %dma_start3A_59 = tpu.memref_slice %arg5[%dma_start3A_57, %dma_start3A_58] : memref<159x128xi32, #tpu.memory_space<vmem>> -> memref<1x64xi32, #tpu.memory_space<vmem>>
    %dma_start3A_60 = tpu.memref_squeeze %dma_start3A_59 : memref<1x64xi32, #tpu.memory_space<vmem>> -> memref<64xi32, #tpu.memory_space<vmem>>
    %dma_start3A_61 = arith.constant 0 : i32
    %dma_start3A_62 = arith.constant 0 : i32
    %dma_start3A_63 = tpu.memref_slice %arg15[%dma_start3A_61, %dma_start3A_62] : memref<10240x128xf32, #tpu.memory_space<vmem_shared>> -> memref<10240x128xf32, #tpu.memory_space<vmem_shared>>
    tpu.enqueue_indirect_dma source(%arg7 : memref<64x128xf32, #tpu.memory_space<vmem>>) target(%dma_start3A_63 : memref<10240x128xf32, #tpu.memory_space<vmem_shared>>) offsets(%dma_start3A_60 : memref<64xi32, #tpu.memory_space<vmem>>) semaphore(%arg13 : memref<!tpu.dma_semaphore, #tpu.memory_space<semaphore_mem>>) {add = true}
    %dma_wait3A_64 = arith.constant 158 : i32
    %dma_wait3A_65 = arith.constant 0 : i32
    %dma_wait3A_66 = tpu.memref_slice %arg5[%dma_wait3A_64, %dma_wait3A_65] : memref<159x128xi32, #tpu.memory_space<vmem>> -> memref<1x64xi32, #tpu.memory_space<vmem>>
    %dma_wait3A_67 = tpu.memref_squeeze %dma_wait3A_66 : memref<1x64xi32, #tpu.memory_space<vmem>> -> memref<64xi32, #tpu.memory_space<vmem>>
    %dma_wait3A_68 = arith.constant 0 : i32
    %dma_wait3A_69 = arith.constant 0 : i32
    %dma_wait3A_70 = tpu.memref_slice %arg2[%dma_wait3A_68, %dma_wait3A_69] : memref<10000x128xf32, #tpu.memory_space<hbm>> -> memref<10000x128xf32, #tpu.memory_space<hbm>>
    tpu.wait_indirect_dma semaphore(%arg11 : memref<!tpu.dma_semaphore, #tpu.memory_space<semaphore_mem>>) src(%dma_wait3A_70 : memref<10000x128xf32, #tpu.memory_space<hbm>>) dst(%arg8 : memref<64x128xf32, #tpu.memory_space<vmem>>)
    %dma_start3A_71 = arith.constant 158 : i32
    %dma_start3A_72 = arith.constant 64 : i32
    %dma_start3A_73 = tpu.memref_slice %arg5[%dma_start3A_71, %dma_start3A_72] : memref<159x128xi32, #tpu.memory_space<vmem>> -> memref<1x64xi32, #tpu.memory_space<vmem>>
    %dma_start3A_74 = tpu.memref_squeeze %dma_start3A_73 : memref<1x64xi32, #tpu.memory_space<vmem>> -> memref<64xi32, #tpu.memory_space<vmem>>
    %dma_start3A_75 = arith.constant 0 : i32
    %dma_start3A_76 = arith.constant 0 : i32
    %dma_start3A_77 = tpu.memref_slice %arg15[%dma_start3A_75, %dma_start3A_76] : memref<10240x128xf32, #tpu.memory_space<vmem_shared>> -> memref<10240x128xf32, #tpu.memory_space<vmem_shared>>
    tpu.enqueue_indirect_dma source(%arg8 : memref<64x128xf32, #tpu.memory_space<vmem>>) target(%dma_start3A_77 : memref<10240x128xf32, #tpu.memory_space<vmem_shared>>) offsets(%dma_start3A_74 : memref<64xi32, #tpu.memory_space<vmem>>) semaphore(%arg14 : memref<!tpu.dma_semaphore, #tpu.memory_space<semaphore_mem>>) {add = true}
    %dma_wait3A_78 = arith.constant 156 : i32
    %dma_wait3A_79 = arith.constant 64 : i32
    %dma_wait3A_80 = tpu.memref_slice %arg5[%dma_wait3A_78, %dma_wait3A_79] : memref<159x128xi32, #tpu.memory_space<vmem>> -> memref<1x64xi32, #tpu.memory_space<vmem>>
    %dma_wait3A_81 = tpu.memref_squeeze %dma_wait3A_80 : memref<1x64xi32, #tpu.memory_space<vmem>> -> memref<64xi32, #tpu.memory_space<vmem>>
    %dma_wait3A_82 = arith.constant 0 : i32
    %dma_wait3A_83 = arith.constant 0 : i32
    %dma_wait3A_84 = tpu.memref_slice %arg15[%dma_wait3A_82, %dma_wait3A_83] : memref<10240x128xf32, #tpu.memory_space<vmem_shared>> -> memref<10240x128xf32, #tpu.memory_space<vmem_shared>>
    tpu.wait_indirect_dma semaphore(%arg12 : memref<!tpu.dma_semaphore, #tpu.memory_space<semaphore_mem>>) src(%arg6 : memref<64x128xf32, #tpu.memory_space<vmem>>) dst(%dma_wait3A_84 : memref<10240x128xf32, #tpu.memory_space<vmem_shared>>)
    %dma_wait3A_85 = arith.constant 157 : i32
    %dma_wait3A_86 = arith.constant 64 : i32
    %dma_wait3A_87 = tpu.memref_slice %arg5[%dma_wait3A_85, %dma_wait3A_86] : memref<159x128xi32, #tpu.memory_space<vmem>> -> memref<1x64xi32, #tpu.memory_space<vmem>>
    %dma_wait3A_88 = tpu.memref_squeeze %dma_wait3A_87 : memref<1x64xi32, #tpu.memory_space<vmem>> -> memref<64xi32, #tpu.memory_space<vmem>>
    %dma_wait3A_89 = arith.constant 0 : i32
    %dma_wait3A_90 = arith.constant 0 : i32
    %dma_wait3A_91 = tpu.memref_slice %arg15[%dma_wait3A_89, %dma_wait3A_90] : memref<10240x128xf32, #tpu.memory_space<vmem_shared>> -> memref<10240x128xf32, #tpu.memory_space<vmem_shared>>
    tpu.wait_indirect_dma semaphore(%arg13 : memref<!tpu.dma_semaphore, #tpu.memory_space<semaphore_mem>>) src(%arg7 : memref<64x128xf32, #tpu.memory_space<vmem>>) dst(%dma_wait3A_91 : memref<10240x128xf32, #tpu.memory_space<vmem_shared>>)
    %dma_wait3A_92 = arith.constant 158 : i32
    %dma_wait3A_93 = arith.constant 64 : i32
    %dma_wait3A_94 = tpu.memref_slice %arg5[%dma_wait3A_92, %dma_wait3A_93] : memref<159x128xi32, #tpu.memory_space<vmem>> -> memref<1x64xi32, #tpu.memory_space<vmem>>
    %dma_wait3A_95 = tpu.memref_squeeze %dma_wait3A_94 : memref<1x64xi32, #tpu.memory_space<vmem>> -> memref<64xi32, #tpu.memory_space<vmem>>
    %dma_wait3A_96 = arith.constant 0 : i32
    %dma_wait3A_97 = arith.constant 0 : i32
    %dma_wait3A_98 = tpu.memref_slice %arg15[%dma_wait3A_96, %dma_wait3A_97] : memref<10240x128xf32, #tpu.memory_space<vmem_shared>> -> memref<10240x128xf32, #tpu.memory_space<vmem_shared>>
    tpu.wait_indirect_dma semaphore(%arg14 : memref<!tpu.dma_semaphore, #tpu.memory_space<semaphore_mem>>) src(%arg8 : memref<64x128xf32, #tpu.memory_space<vmem>>) dst(%dma_wait3A_98 : memref<10240x128xf32, #tpu.memory_space<vmem_shared>>)
    %barrier3A_99 = arith.constant 0 : index
    tpu.barrier barrier_id(%barrier3A_99)
    %scan3A_100 = arith.constant 0 : i32
    %scan3A_101 = arith.constant 5 : i32
    %scan3A_102 = arith.addi %scan3A_100, %scan3A_101 : i32
    %scan3A_103 = arith.constant 1 : i32
    scf.for %scan3A_105 = %scan3A_100 to %scan3A_102 step %scan3A_103  : i32 {
      %mul3A_106 = arith.constant 128 : i32
      %mul3A_107 = arith.muli %scan3A_105, %mul3A_106 : i32
      %add3A_108 = arith.constant 0 : i32
      %add3A_109 = arith.addi %add3A_108, %mul3A_107 : i32
      %add3A_110 = arith.addi %mul3A_2, %add3A_109 : i32
      %add3A_111 = arith.addi %mul3A_2, %add3A_109 : i32
      "tpu.region"() ({
        %run_scoped3A = tpu.sem_alloc : memref<!tpu.dma_semaphore, #tpu.memory_space<semaphore_mem>>
        %dma_start3A_112 = arith.constant 0 : i32
        %dma_start3A_113 = tpu.memref_slice %arg4[%arg0, %add3A_111, %dma_start3A_112] : memref<2x10240x128xf32, #tpu.memory_space<hbm>> -> memref<1x128x128xf32, #tpu.memory_space<hbm>>
        %dma_start3A_114 = tpu.memref_squeeze %dma_start3A_113 : memref<1x128x128xf32, #tpu.memory_space<hbm>> -> memref<128x128xf32, #tpu.memory_space<hbm>>
        %dma_start3A_115 = arith.constant 0 : i32
        %dma_start3A_116 = tpu.memref_slice %arg15[%add3A_110, %dma_start3A_115] : memref<10240x128xf32, #tpu.memory_space<vmem_shared>> -> memref<128x128xf32, #tpu.memory_space<vmem_shared>>
        tpu.enqueue_dma source(%dma_start3A_116 : memref<128x128xf32, #tpu.memory_space<vmem_shared>>) target(%dma_start3A_114 : memref<128x128xf32, #tpu.memory_space<hbm>>) target_semaphore(%run_scoped3A : memref<!tpu.dma_semaphore, #tpu.memory_space<semaphore_mem>>)
        %dma_wait3A_117 = arith.constant 0 : i32
        %dma_wait3A_118 = tpu.memref_slice %arg4[%arg0, %add3A_111, %dma_wait3A_117] : memref<2x10240x128xf32, #tpu.memory_space<hbm>> -> memref<1x128x128xf32, #tpu.memory_space<hbm>>
        %dma_wait3A_119 = tpu.memref_squeeze %dma_wait3A_118 : memref<1x128x128xf32, #tpu.memory_space<hbm>> -> memref<128x128xf32, #tpu.memory_space<hbm>>
        %dma_wait3A_120 = arith.constant 0 : i32
        %dma_wait3A_121 = tpu.memref_slice %arg15[%add3A_110, %dma_wait3A_120] : memref<10240x128xf32, #tpu.memory_space<vmem_shared>> -> memref<128x128xf32, #tpu.memory_space<vmem_shared>>
        tpu.wait_dma2 semaphore(%run_scoped3A : memref<!tpu.dma_semaphore, #tpu.memory_space<semaphore_mem>>) src(%dma_wait3A_121 : memref<128x128xf32, #tpu.memory_space<vmem_shared>>) dst(%dma_wait3A_119 : memref<128x128xf32, #tpu.memory_space<hbm>>)
        tpu.yield
      }) : () -> ()
    }
    %scan3A_104 = arith.constant 5 : i32
    return
  }
}

#map = affine_map<(d0, d1) -> (0, 0)>
#map1 = affine_map<(d0, d1) -> (0, 0, 0)>
module attributes {stable_mosaic.version = 14 : i64} {
  func.func @body(%arg0: i32, %arg1: i32, %arg2: memref<10000x128xf32, #tpu.memory_space<hbm>>, %arg3: memref<48x159x128xi32, #tpu.memory_space<hbm>>, %arg4: memref<2x10240x128xf32, #tpu.memory_space<hbm>>, %arg5: memref<159x128xi32, #tpu.memory_space<vmem>>, %arg6: memref<64x128xf32, #tpu.memory_space<vmem>>, %arg7: memref<64x128xf32, #tpu.memory_space<vmem>>, %arg8: memref<64x128xf32, #tpu.memory_space<vmem>>, %arg9: memref<!tpu.dma_semaphore, #tpu.memory_space<semaphore_mem>>, %arg10: memref<!tpu.dma_semaphore, #tpu.memory_space<semaphore_mem>>, %arg11: memref<!tpu.dma_semaphore, #tpu.memory_space<semaphore_mem>>, %arg12: memref<!tpu.dma_semaphore, #tpu.memory_space<semaphore_mem>>, %arg13: memref<!tpu.dma_semaphore, #tpu.memory_space<semaphore_mem>>, %arg14: memref<!tpu.dma_semaphore, #tpu.memory_space<semaphore_mem>>, %arg15: memref<10240x128xf32, #tpu.memory_space<vmem_shared>>) attributes {dimension_semantics = [#tpu.dimension_semantics<core_parallel>, #tpu.dimension_semantics<subcore_parallel>], iteration_bounds = array<i64: 2, 16>, scalar_prefetch = 0 : i64, scratch_operands = 11 : i64, tpu.core_type = #tpu.core_type<sc_vector_subcore>, window_params = [{transform_indices = #map}, {transform_indices = #map1}, {transform_indices = #map1}]} {
    %mul3A = arith.constant 16 : i32
    %mul3A_0 = arith.muli %arg0, %mul3A : i32
    %add3A = arith.addi %mul3A_0, %arg1 : i32
    %mul3A_1 = arith.constant 640 : i32
    %mul3A_2 = arith.muli %arg1, %mul3A_1 : i32
    %scan3A = arith.constant 0 : i32
    %scan3A_3 = arith.constant 64 : i32
    %scan3A_4 = arith.addi %scan3A, %scan3A_3 : i32
    %scan3A_5 = arith.constant 1 : i32
    scf.for %scan3A_105 = %scan3A to %scan3A_4 step %scan3A_5  : i32 {
      %mul3A_106 = arith.constant 1 : i32
      %mul3A_107 = arith.muli %scan3A_105, %mul3A_106 : i32
      %add3A_108 = arith.constant 0 : i32
      %add3A_109 = arith.addi %add3A_108, %mul3A_107 : i32
      %scan3A_110 = arith.constant 0 : i32
      %scan3A_111 = arith.constant 8 : i32
      %scan3A_112 = arith.addi %scan3A_110, %scan3A_111 : i32
      %scan3A_113 = arith.constant 1 : i32
      scf.for %scan3A_115 = %scan3A_110 to %scan3A_112 step %scan3A_113  : i32 {
        %mul3A_116 = arith.constant 16 : i32
        %mul3A_117 = arith.muli %scan3A_115, %mul3A_116 : i32
        %add3A_118 = arith.constant 0 : i32
        %add3A_119 = arith.addi %add3A_118, %mul3A_117 : i32
        %broadcast_in_dim3A = arith.constant 0.000000e+00 : f32
        %broadcast_in_dim3A_120 = vector.broadcast %broadcast_in_dim3A : f32 to vector<16xf32>
        %swap3A = arith.index_cast %add3A_109 : i32 to index
        %swap3A_121 = arith.index_cast %add3A_119 : i32 to index
        %swap3A_122 = tpu.vector_load %arg6[%swap3A, %swap3A_121] {strides = array<i32>} : memref<64x128xf32, #tpu.memory_space<vmem>>, vector<1x16xf32>,
        %swap3A_123 = vector.shape_cast %swap3A_122 : vector<1x16xf32> to vector<16xf32>
        %swap3A_124 = vector.shape_cast %broadcast_in_dim3A_120 : vector<16xf32> to vector<1x16xf32>
        tpu.vector_store %arg6[%swap3A, %swap3A_121], %swap3A_124 {strides = array<i32>} : memref<64x128xf32, #tpu.memory_space<vmem>>, vector<1x16xf32>,
      }
      %scan3A_114 = arith.constant 8 : i32
    }
    %scan3A_6 = arith.constant 64 : i32
    %scan3A_7 = arith.constant 0 : i32
    %scan3A_8 = arith.constant 10 : i32
    %scan3A_9 = arith.addi %scan3A_7, %scan3A_8 : i32
    %scan3A_10 = arith.constant 1 : i32
    scf.for %scan3A_105 = %scan3A_7 to %scan3A_9 step %scan3A_10  : i32 {
      %mul3A_106 = arith.constant 64 : i32
      %mul3A_107 = arith.muli %scan3A_105, %mul3A_106 : i32
      %add3A_108 = arith.constant 0 : i32
      %add3A_109 = arith.addi %add3A_108, %mul3A_107 : i32
      %add3A_110 = arith.addi %mul3A_2, %add3A_109 : i32
      "tpu.region"() ({
        %run_scoped3A = tpu.sem_alloc : memref<!tpu.dma_semaphore, #tpu.memory_space<semaphore_mem>>
        %dma_start3A_111 = arith.constant 0 : i32
        %dma_start3A_112 = tpu.memref_slice %arg15[%add3A_110, %dma_start3A_111] : memref<10240x128xf32, #tpu.memory_space<vmem_shared>> -> memref<64x128xf32, #tpu.memory_space<vmem_shared>>
        %dma_start3A_113 = arith.constant 0 : i32
        %dma_start3A_114 = tpu.memref_slice %arg15[%add3A_110, %dma_start3A_113] : memref<10240x128xf32, #tpu.memory_space<vmem_shared>> -> memref<64x128xf32, #tpu.memory_space<vmem_shared>>
        tpu.enqueue_dma source(%arg6 : memref<64x128xf32, #tpu.memory_space<vmem>>) target(%dma_start3A_114 : memref<64x128xf32, #tpu.memory_space<vmem_shared>>) target_semaphore(%run_scoped3A : memref<!tpu.dma_semaphore, #tpu.memory_space<semaphore_mem>>)
        %dma_wait3A_115 = arith.constant 0 : i32
        %dma_wait3A_116 = tpu.memref_slice %arg15[%add3A_110, %dma_wait3A_115] : memref<10240x128xf32, #tpu.memory_space<vmem_shared>> -> memref<64x128xf32, #tpu.memory_space<vmem_shared>>
        %dma_wait3A_117 = arith.constant 0 : i32
        %dma_wait3A_118 = tpu.memref_slice %arg15[%add3A_110, %dma_wait3A_117] : memref<10240x128xf32, #tpu.memory_space<vmem_shared>> -> memref<64x128xf32, #tpu.memory_space<vmem_shared>>
        tpu.wait_dma2 semaphore(%run_scoped3A : memref<!tpu.dma_semaphore, #tpu.memory_space<semaphore_mem>>) src(%arg6 : memref<64x128xf32, #tpu.memory_space<vmem>>) dst(%dma_wait3A_118 : memref<64x128xf32, #tpu.memory_space<vmem_shared>>)
        tpu.yield
      }) : () -> ()
    }
    %scan3A_11 = arith.constant 10 : i32
    %barrier3A = arith.constant 0 : index
    tpu.barrier barrier_id(%barrier3A)
    "tpu.region"() ({
      %run_scoped3A = tpu.sem_alloc : memref<!tpu.dma_semaphore, #tpu.memory_space<semaphore_mem>>
      %dma_start3A_105 = arith.constant 0 : i32
      %dma_start3A_106 = arith.constant 0 : i32
      %dma_start3A_107 = tpu.memref_slice %arg3[%add3A, %dma_start3A_105, %dma_start3A_106] : memref<48x159x128xi32, #tpu.memory_space<hbm>> -> memref<1x159x128xi32, #tpu.memory_space<hbm>>
      %dma_start3A_108 = tpu.memref_squeeze %dma_start3A_107 : memref<1x159x128xi32, #tpu.memory_space<hbm>> -> memref<159x128xi32, #tpu.memory_space<hbm>>
      %dma_start3A_109 = arith.constant 0 : i32
      %dma_start3A_110 = arith.constant 0 : i32
      %dma_start3A_111 = tpu.memref_slice %arg3[%add3A, %dma_start3A_109, %dma_start3A_110] : memref<48x159x128xi32, #tpu.memory_space<hbm>> -> memref<1x159x128xi32, #tpu.memory_space<hbm>>
      %dma_start3A_112 = tpu.memref_squeeze %dma_start3A_111 : memref<1x159x128xi32, #tpu.memory_space<hbm>> -> memref<159x128xi32, #tpu.memory_space<hbm>>
      tpu.enqueue_dma source(%dma_start3A_112 : memref<159x128xi32, #tpu.memory_space<hbm>>) target(%arg5 : memref<159x128xi32, #tpu.memory_space<vmem>>) target_semaphore(%run_scoped3A : memref<!tpu.dma_semaphore, #tpu.memory_space<semaphore_mem>>)
      %dma_wait3A_113 = arith.constant 0 : i32
      %dma_wait3A_114 = arith.constant 0 : i32
      %dma_wait3A_115 = tpu.memref_slice %arg3[%add3A, %dma_wait3A_113, %dma_wait3A_114] : memref<48x159x128xi32, #tpu.memory_space<hbm>> -> memref<1x159x128xi32, #tpu.memory_space<hbm>>
      %dma_wait3A_116 = tpu.memref_squeeze %dma_wait3A_115 : memref<1x159x128xi32, #tpu.memory_space<hbm>> -> memref<159x128xi32, #tpu.memory_space<hbm>>
      %dma_wait3A_117 = arith.constant 0 : i32
      %dma_wait3A_118 = arith.constant 0 : i32
      %dma_wait3A_119 = tpu.memref_slice %arg3[%add3A, %dma_wait3A_117, %dma_wait3A_118] : memref<48x159x128xi32, #tpu.memory_space<hbm>> -> memref<1x159x128xi32, #tpu.memory_space<hbm>>
      %dma_wait3A_120 = tpu.memref_squeeze %dma_wait3A_119 : memref<1x159x128xi32, #tpu.memory_space<hbm>> -> memref<159x128xi32, #tpu.memory_space<hbm>>
      tpu.wait_dma2 semaphore(%run_scoped3A : memref<!tpu.dma_semaphore, #tpu.memory_space<semaphore_mem>>) src(%dma_wait3A_120 : memref<159x128xi32, #tpu.memory_space<hbm>>) dst(%arg5 : memref<159x128xi32, #tpu.memory_space<vmem>>)
      tpu.yield
    }) : () -> ()
    %dma_start3A = arith.constant 0 : i32
    %dma_start3A_12 = arith.constant 0 : i32
    %dma_start3A_13 = tpu.memref_slice %arg5[%dma_start3A, %dma_start3A_12] : memref<159x128xi32, #tpu.memory_space<vmem>> -> memref<1x64xi32, #tpu.memory_space<vmem>>
    %dma_start3A_14 = tpu.memref_squeeze %dma_start3A_13 : memref<1x64xi32, #tpu.memory_space<vmem>> -> memref<64xi32, #tpu.memory_space<vmem>>
    %dma_start3A_15 = arith.constant 0 : i32
    %dma_start3A_16 = arith.constant 0 : i32
    %dma_start3A_17 = tpu.memref_slice %arg2[%dma_start3A_15, %dma_start3A_16] : memref<10000x128xf32, #tpu.memory_space<hbm>> -> memref<10000x128xf32, #tpu.memory_space<hbm>>
    tpu.enqueue_indirect_dma source(%dma_start3A_17 : memref<10000x128xf32, #tpu.memory_space<hbm>>) target(%arg6 : memref<64x128xf32, #tpu.memory_space<vmem>>) offsets(%dma_start3A_14 : memref<64xi32, #tpu.memory_space<vmem>>) semaphore(%arg9 : memref<!tpu.dma_semaphore, #tpu.memory_space<semaphore_mem>>)
    %dma_start3A_18 = arith.constant 1 : i32
    %dma_start3A_19 = arith.constant 0 : i32
    %dma_start3A_20 = tpu.memref_slice %arg5[%dma_start3A_18, %dma_start3A_19] : memref<159x128xi32, #tpu.memory_space<vmem>> -> memref<1x64xi32, #tpu.memory_space<vmem>>
    %dma_start3A_21 = tpu.memref_squeeze %dma_start3A_20 : memref<1x64xi32, #tpu.memory_space<vmem>> -> memref<64xi32, #tpu.memory_space<vmem>>
    %dma_start3A_22 = arith.constant 0 : i32
    %dma_start3A_23 = arith.constant 0 : i32
    %dma_start3A_24 = tpu.memref_slice %arg2[%dma_start3A_22, %dma_start3A_23] : memref<10000x128xf32, #tpu.memory_space<hbm>> -> memref<10000x128xf32, #tpu.memory_space<hbm>>
    tpu.enqueue_indirect_dma source(%dma_start3A_24 : memref<10000x128xf32, #tpu.memory_space<hbm>>) target(%arg7 : memref<64x128xf32, #tpu.memory_space<vmem>>) offsets(%dma_start3A_21 : memref<64xi32, #tpu.memory_space<vmem>>) semaphore(%arg10 : memref<!tpu.dma_semaphore, #tpu.memory_space<semaphore_mem>>)
    %dma_start3A_25 = arith.constant 2 : i32
    %dma_start3A_26 = arith.constant 0 : i32
    %dma_start3A_27 = tpu.memref_slice %arg5[%dma_start3A_25, %dma_start3A_26] : memref<159x128xi32, #tpu.memory_space<vmem>> -> memref<1x64xi32, #tpu.memory_space<vmem>>
    %dma_start3A_28 = tpu.memref_squeeze %dma_start3A_27 : memref<1x64xi32, #tpu.memory_space<vmem>> -> memref<64xi32, #tpu.memory_space<vmem>>
    %dma_start3A_29 = arith.constant 0 : i32
    %dma_start3A_30 = arith.constant 0 : i32
    %dma_start3A_31 = tpu.memref_slice %arg2[%dma_start3A_29, %dma_start3A_30] : memref<10000x128xf32, #tpu.memory_space<hbm>> -> memref<10000x128xf32, #tpu.memory_space<hbm>>
    tpu.enqueue_indirect_dma source(%dma_start3A_31 : memref<10000x128xf32, #tpu.memory_space<hbm>>) target(%arg8 : memref<64x128xf32, #tpu.memory_space<vmem>>) offsets(%dma_start3A_28 : memref<64xi32, #tpu.memory_space<vmem>>) semaphore(%arg11 : memref<!tpu.dma_semaphore, #tpu.memory_space<semaphore_mem>>)
    %scan3A_32 = arith.constant 0 : i32
    %scan3A_33 = arith.constant 52 : i32
    %scan3A_34 = arith.addi %scan3A_32, %scan3A_33 : i32
    %scan3A_35 = arith.constant 1 : i32
    scf.for %scan3A_105 = %scan3A_32 to %scan3A_34 step %scan3A_35  : i32 {
      %mul3A_106 = arith.constant 3 : i32
      %mul3A_107 = arith.muli %scan3A_105, %mul3A_106 : i32
      %add3A_108 = arith.constant 0 : i32
      %add3A_109 = arith.addi %add3A_108, %mul3A_107 : i32
      %add3A_110 = arith.constant 0 : i32
      %add3A_111 = arith.addi %add3A_109, %add3A_110 : i32
      %dma_wait3A_112 = arith.constant 0 : i32
      %dma_wait3A_113 = tpu.memref_slice %arg5[%add3A_111, %dma_wait3A_112] : memref<159x128xi32, #tpu.memory_space<vmem>> -> memref<1x64xi32, #tpu.memory_space<vmem>>
      %dma_wait3A_114 = tpu.memref_squeeze %dma_wait3A_113 : memref<1x64xi32, #tpu.memory_space<vmem>> -> memref<64xi32, #tpu.memory_space<vmem>>
      %dma_wait3A_115 = arith.constant 0 : i32
      %dma_wait3A_116 = arith.constant 0 : i32
      %dma_wait3A_117 = tpu.memref_slice %arg2[%dma_wait3A_115, %dma_wait3A_116] : memref<10000x128xf32, #tpu.memory_space<hbm>> -> memref<10000x128xf32, #tpu.memory_space<hbm>>
      tpu.wait_indirect_dma semaphore(%arg9 : memref<!tpu.dma_semaphore, #tpu.memory_space<semaphore_mem>>) src(%dma_wait3A_117 : memref<10000x128xf32, #tpu.memory_space<hbm>>) dst(%arg6 : memref<64x128xf32, #tpu.memory_space<vmem>>)
      %add3A_118 = arith.constant 0 : i32
      %add3A_119 = arith.addi %add3A_109, %add3A_118 : i32
      %dma_start3A_120 = arith.constant 64 : i32
      %dma_start3A_121 = tpu.memref_slice %arg5[%add3A_119, %dma_start3A_120] : memref<159x128xi32, #tpu.memory_space<vmem>> -> memref<1x64xi32, #tpu.memory_space<vmem>>
      %dma_start3A_122 = tpu.memref_squeeze %dma_start3A_121 : memref<1x64xi32, #tpu.memory_space<vmem>> -> memref<64xi32, #tpu.memory_space<vmem>>
      %dma_start3A_123 = arith.constant 0 : i32
      %dma_start3A_124 = arith.constant 0 : i32
      %dma_start3A_125 = tpu.memref_slice %arg15[%dma_start3A_123, %dma_start3A_124] : memref<10240x128xf32, #tpu.memory_space<vmem_shared>> -> memref<10240x128xf32, #tpu.memory_space<vmem_shared>>
      tpu.enqueue_indirect_dma source(%arg6 : memref<64x128xf32, #tpu.memory_space<vmem>>) target(%dma_start3A_125 : memref<10240x128xf32, #tpu.memory_space<vmem_shared>>) offsets(%dma_start3A_122 : memref<64xi32, #tpu.memory_space<vmem>>) semaphore(%arg12 : memref<!tpu.dma_semaphore, #tpu.memory_space<semaphore_mem>>) {add = true}
      %add3A_126 = arith.constant 1 : i32
      %add3A_127 = arith.addi %add3A_109, %add3A_126 : i32
      %dma_wait3A_128 = arith.constant 0 : i32
      %dma_wait3A_129 = tpu.memref_slice %arg5[%add3A_127, %dma_wait3A_128] : memref<159x128xi32, #tpu.memory_space<vmem>> -> memref<1x64xi32, #tpu.memory_space<vmem>>
      %dma_wait3A_130 = tpu.memref_squeeze %dma_wait3A_129 : memref<1x64xi32, #tpu.memory_space<vmem>> -> memref<64xi32, #tpu.memory_space<vmem>>
      %dma_wait3A_131 = arith.constant 0 : i32
      %dma_wait3A_132 = arith.constant 0 : i32
      %dma_wait3A_133 = tpu.memref_slice %arg2[%dma_wait3A_131, %dma_wait3A_132] : memref<10000x128xf32, #tpu.memory_space<hbm>> -> memref<10000x128xf32, #tpu.memory_space<hbm>>
      tpu.wait_indirect_dma semaphore(%arg10 : memref<!tpu.dma_semaphore, #tpu.memory_space<semaphore_mem>>) src(%dma_wait3A_133 : memref<10000x128xf32, #tpu.memory_space<hbm>>) dst(%arg7 : memref<64x128xf32, #tpu.memory_space<vmem>>)
      %add3A_134 = arith.constant 1 : i32
      %add3A_135 = arith.addi %add3A_109, %add3A_134 : i32
      %dma_start3A_136 = arith.constant 64 : i32
      %dma_start3A_137 = tpu.memref_slice %arg5[%add3A_135, %dma_start3A_136] : memref<159x128xi32, #tpu.memory_space<vmem>> -> memref<1x64xi32, #tpu.memory_space<vmem>>
      %dma_start3A_138 = tpu.memref_squeeze %dma_start3A_137 : memref<1x64xi32, #tpu.memory_space<vmem>> -> memref<64xi32, #tpu.memory_space<vmem>>
      %dma_start3A_139 = arith.constant 0 : i32
      %dma_start3A_140 = arith.constant 0 : i32
      %dma_start3A_141 = tpu.memref_slice %arg15[%dma_start3A_139, %dma_start3A_140] : memref<10240x128xf32, #tpu.memory_space<vmem_shared>> -> memref<10240x128xf32, #tpu.memory_space<vmem_shared>>
      tpu.enqueue_indirect_dma source(%arg7 : memref<64x128xf32, #tpu.memory_space<vmem>>) target(%dma_start3A_141 : memref<10240x128xf32, #tpu.memory_space<vmem_shared>>) offsets(%dma_start3A_138 : memref<64xi32, #tpu.memory_space<vmem>>) semaphore(%arg13 : memref<!tpu.dma_semaphore, #tpu.memory_space<semaphore_mem>>) {add = true}
      %add3A_142 = arith.constant 2 : i32
      %add3A_143 = arith.addi %add3A_109, %add3A_142 : i32
      %dma_wait3A_144 = arith.constant 0 : i32
      %dma_wait3A_145 = tpu.memref_slice %arg5[%add3A_143, %dma_wait3A_144] : memref<159x128xi32, #tpu.memory_space<vmem>> -> memref<1x64xi32, #tpu.memory_space<vmem>>
      %dma_wait3A_146 = tpu.memref_squeeze %dma_wait3A_145 : memref<1x64xi32, #tpu.memory_space<vmem>> -> memref<64xi32, #tpu.memory_space<vmem>>
      %dma_wait3A_147 = arith.constant 0 : i32
      %dma_wait3A_148 = arith.constant 0 : i32
      %dma_wait3A_149 = tpu.memref_slice %arg2[%dma_wait3A_147, %dma_wait3A_148] : memref<10000x128xf32, #tpu.memory_space<hbm>> -> memref<10000x128xf32, #tpu.memory_space<hbm>>
      tpu.wait_indirect_dma semaphore(%arg11 : memref<!tpu.dma_semaphore, #tpu.memory_space<semaphore_mem>>) src(%dma_wait3A_149 : memref<10000x128xf32, #tpu.memory_space<hbm>>) dst(%arg8 : memref<64x128xf32, #tpu.memory_space<vmem>>)
      %add3A_150 = arith.constant 2 : i32
      %add3A_151 = arith.addi %add3A_109, %add3A_150 : i32
      %dma_start3A_152 = arith.constant 64 : i32
      %dma_start3A_153 = tpu.memref_slice %arg5[%add3A_151, %dma_start3A_152] : memref<159x128xi32, #tpu.memory_space<vmem>> -> memref<1x64xi32, #tpu.memory_space<vmem>>
      %dma_start3A_154 = tpu.memref_squeeze %dma_start3A_153 : memref<1x64xi32, #tpu.memory_space<vmem>> -> memref<64xi32, #tpu.memory_space<vmem>>
      %dma_start3A_155 = arith.constant 0 : i32
      %dma_start3A_156 = arith.constant 0 : i32
      %dma_start3A_157 = tpu.memref_slice %arg15[%dma_start3A_155, %dma_start3A_156] : memref<10240x128xf32, #tpu.memory_space<vmem_shared>> -> memref<10240x128xf32, #tpu.memory_space<vmem_shared>>
      tpu.enqueue_indirect_dma source(%arg8 : memref<64x128xf32, #tpu.memory_space<vmem>>) target(%dma_start3A_157 : memref<10240x128xf32, #tpu.memory_space<vmem_shared>>) offsets(%dma_start3A_154 : memref<64xi32, #tpu.memory_space<vmem>>) semaphore(%arg14 : memref<!tpu.dma_semaphore, #tpu.memory_space<semaphore_mem>>) {add = true}
      %add3A_158 = arith.constant 0 : i32
      %add3A_159 = arith.addi %add3A_109, %add3A_158 : i32
      %dma_wait3A_160 = arith.constant 64 : i32
      %dma_wait3A_161 = tpu.memref_slice %arg5[%add3A_159, %dma_wait3A_160] : memref<159x128xi32, #tpu.memory_space<vmem>> -> memref<1x64xi32, #tpu.memory_space<vmem>>
      %dma_wait3A_162 = tpu.memref_squeeze %dma_wait3A_161 : memref<1x64xi32, #tpu.memory_space<vmem>> -> memref<64xi32, #tpu.memory_space<vmem>>
      %dma_wait3A_163 = arith.constant 0 : i32
      %dma_wait3A_164 = arith.constant 0 : i32
      %dma_wait3A_165 = tpu.memref_slice %arg15[%dma_wait3A_163, %dma_wait3A_164] : memref<10240x128xf32, #tpu.memory_space<vmem_shared>> -> memref<10240x128xf32, #tpu.memory_space<vmem_shared>>
      tpu.wait_indirect_dma semaphore(%arg12 : memref<!tpu.dma_semaphore, #tpu.memory_space<semaphore_mem>>) src(%arg6 : memref<64x128xf32, #tpu.memory_space<vmem>>) dst(%dma_wait3A_165 : memref<10240x128xf32, #tpu.memory_space<vmem_shared>>)
      %add3A_166 = arith.constant 3 : i32
      %add3A_167 = arith.addi %add3A_109, %add3A_166 : i32
      %add3A_168 = arith.constant 0 : i32
      %add3A_169 = arith.addi %add3A_167, %add3A_168 : i32
      %dma_start3A_170 = arith.constant 0 : i32
      %dma_start3A_171 = tpu.memref_slice %arg5[%add3A_169, %dma_start3A_170] : memref<159x128xi32, #tpu.memory_space<vmem>> -> memref<1x64xi32, #tpu.memory_space<vmem>>
      %dma_start3A_172 = tpu.memref_squeeze %dma_start3A_171 : memref<1x64xi32, #tpu.memory_space<vmem>> -> memref<64xi32, #tpu.memory_space<vmem>>
      %dma_start3A_173 = arith.constant 0 : i32
      %dma_start3A_174 = arith.constant 0 : i32
      %dma_start3A_175 = tpu.memref_slice %arg2[%dma_start3A_173, %dma_start3A_174] : memref<10000x128xf32, #tpu.memory_space<hbm>> -> memref<10000x128xf32, #tpu.memory_space<hbm>>
      tpu.enqueue_indirect_dma source(%dma_start3A_175 : memref<10000x128xf32, #tpu.memory_space<hbm>>) target(%arg6 : memref<64x128xf32, #tpu.memory_space<vmem>>) offsets(%dma_start3A_172 : memref<64xi32, #tpu.memory_space<vmem>>) semaphore(%arg9 : memref<!tpu.dma_semaphore, #tpu.memory_space<semaphore_mem>>)
      %add3A_176 = arith.constant 1 : i32
      %add3A_177 = arith.addi %add3A_109, %add3A_176 : i32
      %dma_wait3A_178 = arith.constant 64 : i32
      %dma_wait3A_179 = tpu.memref_slice %arg5[%add3A_177, %dma_wait3A_178] : memref<159x128xi32, #tpu.memory_space<vmem>> -> memref<1x64xi32, #tpu.memory_space<vmem>>
      %dma_wait3A_180 = tpu.memref_squeeze %dma_wait3A_179 : memref<1x64xi32, #tpu.memory_space<vmem>> -> memref<64xi32, #tpu.memory_space<vmem>>
      %dma_wait3A_181 = arith.constant 0 : i32
      %dma_wait3A_182 = arith.constant 0 : i32
      %dma_wait3A_183 = tpu.memref_slice %arg15[%dma_wait3A_181, %dma_wait3A_182] : memref<10240x128xf32, #tpu.memory_space<vmem_shared>> -> memref<10240x128xf32, #tpu.memory_space<vmem_shared>>
      tpu.wait_indirect_dma semaphore(%arg13 : memref<!tpu.dma_semaphore, #tpu.memory_space<semaphore_mem>>) src(%arg7 : memref<64x128xf32, #tpu.memory_space<vmem>>) dst(%dma_wait3A_183 : memref<10240x128xf32, #tpu.memory_space<vmem_shared>>)
      %add3A_184 = arith.constant 3 : i32
      %add3A_185 = arith.addi %add3A_109, %add3A_184 : i32
      %add3A_186 = arith.constant 1 : i32
      %add3A_187 = arith.addi %add3A_185, %add3A_186 : i32
      %dma_start3A_188 = arith.constant 0 : i32
      %dma_start3A_189 = tpu.memref_slice %arg5[%add3A_187, %dma_start3A_188] : memref<159x128xi32, #tpu.memory_space<vmem>> -> memref<1x64xi32, #tpu.memory_space<vmem>>
      %dma_start3A_190 = tpu.memref_squeeze %dma_start3A_189 : memref<1x64xi32, #tpu.memory_space<vmem>> -> memref<64xi32, #tpu.memory_space<vmem>>
      %dma_start3A_191 = arith.constant 0 : i32
      %dma_start3A_192 = arith.constant 0 : i32
      %dma_start3A_193 = tpu.memref_slice %arg2[%dma_start3A_191, %dma_start3A_192] : memref<10000x128xf32, #tpu.memory_space<hbm>> -> memref<10000x128xf32, #tpu.memory_space<hbm>>
      tpu.enqueue_indirect_dma source(%dma_start3A_193 : memref<10000x128xf32, #tpu.memory_space<hbm>>) target(%arg7 : memref<64x128xf32, #tpu.memory_space<vmem>>) offsets(%dma_start3A_190 : memref<64xi32, #tpu.memory_space<vmem>>) semaphore(%arg10 : memref<!tpu.dma_semaphore, #tpu.memory_space<semaphore_mem>>)
      %add3A_194 = arith.constant 2 : i32
      %add3A_195 = arith.addi %add3A_109, %add3A_194 : i32
      %dma_wait3A_196 = arith.constant 64 : i32
      %dma_wait3A_197 = tpu.memref_slice %arg5[%add3A_195, %dma_wait3A_196] : memref<159x128xi32, #tpu.memory_space<vmem>> -> memref<1x64xi32, #tpu.memory_space<vmem>>
      %dma_wait3A_198 = tpu.memref_squeeze %dma_wait3A_197 : memref<1x64xi32, #tpu.memory_space<vmem>> -> memref<64xi32, #tpu.memory_space<vmem>>
      %dma_wait3A_199 = arith.constant 0 : i32
      %dma_wait3A_200 = arith.constant 0 : i32
      %dma_wait3A_201 = tpu.memref_slice %arg15[%dma_wait3A_199, %dma_wait3A_200] : memref<10240x128xf32, #tpu.memory_space<vmem_shared>> -> memref<10240x128xf32, #tpu.memory_space<vmem_shared>>
      tpu.wait_indirect_dma semaphore(%arg14 : memref<!tpu.dma_semaphore, #tpu.memory_space<semaphore_mem>>) src(%arg8 : memref<64x128xf32, #tpu.memory_space<vmem>>) dst(%dma_wait3A_201 : memref<10240x128xf32, #tpu.memory_space<vmem_shared>>)
      %add3A_202 = arith.constant 3 : i32
      %add3A_203 = arith.addi %add3A_109, %add3A_202 : i32
      %add3A_204 = arith.constant 2 : i32
      %add3A_205 = arith.addi %add3A_203, %add3A_204 : i32
      %dma_start3A_206 = arith.constant 0 : i32
      %dma_start3A_207 = tpu.memref_slice %arg5[%add3A_205, %dma_start3A_206] : memref<159x128xi32, #tpu.memory_space<vmem>> -> memref<1x64xi32, #tpu.memory_space<vmem>>
      %dma_start3A_208 = tpu.memref_squeeze %dma_start3A_207 : memref<1x64xi32, #tpu.memory_space<vmem>> -> memref<64xi32, #tpu.memory_space<vmem>>
      %dma_start3A_209 = arith.constant 0 : i32
      %dma_start3A_210 = arith.constant 0 : i32
      %dma_start3A_211 = tpu.memref_slice %arg2[%dma_start3A_209, %dma_start3A_210] : memref<10000x128xf32, #tpu.memory_space<hbm>> -> memref<10000x128xf32, #tpu.memory_space<hbm>>
      tpu.enqueue_indirect_dma source(%dma_start3A_211 : memref<10000x128xf32, #tpu.memory_space<hbm>>) target(%arg8 : memref<64x128xf32, #tpu.memory_space<vmem>>) offsets(%dma_start3A_208 : memref<64xi32, #tpu.memory_space<vmem>>) semaphore(%arg11 : memref<!tpu.dma_semaphore, #tpu.memory_space<semaphore_mem>>)
    }
    %scan3A_36 = arith.constant 52 : i32
    %dma_wait3A = arith.constant 156 : i32
    %dma_wait3A_37 = arith.constant 0 : i32
    %dma_wait3A_38 = tpu.memref_slice %arg5[%dma_wait3A, %dma_wait3A_37] : memref<159x128xi32, #tpu.memory_space<vmem>> -> memref<1x64xi32, #tpu.memory_space<vmem>>
    %dma_wait3A_39 = tpu.memref_squeeze %dma_wait3A_38 : memref<1x64xi32, #tpu.memory_space<vmem>> -> memref<64xi32, #tpu.memory_space<vmem>>
    %dma_wait3A_40 = arith.constant 0 : i32
    %dma_wait3A_41 = arith.constant 0 : i32
    %dma_wait3A_42 = tpu.memref_slice %arg2[%dma_wait3A_40, %dma_wait3A_41] : memref<10000x128xf32, #tpu.memory_space<hbm>> -> memref<10000x128xf32, #tpu.memory_space<hbm>>
    tpu.wait_indirect_dma semaphore(%arg9 : memref<!tpu.dma_semaphore, #tpu.memory_space<semaphore_mem>>) src(%dma_wait3A_42 : memref<10000x128xf32, #tpu.memory_space<hbm>>) dst(%arg6 : memref<64x128xf32, #tpu.memory_space<vmem>>)
    %dma_start3A_43 = arith.constant 156 : i32
    %dma_start3A_44 = arith.constant 64 : i32
    %dma_start3A_45 = tpu.memref_slice %arg5[%dma_start3A_43, %dma_start3A_44] : memref<159x128xi32, #tpu.memory_space<vmem>> -> memref<1x64xi32, #tpu.memory_space<vmem>>
    %dma_start3A_46 = tpu.memref_squeeze %dma_start3A_45 : memref<1x64xi32, #tpu.memory_space<vmem>> -> memref<64xi32, #tpu.memory_space<vmem>>
    %dma_start3A_47 = arith.constant 0 : i32
    %dma_start3A_48 = arith.constant 0 : i32
    %dma_start3A_49 = tpu.memref_slice %arg15[%dma_start3A_47, %dma_start3A_48] : memref<10240x128xf32, #tpu.memory_space<vmem_shared>> -> memref<10240x128xf32, #tpu.memory_space<vmem_shared>>
    tpu.enqueue_indirect_dma source(%arg6 : memref<64x128xf32, #tpu.memory_space<vmem>>) target(%dma_start3A_49 : memref<10240x128xf32, #tpu.memory_space<vmem_shared>>) offsets(%dma_start3A_46 : memref<64xi32, #tpu.memory_space<vmem>>) semaphore(%arg12 : memref<!tpu.dma_semaphore, #tpu.memory_space<semaphore_mem>>) {add = true}
    %dma_wait3A_50 = arith.constant 157 : i32
    %dma_wait3A_51 = arith.constant 0 : i32
    %dma_wait3A_52 = tpu.memref_slice %arg5[%dma_wait3A_50, %dma_wait3A_51] : memref<159x128xi32, #tpu.memory_space<vmem>> -> memref<1x64xi32, #tpu.memory_space<vmem>>
    %dma_wait3A_53 = tpu.memref_squeeze %dma_wait3A_52 : memref<1x64xi32, #tpu.memory_space<vmem>> -> memref<64xi32, #tpu.memory_space<vmem>>
    %dma_wait3A_54 = arith.constant 0 : i32
    %dma_wait3A_55 = arith.constant 0 : i32
    %dma_wait3A_56 = tpu.memref_slice %arg2[%dma_wait3A_54, %dma_wait3A_55] : memref<10000x128xf32, #tpu.memory_space<hbm>> -> memref<10000x128xf32, #tpu.memory_space<hbm>>
    tpu.wait_indirect_dma semaphore(%arg10 : memref<!tpu.dma_semaphore, #tpu.memory_space<semaphore_mem>>) src(%dma_wait3A_56 : memref<10000x128xf32, #tpu.memory_space<hbm>>) dst(%arg7 : memref<64x128xf32, #tpu.memory_space<vmem>>)
    %dma_start3A_57 = arith.constant 157 : i32
    %dma_start3A_58 = arith.constant 64 : i32
    %dma_start3A_59 = tpu.memref_slice %arg5[%dma_start3A_57, %dma_start3A_58] : memref<159x128xi32, #tpu.memory_space<vmem>> -> memref<1x64xi32, #tpu.memory_space<vmem>>
    %dma_start3A_60 = tpu.memref_squeeze %dma_start3A_59 : memref<1x64xi32, #tpu.memory_space<vmem>> -> memref<64xi32, #tpu.memory_space<vmem>>
    %dma_start3A_61 = arith.constant 0 : i32
    %dma_start3A_62 = arith.constant 0 : i32
    %dma_start3A_63 = tpu.memref_slice %arg15[%dma_start3A_61, %dma_start3A_62] : memref<10240x128xf32, #tpu.memory_space<vmem_shared>> -> memref<10240x128xf32, #tpu.memory_space<vmem_shared>>
    tpu.enqueue_indirect_dma source(%arg7 : memref<64x128xf32, #tpu.memory_space<vmem>>) target(%dma_start3A_63 : memref<10240x128xf32, #tpu.memory_space<vmem_shared>>) offsets(%dma_start3A_60 : memref<64xi32, #tpu.memory_space<vmem>>) semaphore(%arg13 : memref<!tpu.dma_semaphore, #tpu.memory_space<semaphore_mem>>) {add = true}
    %dma_wait3A_64 = arith.constant 158 : i32
    %dma_wait3A_65 = arith.constant 0 : i32
    %dma_wait3A_66 = tpu.memref_slice %arg5[%dma_wait3A_64, %dma_wait3A_65] : memref<159x128xi32, #tpu.memory_space<vmem>> -> memref<1x64xi32, #tpu.memory_space<vmem>>
    %dma_wait3A_67 = tpu.memref_squeeze %dma_wait3A_66 : memref<1x64xi32, #tpu.memory_space<vmem>> -> memref<64xi32, #tpu.memory_space<vmem>>
    %dma_wait3A_68 = arith.constant 0 : i32
    %dma_wait3A_69 = arith.constant 0 : i32
    %dma_wait3A_70 = tpu.memref_slice %arg2[%dma_wait3A_68, %dma_wait3A_69] : memref<10000x128xf32, #tpu.memory_space<hbm>> -> memref<10000x128xf32, #tpu.memory_space<hbm>>
    tpu.wait_indirect_dma semaphore(%arg11 : memref<!tpu.dma_semaphore, #tpu.memory_space<semaphore_mem>>) src(%dma_wait3A_70 : memref<10000x128xf32, #tpu.memory_space<hbm>>) dst(%arg8 : memref<64x128xf32, #tpu.memory_space<vmem>>)
    %dma_start3A_71 = arith.constant 158 : i32
    %dma_start3A_72 = arith.constant 64 : i32
    %dma_start3A_73 = tpu.memref_slice %arg5[%dma_start3A_71, %dma_start3A_72] : memref<159x128xi32, #tpu.memory_space<vmem>> -> memref<1x64xi32, #tpu.memory_space<vmem>>
    %dma_start3A_74 = tpu.memref_squeeze %dma_start3A_73 : memref<1x64xi32, #tpu.memory_space<vmem>> -> memref<64xi32, #tpu.memory_space<vmem>>
    %dma_start3A_75 = arith.constant 0 : i32
    %dma_start3A_76 = arith.constant 0 : i32
    %dma_start3A_77 = tpu.memref_slice %arg15[%dma_start3A_75, %dma_start3A_76] : memref<10240x128xf32, #tpu.memory_space<vmem_shared>> -> memref<10240x128xf32, #tpu.memory_space<vmem_shared>>
    tpu.enqueue_indirect_dma source(%arg8 : memref<64x128xf32, #tpu.memory_space<vmem>>) target(%dma_start3A_77 : memref<10240x128xf32, #tpu.memory_space<vmem_shared>>) offsets(%dma_start3A_74 : memref<64xi32, #tpu.memory_space<vmem>>) semaphore(%arg14 : memref<!tpu.dma_semaphore, #tpu.memory_space<semaphore_mem>>) {add = true}
    %dma_wait3A_78 = arith.constant 156 : i32
    %dma_wait3A_79 = arith.constant 64 : i32
    %dma_wait3A_80 = tpu.memref_slice %arg5[%dma_wait3A_78, %dma_wait3A_79] : memref<159x128xi32, #tpu.memory_space<vmem>> -> memref<1x64xi32, #tpu.memory_space<vmem>>
    %dma_wait3A_81 = tpu.memref_squeeze %dma_wait3A_80 : memref<1x64xi32, #tpu.memory_space<vmem>> -> memref<64xi32, #tpu.memory_space<vmem>>
    %dma_wait3A_82 = arith.constant 0 : i32
    %dma_wait3A_83 = arith.constant 0 : i32
    %dma_wait3A_84 = tpu.memref_slice %arg15[%dma_wait3A_82, %dma_wait3A_83] : memref<10240x128xf32, #tpu.memory_space<vmem_shared>> -> memref<10240x128xf32, #tpu.memory_space<vmem_shared>>
    tpu.wait_indirect_dma semaphore(%arg12 : memref<!tpu.dma_semaphore, #tpu.memory_space<semaphore_mem>>) src(%arg6 : memref<64x128xf32, #tpu.memory_space<vmem>>) dst(%dma_wait3A_84 : memref<10240x128xf32, #tpu.memory_space<vmem_shared>>)
    %dma_wait3A_85 = arith.constant 157 : i32
    %dma_wait3A_86 = arith.constant 64 : i32
    %dma_wait3A_87 = tpu.memref_slice %arg5[%dma_wait3A_85, %dma_wait3A_86] : memref<159x128xi32, #tpu.memory_space<vmem>> -> memref<1x64xi32, #tpu.memory_space<vmem>>
    %dma_wait3A_88 = tpu.memref_squeeze %dma_wait3A_87 : memref<1x64xi32, #tpu.memory_space<vmem>> -> memref<64xi32, #tpu.memory_space<vmem>>
    %dma_wait3A_89 = arith.constant 0 : i32
    %dma_wait3A_90 = arith.constant 0 : i32
    %dma_wait3A_91 = tpu.memref_slice %arg15[%dma_wait3A_89, %dma_wait3A_90] : memref<10240x128xf32, #tpu.memory_space<vmem_shared>> -> memref<10240x128xf32, #tpu.memory_space<vmem_shared>>
    tpu.wait_indirect_dma semaphore(%arg13 : memref<!tpu.dma_semaphore, #tpu.memory_space<semaphore_mem>>) src(%arg7 : memref<64x128xf32, #tpu.memory_space<vmem>>) dst(%dma_wait3A_91 : memref<10240x128xf32, #tpu.memory_space<vmem_shared>>)
    %dma_wait3A_92 = arith.constant 158 : i32
    %dma_wait3A_93 = arith.constant 64 : i32
    %dma_wait3A_94 = tpu.memref_slice %arg5[%dma_wait3A_92, %dma_wait3A_93] : memref<159x128xi32, #tpu.memory_space<vmem>> -> memref<1x64xi32, #tpu.memory_space<vmem>>
    %dma_wait3A_95 = tpu.memref_squeeze %dma_wait3A_94 : memref<1x64xi32, #tpu.memory_space<vmem>> -> memref<64xi32, #tpu.memory_space<vmem>>
    %dma_wait3A_96 = arith.constant 0 : i32
    %dma_wait3A_97 = arith.constant 0 : i32
    %dma_wait3A_98 = tpu.memref_slice %arg15[%dma_wait3A_96, %dma_wait3A_97] : memref<10240x128xf32, #tpu.memory_space<vmem_shared>> -> memref<10240x128xf32, #tpu.memory_space<vmem_shared>>
    tpu.wait_indirect_dma semaphore(%arg14 : memref<!tpu.dma_semaphore, #tpu.memory_space<semaphore_mem>>) src(%arg8 : memref<64x128xf32, #tpu.memory_space<vmem>>) dst(%dma_wait3A_98 : memref<10240x128xf32, #tpu.memory_space<vmem_shared>>)
    %barrier3A_99 = arith.constant 0 : index
    tpu.barrier barrier_id(%barrier3A_99)
    %scan3A_100 = arith.constant 0 : i32
    %scan3A_101 = arith.constant 5 : i32
    %scan3A_102 = arith.addi %scan3A_100, %scan3A_101 : i32
    %scan3A_103 = arith.constant 1 : i32
    scf.for %scan3A_105 = %scan3A_100 to %scan3A_102 step %scan3A_103  : i32 {
      %mul3A_106 = arith.constant 128 : i32
      %mul3A_107 = arith.muli %scan3A_105, %mul3A_106 : i32
      %add3A_108 = arith.constant 0 : i32
      %add3A_109 = arith.addi %add3A_108, %mul3A_107 : i32
      %add3A_110 = arith.addi %mul3A_2, %add3A_109 : i32
      %add3A_111 = arith.addi %mul3A_2, %add3A_109 : i32
      "tpu.region"() ({
        %run_scoped3A = tpu.sem_alloc : memref<!tpu.dma_semaphore, #tpu.memory_space<semaphore_mem>>
        %dma_start3A_112 = arith.constant 0 : i32
        %dma_start3A_113 = tpu.memref_slice %arg4[%arg0, %add3A_111, %dma_start3A_112] : memref<2x10240x128xf32, #tpu.memory_space<hbm>> -> memref<1x128x128xf32, #tpu.memory_space<hbm>>
        %dma_start3A_114 = tpu.memref_squeeze %dma_start3A_113 : memref<1x128x128xf32, #tpu.memory_space<hbm>> -> memref<128x128xf32, #tpu.memory_space<hbm>>
        %dma_start3A_115 = arith.constant 0 : i32
        %dma_start3A_116 = tpu.memref_slice %arg15[%add3A_110, %dma_start3A_115] : memref<10240x128xf32, #tpu.memory_space<vmem_shared>> -> memref<128x128xf32, #tpu.memory_space<vmem_shared>>
        tpu.enqueue_dma source(%dma_start3A_116 : memref<128x128xf32, #tpu.memory_space<vmem_shared>>) target(%dma_start3A_114 : memref<128x128xf32, #tpu.memory_space<hbm>>) target_semaphore(%run_scoped3A : memref<!tpu.dma_semaphore, #tpu.memory_space<semaphore_mem>>)
        %dma_wait3A_117 = arith.constant 0 : i32
        %dma_wait3A_118 = tpu.memref_slice %arg4[%arg0, %add3A_111, %dma_wait3A_117] : memref<2x10240x128xf32, #tpu.memory_space<hbm>> -> memref<1x128x128xf32, #tpu.memory_space<hbm>>
        %dma_wait3A_119 = tpu.memref_squeeze %dma_wait3A_118 : memref<1x128x128xf32, #tpu.memory_space<hbm>> -> memref<128x128xf32, #tpu.memory_space<hbm>>
        %dma_wait3A_120 = arith.constant 0 : i32
        %dma_wait3A_121 = tpu.memref_slice %arg15[%add3A_110, %dma_wait3A_120] : memref<10240x128xf32, #tpu.memory_space<vmem_shared>> -> memref<128x128xf32, #tpu.memory_space<vmem_shared>>
        tpu.wait_dma2 semaphore(%run_scoped3A : memref<!tpu.dma_semaphore, #tpu.memory_space<semaphore_mem>>) src(%dma_wait3A_121 : memref<128x128xf32, #tpu.memory_space<vmem_shared>>) dst(%dma_wait3A_119 : memref<128x128xf32, #tpu.memory_space<hbm>>)
        tpu.yield
      }) : () -> ()
    }
    %scan3A_104 = arith.constant 5 : i32
    return
  }
}

#map = affine_map<(d0, d1) -> (0, 0)>
#map1 = affine_map<(d0, d1) -> (0, 0, 0)>
module attributes {stable_mosaic.version = 14 : i64} {
  func.func @body(%arg0: i32, %arg1: i32, %arg2: memref<10000x128xf32, #tpu.memory_space<hbm>>, %arg3: memref<48x159x128xi32, #tpu.memory_space<hbm>>, %arg4: memref<2x10240x128xf32, #tpu.memory_space<hbm>>, %arg5: memref<159x128xi32, #tpu.memory_space<vmem>>, %arg6: memref<64x128xf32, #tpu.memory_space<vmem>>, %arg7: memref<64x128xf32, #tpu.memory_space<vmem>>, %arg8: memref<64x128xf32, #tpu.memory_space<vmem>>, %arg9: memref<!tpu.dma_semaphore, #tpu.memory_space<semaphore_mem>>, %arg10: memref<!tpu.dma_semaphore, #tpu.memory_space<semaphore_mem>>, %arg11: memref<!tpu.dma_semaphore, #tpu.memory_space<semaphore_mem>>, %arg12: memref<!tpu.dma_semaphore, #tpu.memory_space<semaphore_mem>>, %arg13: memref<!tpu.dma_semaphore, #tpu.memory_space<semaphore_mem>>, %arg14: memref<!tpu.dma_semaphore, #tpu.memory_space<semaphore_mem>>, %arg15: memref<10240x128xf32, #tpu.memory_space<vmem_shared>>) attributes {dimension_semantics = [#tpu.dimension_semantics<core_parallel>, #tpu.dimension_semantics<subcore_parallel>], iteration_bounds = array<i64: 2, 16>, scalar_prefetch = 0 : i64, scratch_operands = 11 : i64, tpu.core_type = #tpu.core_type<sc_vector_subcore>, window_params = [{transform_indices = #map}, {transform_indices = #map1}, {transform_indices = #map1}]} {
    %mul3A = arith.constant 16 : i32
    %mul3A_0 = arith.muli %arg0, %mul3A : i32
    %add3A = arith.addi %mul3A_0, %arg1 : i32
    %mul3A_1 = arith.constant 640 : i32
    %mul3A_2 = arith.muli %arg1, %mul3A_1 : i32
    %scan3A = arith.constant 0 : i32
    %scan3A_3 = arith.constant 64 : i32
    %scan3A_4 = arith.addi %scan3A, %scan3A_3 : i32
    %scan3A_5 = arith.constant 1 : i32
    scf.for %scan3A_105 = %scan3A to %scan3A_4 step %scan3A_5  : i32 {
      %mul3A_106 = arith.constant 1 : i32
      %mul3A_107 = arith.muli %scan3A_105, %mul3A_106 : i32
      %add3A_108 = arith.constant 0 : i32
      %add3A_109 = arith.addi %add3A_108, %mul3A_107 : i32
      %scan3A_110 = arith.constant 0 : i32
      %scan3A_111 = arith.constant 8 : i32
      %scan3A_112 = arith.addi %scan3A_110, %scan3A_111 : i32
      %scan3A_113 = arith.constant 1 : i32
      scf.for %scan3A_115 = %scan3A_110 to %scan3A_112 step %scan3A_113  : i32 {
        %mul3A_116 = arith.constant 16 : i32
        %mul3A_117 = arith.muli %scan3A_115, %mul3A_116 : i32
        %add3A_118 = arith.constant 0 : i32
        %add3A_119 = arith.addi %add3A_118, %mul3A_117 : i32
        %broadcast_in_dim3A = arith.constant 0.000000e+00 : f32
        %broadcast_in_dim3A_120 = vector.broadcast %broadcast_in_dim3A : f32 to vector<16xf32>
        %swap3A = arith.index_cast %add3A_109 : i32 to index
        %swap3A_121 = arith.index_cast %add3A_119 : i32 to index
        %swap3A_122 = tpu.vector_load %arg6[%swap3A, %swap3A_121] {strides = array<i32>} : memref<64x128xf32, #tpu.memory_space<vmem>>, vector<1x16xf32>,
        %swap3A_123 = vector.shape_cast %swap3A_122 : vector<1x16xf32> to vector<16xf32>
        %swap3A_124 = vector.shape_cast %broadcast_in_dim3A_120 : vector<16xf32> to vector<1x16xf32>
        tpu.vector_store %arg6[%swap3A, %swap3A_121], %swap3A_124 {strides = array<i32>} : memref<64x128xf32, #tpu.memory_space<vmem>>, vector<1x16xf32>,
      }
      %scan3A_114 = arith.constant 8 : i32
    }
    %scan3A_6 = arith.constant 64 : i32
    %scan3A_7 = arith.constant 0 : i32
    %scan3A_8 = arith.constant 10 : i32
    %scan3A_9 = arith.addi %scan3A_7, %scan3A_8 : i32
    %scan3A_10 = arith.constant 1 : i32
    scf.for %scan3A_105 = %scan3A_7 to %scan3A_9 step %scan3A_10  : i32 {
      %mul3A_106 = arith.constant 64 : i32
      %mul3A_107 = arith.muli %scan3A_105, %mul3A_106 : i32
      %add3A_108 = arith.constant 0 : i32
      %add3A_109 = arith.addi %add3A_108, %mul3A_107 : i32
      %add3A_110 = arith.addi %mul3A_2, %add3A_109 : i32
      "tpu.region"() ({
        %run_scoped3A = tpu.sem_alloc : memref<!tpu.dma_semaphore, #tpu.memory_space<semaphore_mem>>
        %dma_start3A_111 = arith.constant 0 : i32
        %dma_start3A_112 = tpu.memref_slice %arg15[%add3A_110, %dma_start3A_111] : memref<10240x128xf32, #tpu.memory_space<vmem_shared>> -> memref<64x128xf32, #tpu.memory_space<vmem_shared>>
        %dma_start3A_113 = arith.constant 0 : i32
        %dma_start3A_114 = tpu.memref_slice %arg15[%add3A_110, %dma_start3A_113] : memref<10240x128xf32, #tpu.memory_space<vmem_shared>> -> memref<64x128xf32, #tpu.memory_space<vmem_shared>>
        tpu.enqueue_dma source(%arg6 : memref<64x128xf32, #tpu.memory_space<vmem>>) target(%dma_start3A_114 : memref<64x128xf32, #tpu.memory_space<vmem_shared>>) target_semaphore(%run_scoped3A : memref<!tpu.dma_semaphore, #tpu.memory_space<semaphore_mem>>)
        %dma_wait3A_115 = arith.constant 0 : i32
        %dma_wait3A_116 = tpu.memref_slice %arg15[%add3A_110, %dma_wait3A_115] : memref<10240x128xf32, #tpu.memory_space<vmem_shared>> -> memref<64x128xf32, #tpu.memory_space<vmem_shared>>
        %dma_wait3A_117 = arith.constant 0 : i32
        %dma_wait3A_118 = tpu.memref_slice %arg15[%add3A_110, %dma_wait3A_117] : memref<10240x128xf32, #tpu.memory_space<vmem_shared>> -> memref<64x128xf32, #tpu.memory_space<vmem_shared>>
        tpu.wait_dma2 semaphore(%run_scoped3A : memref<!tpu.dma_semaphore, #tpu.memory_space<semaphore_mem>>) src(%arg6 : memref<64x128xf32, #tpu.memory_space<vmem>>) dst(%dma_wait3A_118 : memref<64x128xf32, #tpu.memory_space<vmem_shared>>)
        tpu.yield
      }) : () -> ()
    }
    %scan3A_11 = arith.constant 10 : i32
    %barrier3A = arith.constant 0 : index
    tpu.barrier barrier_id(%barrier3A)
    "tpu.region"() ({
      %run_scoped3A = tpu.sem_alloc : memref<!tpu.dma_semaphore, #tpu.memory_space<semaphore_mem>>
      %dma_start3A_105 = arith.constant 0 : i32
      %dma_start3A_106 = arith.constant 0 : i32
      %dma_start3A_107 = tpu.memref_slice %arg3[%add3A, %dma_start3A_105, %dma_start3A_106] : memref<48x159x128xi32, #tpu.memory_space<hbm>> -> memref<1x159x128xi32, #tpu.memory_space<hbm>>
      %dma_start3A_108 = tpu.memref_squeeze %dma_start3A_107 : memref<1x159x128xi32, #tpu.memory_space<hbm>> -> memref<159x128xi32, #tpu.memory_space<hbm>>
      %dma_start3A_109 = arith.constant 0 : i32
      %dma_start3A_110 = arith.constant 0 : i32
      %dma_start3A_111 = tpu.memref_slice %arg3[%add3A, %dma_start3A_109, %dma_start3A_110] : memref<48x159x128xi32, #tpu.memory_space<hbm>> -> memref<1x159x128xi32, #tpu.memory_space<hbm>>
      %dma_start3A_112 = tpu.memref_squeeze %dma_start3A_111 : memref<1x159x128xi32, #tpu.memory_space<hbm>> -> memref<159x128xi32, #tpu.memory_space<hbm>>
      tpu.enqueue_dma source(%dma_start3A_112 : memref<159x128xi32, #tpu.memory_space<hbm>>) target(%arg5 : memref<159x128xi32, #tpu.memory_space<vmem>>) target_semaphore(%run_scoped3A : memref<!tpu.dma_semaphore, #tpu.memory_space<semaphore_mem>>)
      %dma_wait3A_113 = arith.constant 0 : i32
      %dma_wait3A_114 = arith.constant 0 : i32
      %dma_wait3A_115 = tpu.memref_slice %arg3[%add3A, %dma_wait3A_113, %dma_wait3A_114] : memref<48x159x128xi32, #tpu.memory_space<hbm>> -> memref<1x159x128xi32, #tpu.memory_space<hbm>>
      %dma_wait3A_116 = tpu.memref_squeeze %dma_wait3A_115 : memref<1x159x128xi32, #tpu.memory_space<hbm>> -> memref<159x128xi32, #tpu.memory_space<hbm>>
      %dma_wait3A_117 = arith.constant 0 : i32
      %dma_wait3A_118 = arith.constant 0 : i32
      %dma_wait3A_119 = tpu.memref_slice %arg3[%add3A, %dma_wait3A_117, %dma_wait3A_118] : memref<48x159x128xi32, #tpu.memory_space<hbm>> -> memref<1x159x128xi32, #tpu.memory_space<hbm>>
      %dma_wait3A_120 = tpu.memref_squeeze %dma_wait3A_119 : memref<1x159x128xi32, #tpu.memory_space<hbm>> -> memref<159x128xi32, #tpu.memory_space<hbm>>
      tpu.wait_dma2 semaphore(%run_scoped3A : memref<!tpu.dma_semaphore, #tpu.memory_space<semaphore_mem>>) src(%dma_wait3A_120 : memref<159x128xi32, #tpu.memory_space<hbm>>) dst(%arg5 : memref<159x128xi32, #tpu.memory_space<vmem>>)
      tpu.yield
    }) : () -> ()
    %dma_start3A = arith.constant 0 : i32
    %dma_start3A_12 = arith.constant 0 : i32
    %dma_start3A_13 = tpu.memref_slice %arg5[%dma_start3A, %dma_start3A_12] : memref<159x128xi32, #tpu.memory_space<vmem>> -> memref<1x64xi32, #tpu.memory_space<vmem>>
    %dma_start3A_14 = tpu.memref_squeeze %dma_start3A_13 : memref<1x64xi32, #tpu.memory_space<vmem>> -> memref<64xi32, #tpu.memory_space<vmem>>
    %dma_start3A_15 = arith.constant 0 : i32
    %dma_start3A_16 = arith.constant 0 : i32
    %dma_start3A_17 = tpu.memref_slice %arg2[%dma_start3A_15, %dma_start3A_16] : memref<10000x128xf32, #tpu.memory_space<hbm>> -> memref<10000x128xf32, #tpu.memory_space<hbm>>
    tpu.enqueue_indirect_dma source(%dma_start3A_17 : memref<10000x128xf32, #tpu.memory_space<hbm>>) target(%arg6 : memref<64x128xf32, #tpu.memory_space<vmem>>) offsets(%dma_start3A_14 : memref<64xi32, #tpu.memory_space<vmem>>) semaphore(%arg9 : memref<!tpu.dma_semaphore, #tpu.memory_space<semaphore_mem>>)
    %dma_start3A_18 = arith.constant 1 : i32
    %dma_start3A_19 = arith.constant 0 : i32
    %dma_start3A_20 = tpu.memref_slice %arg5[%dma_start3A_18, %dma_start3A_19] : memref<159x128xi32, #tpu.memory_space<vmem>> -> memref<1x64xi32, #tpu.memory_space<vmem>>
    %dma_start3A_21 = tpu.memref_squeeze %dma_start3A_20 : memref<1x64xi32, #tpu.memory_space<vmem>> -> memref<64xi32, #tpu.memory_space<vmem>>
    %dma_start3A_22 = arith.constant 0 : i32
    %dma_start3A_23 = arith.constant 0 : i32
    %dma_start3A_24 = tpu.memref_slice %arg2[%dma_start3A_22, %dma_start3A_23] : memref<10000x128xf32, #tpu.memory_space<hbm>> -> memref<10000x128xf32, #tpu.memory_space<hbm>>
    tpu.enqueue_indirect_dma source(%dma_start3A_24 : memref<10000x128xf32, #tpu.memory_space<hbm>>) target(%arg7 : memref<64x128xf32, #tpu.memory_space<vmem>>) offsets(%dma_start3A_21 : memref<64xi32, #tpu.memory_space<vmem>>) semaphore(%arg10 : memref<!tpu.dma_semaphore, #tpu.memory_space<semaphore_mem>>)
    %dma_start3A_25 = arith.constant 2 : i32
    %dma_start3A_26 = arith.constant 0 : i32
    %dma_start3A_27 = tpu.memref_slice %arg5[%dma_start3A_25, %dma_start3A_26] : memref<159x128xi32, #tpu.memory_space<vmem>> -> memref<1x64xi32, #tpu.memory_space<vmem>>
    %dma_start3A_28 = tpu.memref_squeeze %dma_start3A_27 : memref<1x64xi32, #tpu.memory_space<vmem>> -> memref<64xi32, #tpu.memory_space<vmem>>
    %dma_start3A_29 = arith.constant 0 : i32
    %dma_start3A_30 = arith.constant 0 : i32
    %dma_start3A_31 = tpu.memref_slice %arg2[%dma_start3A_29, %dma_start3A_30] : memref<10000x128xf32, #tpu.memory_space<hbm>> -> memref<10000x128xf32, #tpu.memory_space<hbm>>
    tpu.enqueue_indirect_dma source(%dma_start3A_31 : memref<10000x128xf32, #tpu.memory_space<hbm>>) target(%arg8 : memref<64x128xf32, #tpu.memory_space<vmem>>) offsets(%dma_start3A_28 : memref<64xi32, #tpu.memory_space<vmem>>) semaphore(%arg11 : memref<!tpu.dma_semaphore, #tpu.memory_space<semaphore_mem>>)
    %scan3A_32 = arith.constant 0 : i32
    %scan3A_33 = arith.constant 52 : i32
    %scan3A_34 = arith.addi %scan3A_32, %scan3A_33 : i32
    %scan3A_35 = arith.constant 1 : i32
    scf.for %scan3A_105 = %scan3A_32 to %scan3A_34 step %scan3A_35  : i32 {
      %mul3A_106 = arith.constant 3 : i32
      %mul3A_107 = arith.muli %scan3A_105, %mul3A_106 : i32
      %add3A_108 = arith.constant 0 : i32
      %add3A_109 = arith.addi %add3A_108, %mul3A_107 : i32
      %add3A_110 = arith.constant 0 : i32
      %add3A_111 = arith.addi %add3A_109, %add3A_110 : i32
      %dma_wait3A_112 = arith.constant 0 : i32
      %dma_wait3A_113 = tpu.memref_slice %arg5[%add3A_111, %dma_wait3A_112] : memref<159x128xi32, #tpu.memory_space<vmem>> -> memref<1x64xi32, #tpu.memory_space<vmem>>
      %dma_wait3A_114 = tpu.memref_squeeze %dma_wait3A_113 : memref<1x64xi32, #tpu.memory_space<vmem>> -> memref<64xi32, #tpu.memory_space<vmem>>
      %dma_wait3A_115 = arith.constant 0 : i32
      %dma_wait3A_116 = arith.constant 0 : i32
      %dma_wait3A_117 = tpu.memref_slice %arg2[%dma_wait3A_115, %dma_wait3A_116] : memref<10000x128xf32, #tpu.memory_space<hbm>> -> memref<10000x128xf32, #tpu.memory_space<hbm>>
      tpu.wait_indirect_dma semaphore(%arg9 : memref<!tpu.dma_semaphore, #tpu.memory_space<semaphore_mem>>) src(%dma_wait3A_117 : memref<10000x128xf32, #tpu.memory_space<hbm>>) dst(%arg6 : memref<64x128xf32, #tpu.memory_space<vmem>>)
      %add3A_118 = arith.constant 0 : i32
      %add3A_119 = arith.addi %add3A_109, %add3A_118 : i32
      %dma_start3A_120 = arith.constant 64 : i32
      %dma_start3A_121 = tpu.memref_slice %arg5[%add3A_119, %dma_start3A_120] : memref<159x128xi32, #tpu.memory_space<vmem>> -> memref<1x64xi32, #tpu.memory_space<vmem>>
      %dma_start3A_122 = tpu.memref_squeeze %dma_start3A_121 : memref<1x64xi32, #tpu.memory_space<vmem>> -> memref<64xi32, #tpu.memory_space<vmem>>
      %dma_start3A_123 = arith.constant 0 : i32
      %dma_start3A_124 = arith.constant 0 : i32
      %dma_start3A_125 = tpu.memref_slice %arg15[%dma_start3A_123, %dma_start3A_124] : memref<10240x128xf32, #tpu.memory_space<vmem_shared>> -> memref<10240x128xf32, #tpu.memory_space<vmem_shared>>
      tpu.enqueue_indirect_dma source(%arg6 : memref<64x128xf32, #tpu.memory_space<vmem>>) target(%dma_start3A_125 : memref<10240x128xf32, #tpu.memory_space<vmem_shared>>) offsets(%dma_start3A_122 : memref<64xi32, #tpu.memory_space<vmem>>) semaphore(%arg12 : memref<!tpu.dma_semaphore, #tpu.memory_space<semaphore_mem>>) {add = true}
      %add3A_126 = arith.constant 1 : i32
      %add3A_127 = arith.addi %add3A_109, %add3A_126 : i32
      %dma_wait3A_128 = arith.constant 0 : i32
      %dma_wait3A_129 = tpu.memref_slice %arg5[%add3A_127, %dma_wait3A_128] : memref<159x128xi32, #tpu.memory_space<vmem>> -> memref<1x64xi32, #tpu.memory_space<vmem>>
      %dma_wait3A_130 = tpu.memref_squeeze %dma_wait3A_129 : memref<1x64xi32, #tpu.memory_space<vmem>> -> memref<64xi32, #tpu.memory_space<vmem>>
      %dma_wait3A_131 = arith.constant 0 : i32
      %dma_wait3A_132 = arith.constant 0 : i32
      %dma_wait3A_133 = tpu.memref_slice %arg2[%dma_wait3A_131, %dma_wait3A_132] : memref<10000x128xf32, #tpu.memory_space<hbm>> -> memref<10000x128xf32, #tpu.memory_space<hbm>>
      tpu.wait_indirect_dma semaphore(%arg10 : memref<!tpu.dma_semaphore, #tpu.memory_space<semaphore_mem>>) src(%dma_wait3A_133 : memref<10000x128xf32, #tpu.memory_space<hbm>>) dst(%arg7 : memref<64x128xf32, #tpu.memory_space<vmem>>)
      %add3A_134 = arith.constant 1 : i32
      %add3A_135 = arith.addi %add3A_109, %add3A_134 : i32
      %dma_start3A_136 = arith.constant 64 : i32
      %dma_start3A_137 = tpu.memref_slice %arg5[%add3A_135, %dma_start3A_136] : memref<159x128xi32, #tpu.memory_space<vmem>> -> memref<1x64xi32, #tpu.memory_space<vmem>>
      %dma_start3A_138 = tpu.memref_squeeze %dma_start3A_137 : memref<1x64xi32, #tpu.memory_space<vmem>> -> memref<64xi32, #tpu.memory_space<vmem>>
      %dma_start3A_139 = arith.constant 0 : i32
      %dma_start3A_140 = arith.constant 0 : i32
      %dma_start3A_141 = tpu.memref_slice %arg15[%dma_start3A_139, %dma_start3A_140] : memref<10240x128xf32, #tpu.memory_space<vmem_shared>> -> memref<10240x128xf32, #tpu.memory_space<vmem_shared>>
      tpu.enqueue_indirect_dma source(%arg7 : memref<64x128xf32, #tpu.memory_space<vmem>>) target(%dma_start3A_141 : memref<10240x128xf32, #tpu.memory_space<vmem_shared>>) offsets(%dma_start3A_138 : memref<64xi32, #tpu.memory_space<vmem>>) semaphore(%arg13 : memref<!tpu.dma_semaphore, #tpu.memory_space<semaphore_mem>>) {add = true}
      %add3A_142 = arith.constant 2 : i32
      %add3A_143 = arith.addi %add3A_109, %add3A_142 : i32
      %dma_wait3A_144 = arith.constant 0 : i32
      %dma_wait3A_145 = tpu.memref_slice %arg5[%add3A_143, %dma_wait3A_144] : memref<159x128xi32, #tpu.memory_space<vmem>> -> memref<1x64xi32, #tpu.memory_space<vmem>>
      %dma_wait3A_146 = tpu.memref_squeeze %dma_wait3A_145 : memref<1x64xi32, #tpu.memory_space<vmem>> -> memref<64xi32, #tpu.memory_space<vmem>>
      %dma_wait3A_147 = arith.constant 0 : i32
      %dma_wait3A_148 = arith.constant 0 : i32
      %dma_wait3A_149 = tpu.memref_slice %arg2[%dma_wait3A_147, %dma_wait3A_148] : memref<10000x128xf32, #tpu.memory_space<hbm>> -> memref<10000x128xf32, #tpu.memory_space<hbm>>
      tpu.wait_indirect_dma semaphore(%arg11 : memref<!tpu.dma_semaphore, #tpu.memory_space<semaphore_mem>>) src(%dma_wait3A_149 : memref<10000x128xf32, #tpu.memory_space<hbm>>) dst(%arg8 : memref<64x128xf32, #tpu.memory_space<vmem>>)
      %add3A_150 = arith.constant 2 : i32
      %add3A_151 = arith.addi %add3A_109, %add3A_150 : i32
      %dma_start3A_152 = arith.constant 64 : i32
      %dma_start3A_153 = tpu.memref_slice %arg5[%add3A_151, %dma_start3A_152] : memref<159x128xi32, #tpu.memory_space<vmem>> -> memref<1x64xi32, #tpu.memory_space<vmem>>
      %dma_start3A_154 = tpu.memref_squeeze %dma_start3A_153 : memref<1x64xi32, #tpu.memory_space<vmem>> -> memref<64xi32, #tpu.memory_space<vmem>>
      %dma_start3A_155 = arith.constant 0 : i32
      %dma_start3A_156 = arith.constant 0 : i32
      %dma_start3A_157 = tpu.memref_slice %arg15[%dma_start3A_155, %dma_start3A_156] : memref<10240x128xf32, #tpu.memory_space<vmem_shared>> -> memref<10240x128xf32, #tpu.memory_space<vmem_shared>>
      tpu.enqueue_indirect_dma source(%arg8 : memref<64x128xf32, #tpu.memory_space<vmem>>) target(%dma_start3A_157 : memref<10240x128xf32, #tpu.memory_space<vmem_shared>>) offsets(%dma_start3A_154 : memref<64xi32, #tpu.memory_space<vmem>>) semaphore(%arg14 : memref<!tpu.dma_semaphore, #tpu.memory_space<semaphore_mem>>) {add = true}
      %add3A_158 = arith.constant 0 : i32
      %add3A_159 = arith.addi %add3A_109, %add3A_158 : i32
      %dma_wait3A_160 = arith.constant 64 : i32
      %dma_wait3A_161 = tpu.memref_slice %arg5[%add3A_159, %dma_wait3A_160] : memref<159x128xi32, #tpu.memory_space<vmem>> -> memref<1x64xi32, #tpu.memory_space<vmem>>
      %dma_wait3A_162 = tpu.memref_squeeze %dma_wait3A_161 : memref<1x64xi32, #tpu.memory_space<vmem>> -> memref<64xi32, #tpu.memory_space<vmem>>
      %dma_wait3A_163 = arith.constant 0 : i32
      %dma_wait3A_164 = arith.constant 0 : i32
      %dma_wait3A_165 = tpu.memref_slice %arg15[%dma_wait3A_163, %dma_wait3A_164] : memref<10240x128xf32, #tpu.memory_space<vmem_shared>> -> memref<10240x128xf32, #tpu.memory_space<vmem_shared>>
      tpu.wait_indirect_dma semaphore(%arg12 : memref<!tpu.dma_semaphore, #tpu.memory_space<semaphore_mem>>) src(%arg6 : memref<64x128xf32, #tpu.memory_space<vmem>>) dst(%dma_wait3A_165 : memref<10240x128xf32, #tpu.memory_space<vmem_shared>>)
      %add3A_166 = arith.constant 3 : i32
      %add3A_167 = arith.addi %add3A_109, %add3A_166 : i32
      %add3A_168 = arith.constant 0 : i32
      %add3A_169 = arith.addi %add3A_167, %add3A_168 : i32
      %dma_start3A_170 = arith.constant 0 : i32
      %dma_start3A_171 = tpu.memref_slice %arg5[%add3A_169, %dma_start3A_170] : memref<159x128xi32, #tpu.memory_space<vmem>> -> memref<1x64xi32, #tpu.memory_space<vmem>>
      %dma_start3A_172 = tpu.memref_squeeze %dma_start3A_171 : memref<1x64xi32, #tpu.memory_space<vmem>> -> memref<64xi32, #tpu.memory_space<vmem>>
      %dma_start3A_173 = arith.constant 0 : i32
      %dma_start3A_174 = arith.constant 0 : i32
      %dma_start3A_175 = tpu.memref_slice %arg2[%dma_start3A_173, %dma_start3A_174] : memref<10000x128xf32, #tpu.memory_space<hbm>> -> memref<10000x128xf32, #tpu.memory_space<hbm>>
      tpu.enqueue_indirect_dma source(%dma_start3A_175 : memref<10000x128xf32, #tpu.memory_space<hbm>>) target(%arg6 : memref<64x128xf32, #tpu.memory_space<vmem>>) offsets(%dma_start3A_172 : memref<64xi32, #tpu.memory_space<vmem>>) semaphore(%arg9 : memref<!tpu.dma_semaphore, #tpu.memory_space<semaphore_mem>>)
      %add3A_176 = arith.constant 1 : i32
      %add3A_177 = arith.addi %add3A_109, %add3A_176 : i32
      %dma_wait3A_178 = arith.constant 64 : i32
      %dma_wait3A_179 = tpu.memref_slice %arg5[%add3A_177, %dma_wait3A_178] : memref<159x128xi32, #tpu.memory_space<vmem>> -> memref<1x64xi32, #tpu.memory_space<vmem>>
      %dma_wait3A_180 = tpu.memref_squeeze %dma_wait3A_179 : memref<1x64xi32, #tpu.memory_space<vmem>> -> memref<64xi32, #tpu.memory_space<vmem>>
      %dma_wait3A_181 = arith.constant 0 : i32
      %dma_wait3A_182 = arith.constant 0 : i32
      %dma_wait3A_183 = tpu.memref_slice %arg15[%dma_wait3A_181, %dma_wait3A_182] : memref<10240x128xf32, #tpu.memory_space<vmem_shared>> -> memref<10240x128xf32, #tpu.memory_space<vmem_shared>>
      tpu.wait_indirect_dma semaphore(%arg13 : memref<!tpu.dma_semaphore, #tpu.memory_space<semaphore_mem>>) src(%arg7 : memref<64x128xf32, #tpu.memory_space<vmem>>) dst(%dma_wait3A_183 : memref<10240x128xf32, #tpu.memory_space<vmem_shared>>)
      %add3A_184 = arith.constant 3 : i32
      %add3A_185 = arith.addi %add3A_109, %add3A_184 : i32
      %add3A_186 = arith.constant 1 : i32
      %add3A_187 = arith.addi %add3A_185, %add3A_186 : i32
      %dma_start3A_188 = arith.constant 0 : i32
      %dma_start3A_189 = tpu.memref_slice %arg5[%add3A_187, %dma_start3A_188] : memref<159x128xi32, #tpu.memory_space<vmem>> -> memref<1x64xi32, #tpu.memory_space<vmem>>
      %dma_start3A_190 = tpu.memref_squeeze %dma_start3A_189 : memref<1x64xi32, #tpu.memory_space<vmem>> -> memref<64xi32, #tpu.memory_space<vmem>>
      %dma_start3A_191 = arith.constant 0 : i32
      %dma_start3A_192 = arith.constant 0 : i32
      %dma_start3A_193 = tpu.memref_slice %arg2[%dma_start3A_191, %dma_start3A_192] : memref<10000x128xf32, #tpu.memory_space<hbm>> -> memref<10000x128xf32, #tpu.memory_space<hbm>>
      tpu.enqueue_indirect_dma source(%dma_start3A_193 : memref<10000x128xf32, #tpu.memory_space<hbm>>) target(%arg7 : memref<64x128xf32, #tpu.memory_space<vmem>>) offsets(%dma_start3A_190 : memref<64xi32, #tpu.memory_space<vmem>>) semaphore(%arg10 : memref<!tpu.dma_semaphore, #tpu.memory_space<semaphore_mem>>)
      %add3A_194 = arith.constant 2 : i32
      %add3A_195 = arith.addi %add3A_109, %add3A_194 : i32
      %dma_wait3A_196 = arith.constant 64 : i32
      %dma_wait3A_197 = tpu.memref_slice %arg5[%add3A_195, %dma_wait3A_196] : memref<159x128xi32, #tpu.memory_space<vmem>> -> memref<1x64xi32, #tpu.memory_space<vmem>>
      %dma_wait3A_198 = tpu.memref_squeeze %dma_wait3A_197 : memref<1x64xi32, #tpu.memory_space<vmem>> -> memref<64xi32, #tpu.memory_space<vmem>>
      %dma_wait3A_199 = arith.constant 0 : i32
      %dma_wait3A_200 = arith.constant 0 : i32
      %dma_wait3A_201 = tpu.memref_slice %arg15[%dma_wait3A_199, %dma_wait3A_200] : memref<10240x128xf32, #tpu.memory_space<vmem_shared>> -> memref<10240x128xf32, #tpu.memory_space<vmem_shared>>
      tpu.wait_indirect_dma semaphore(%arg14 : memref<!tpu.dma_semaphore, #tpu.memory_space<semaphore_mem>>) src(%arg8 : memref<64x128xf32, #tpu.memory_space<vmem>>) dst(%dma_wait3A_201 : memref<10240x128xf32, #tpu.memory_space<vmem_shared>>)
      %add3A_202 = arith.constant 3 : i32
      %add3A_203 = arith.addi %add3A_109, %add3A_202 : i32
      %add3A_204 = arith.constant 2 : i32
      %add3A_205 = arith.addi %add3A_203, %add3A_204 : i32
      %dma_start3A_206 = arith.constant 0 : i32
      %dma_start3A_207 = tpu.memref_slice %arg5[%add3A_205, %dma_start3A_206] : memref<159x128xi32, #tpu.memory_space<vmem>> -> memref<1x64xi32, #tpu.memory_space<vmem>>
      %dma_start3A_208 = tpu.memref_squeeze %dma_start3A_207 : memref<1x64xi32, #tpu.memory_space<vmem>> -> memref<64xi32, #tpu.memory_space<vmem>>
      %dma_start3A_209 = arith.constant 0 : i32
      %dma_start3A_210 = arith.constant 0 : i32
      %dma_start3A_211 = tpu.memref_slice %arg2[%dma_start3A_209, %dma_start3A_210] : memref<10000x128xf32, #tpu.memory_space<hbm>> -> memref<10000x128xf32, #tpu.memory_space<hbm>>
      tpu.enqueue_indirect_dma source(%dma_start3A_211 : memref<10000x128xf32, #tpu.memory_space<hbm>>) target(%arg8 : memref<64x128xf32, #tpu.memory_space<vmem>>) offsets(%dma_start3A_208 : memref<64xi32, #tpu.memory_space<vmem>>) semaphore(%arg11 : memref<!tpu.dma_semaphore, #tpu.memory_space<semaphore_mem>>)
    }
    %scan3A_36 = arith.constant 52 : i32
    %dma_wait3A = arith.constant 156 : i32
    %dma_wait3A_37 = arith.constant 0 : i32
    %dma_wait3A_38 = tpu.memref_slice %arg5[%dma_wait3A, %dma_wait3A_37] : memref<159x128xi32, #tpu.memory_space<vmem>> -> memref<1x64xi32, #tpu.memory_space<vmem>>
    %dma_wait3A_39 = tpu.memref_squeeze %dma_wait3A_38 : memref<1x64xi32, #tpu.memory_space<vmem>> -> memref<64xi32, #tpu.memory_space<vmem>>
    %dma_wait3A_40 = arith.constant 0 : i32
    %dma_wait3A_41 = arith.constant 0 : i32
    %dma_wait3A_42 = tpu.memref_slice %arg2[%dma_wait3A_40, %dma_wait3A_41] : memref<10000x128xf32, #tpu.memory_space<hbm>> -> memref<10000x128xf32, #tpu.memory_space<hbm>>
    tpu.wait_indirect_dma semaphore(%arg9 : memref<!tpu.dma_semaphore, #tpu.memory_space<semaphore_mem>>) src(%dma_wait3A_42 : memref<10000x128xf32, #tpu.memory_space<hbm>>) dst(%arg6 : memref<64x128xf32, #tpu.memory_space<vmem>>)
    %dma_start3A_43 = arith.constant 156 : i32
    %dma_start3A_44 = arith.constant 64 : i32
    %dma_start3A_45 = tpu.memref_slice %arg5[%dma_start3A_43, %dma_start3A_44] : memref<159x128xi32, #tpu.memory_space<vmem>> -> memref<1x64xi32, #tpu.memory_space<vmem>>
    %dma_start3A_46 = tpu.memref_squeeze %dma_start3A_45 : memref<1x64xi32, #tpu.memory_space<vmem>> -> memref<64xi32, #tpu.memory_space<vmem>>
    %dma_start3A_47 = arith.constant 0 : i32
    %dma_start3A_48 = arith.constant 0 : i32
    %dma_start3A_49 = tpu.memref_slice %arg15[%dma_start3A_47, %dma_start3A_48] : memref<10240x128xf32, #tpu.memory_space<vmem_shared>> -> memref<10240x128xf32, #tpu.memory_space<vmem_shared>>
    tpu.enqueue_indirect_dma source(%arg6 : memref<64x128xf32, #tpu.memory_space<vmem>>) target(%dma_start3A_49 : memref<10240x128xf32, #tpu.memory_space<vmem_shared>>) offsets(%dma_start3A_46 : memref<64xi32, #tpu.memory_space<vmem>>) semaphore(%arg12 : memref<!tpu.dma_semaphore, #tpu.memory_space<semaphore_mem>>) {add = true}
    %dma_wait3A_50 = arith.constant 157 : i32
    %dma_wait3A_51 = arith.constant 0 : i32
    %dma_wait3A_52 = tpu.memref_slice %arg5[%dma_wait3A_50, %dma_wait3A_51] : memref<159x128xi32, #tpu.memory_space<vmem>> -> memref<1x64xi32, #tpu.memory_space<vmem>>
    %dma_wait3A_53 = tpu.memref_squeeze %dma_wait3A_52 : memref<1x64xi32, #tpu.memory_space<vmem>> -> memref<64xi32, #tpu.memory_space<vmem>>
    %dma_wait3A_54 = arith.constant 0 : i32
    %dma_wait3A_55 = arith.constant 0 : i32
    %dma_wait3A_56 = tpu.memref_slice %arg2[%dma_wait3A_54, %dma_wait3A_55] : memref<10000x128xf32, #tpu.memory_space<hbm>> -> memref<10000x128xf32, #tpu.memory_space<hbm>>
    tpu.wait_indirect_dma semaphore(%arg10 : memref<!tpu.dma_semaphore, #tpu.memory_space<semaphore_mem>>) src(%dma_wait3A_56 : memref<10000x128xf32, #tpu.memory_space<hbm>>) dst(%arg7 : memref<64x128xf32, #tpu.memory_space<vmem>>)
    %dma_start3A_57 = arith.constant 157 : i32
    %dma_start3A_58 = arith.constant 64 : i32
    %dma_start3A_59 = tpu.memref_slice %arg5[%dma_start3A_57, %dma_start3A_58] : memref<159x128xi32, #tpu.memory_space<vmem>> -> memref<1x64xi32, #tpu.memory_space<vmem>>
    %dma_start3A_60 = tpu.memref_squeeze %dma_start3A_59 : memref<1x64xi32, #tpu.memory_space<vmem>> -> memref<64xi32, #tpu.memory_space<vmem>>
    %dma_start3A_61 = arith.constant 0 : i32
    %dma_start3A_62 = arith.constant 0 : i32
    %dma_start3A_63 = tpu.memref_slice %arg15[%dma_start3A_61, %dma_start3A_62] : memref<10240x128xf32, #tpu.memory_space<vmem_shared>> -> memref<10240x128xf32, #tpu.memory_space<vmem_shared>>
    tpu.enqueue_indirect_dma source(%arg7 : memref<64x128xf32, #tpu.memory_space<vmem>>) target(%dma_start3A_63 : memref<10240x128xf32, #tpu.memory_space<vmem_shared>>) offsets(%dma_start3A_60 : memref<64xi32, #tpu.memory_space<vmem>>) semaphore(%arg13 : memref<!tpu.dma_semaphore, #tpu.memory_space<semaphore_mem>>) {add = true}
    %dma_wait3A_64 = arith.constant 158 : i32
    %dma_wait3A_65 = arith.constant 0 : i32
    %dma_wait3A_66 = tpu.memref_slice %arg5[%dma_wait3A_64, %dma_wait3A_65] : memref<159x128xi32, #tpu.memory_space<vmem>> -> memref<1x64xi32, #tpu.memory_space<vmem>>
    %dma_wait3A_67 = tpu.memref_squeeze %dma_wait3A_66 : memref<1x64xi32, #tpu.memory_space<vmem>> -> memref<64xi32, #tpu.memory_space<vmem>>
    %dma_wait3A_68 = arith.constant 0 : i32
    %dma_wait3A_69 = arith.constant 0 : i32
    %dma_wait3A_70 = tpu.memref_slice %arg2[%dma_wait3A_68, %dma_wait3A_69] : memref<10000x128xf32, #tpu.memory_space<hbm>> -> memref<10000x128xf32, #tpu.memory_space<hbm>>
    tpu.wait_indirect_dma semaphore(%arg11 : memref<!tpu.dma_semaphore, #tpu.memory_space<semaphore_mem>>) src(%dma_wait3A_70 : memref<10000x128xf32, #tpu.memory_space<hbm>>) dst(%arg8 : memref<64x128xf32, #tpu.memory_space<vmem>>)
    %dma_start3A_71 = arith.constant 158 : i32
    %dma_start3A_72 = arith.constant 64 : i32
    %dma_start3A_73 = tpu.memref_slice %arg5[%dma_start3A_71, %dma_start3A_72] : memref<159x128xi32, #tpu.memory_space<vmem>> -> memref<1x64xi32, #tpu.memory_space<vmem>>
    %dma_start3A_74 = tpu.memref_squeeze %dma_start3A_73 : memref<1x64xi32, #tpu.memory_space<vmem>> -> memref<64xi32, #tpu.memory_space<vmem>>
    %dma_start3A_75 = arith.constant 0 : i32
    %dma_start3A_76 = arith.constant 0 : i32
    %dma_start3A_77 = tpu.memref_slice %arg15[%dma_start3A_75, %dma_start3A_76] : memref<10240x128xf32, #tpu.memory_space<vmem_shared>> -> memref<10240x128xf32, #tpu.memory_space<vmem_shared>>
    tpu.enqueue_indirect_dma source(%arg8 : memref<64x128xf32, #tpu.memory_space<vmem>>) target(%dma_start3A_77 : memref<10240x128xf32, #tpu.memory_space<vmem_shared>>) offsets(%dma_start3A_74 : memref<64xi32, #tpu.memory_space<vmem>>) semaphore(%arg14 : memref<!tpu.dma_semaphore, #tpu.memory_space<semaphore_mem>>) {add = true}
    %dma_wait3A_78 = arith.constant 156 : i32
    %dma_wait3A_79 = arith.constant 64 : i32
    %dma_wait3A_80 = tpu.memref_slice %arg5[%dma_wait3A_78, %dma_wait3A_79] : memref<159x128xi32, #tpu.memory_space<vmem>> -> memref<1x64xi32, #tpu.memory_space<vmem>>
    %dma_wait3A_81 = tpu.memref_squeeze %dma_wait3A_80 : memref<1x64xi32, #tpu.memory_space<vmem>> -> memref<64xi32, #tpu.memory_space<vmem>>
    %dma_wait3A_82 = arith.constant 0 : i32
    %dma_wait3A_83 = arith.constant 0 : i32
    %dma_wait3A_84 = tpu.memref_slice %arg15[%dma_wait3A_82, %dma_wait3A_83] : memref<10240x128xf32, #tpu.memory_space<vmem_shared>> -> memref<10240x128xf32, #tpu.memory_space<vmem_shared>>
    tpu.wait_indirect_dma semaphore(%arg12 : memref<!tpu.dma_semaphore, #tpu.memory_space<semaphore_mem>>) src(%arg6 : memref<64x128xf32, #tpu.memory_space<vmem>>) dst(%dma_wait3A_84 : memref<10240x128xf32, #tpu.memory_space<vmem_shared>>)
    %dma_wait3A_85 = arith.constant 157 : i32
    %dma_wait3A_86 = arith.constant 64 : i32
    %dma_wait3A_87 = tpu.memref_slice %arg5[%dma_wait3A_85, %dma_wait3A_86] : memref<159x128xi32, #tpu.memory_space<vmem>> -> memref<1x64xi32, #tpu.memory_space<vmem>>
    %dma_wait3A_88 = tpu.memref_squeeze %dma_wait3A_87 : memref<1x64xi32, #tpu.memory_space<vmem>> -> memref<64xi32, #tpu.memory_space<vmem>>
    %dma_wait3A_89 = arith.constant 0 : i32
    %dma_wait3A_90 = arith.constant 0 : i32
    %dma_wait3A_91 = tpu.memref_slice %arg15[%dma_wait3A_89, %dma_wait3A_90] : memref<10240x128xf32, #tpu.memory_space<vmem_shared>> -> memref<10240x128xf32, #tpu.memory_space<vmem_shared>>
    tpu.wait_indirect_dma semaphore(%arg13 : memref<!tpu.dma_semaphore, #tpu.memory_space<semaphore_mem>>) src(%arg7 : memref<64x128xf32, #tpu.memory_space<vmem>>) dst(%dma_wait3A_91 : memref<10240x128xf32, #tpu.memory_space<vmem_shared>>)
    %dma_wait3A_92 = arith.constant 158 : i32
    %dma_wait3A_93 = arith.constant 64 : i32
    %dma_wait3A_94 = tpu.memref_slice %arg5[%dma_wait3A_92, %dma_wait3A_93] : memref<159x128xi32, #tpu.memory_space<vmem>> -> memref<1x64xi32, #tpu.memory_space<vmem>>
    %dma_wait3A_95 = tpu.memref_squeeze %dma_wait3A_94 : memref<1x64xi32, #tpu.memory_space<vmem>> -> memref<64xi32, #tpu.memory_space<vmem>>
    %dma_wait3A_96 = arith.constant 0 : i32
    %dma_wait3A_97 = arith.constant 0 : i32
    %dma_wait3A_98 = tpu.memref_slice %arg15[%dma_wait3A_96, %dma_wait3A_97] : memref<10240x128xf32, #tpu.memory_space<vmem_shared>> -> memref<10240x128xf32, #tpu.memory_space<vmem_shared>>
    tpu.wait_indirect_dma semaphore(%arg14 : memref<!tpu.dma_semaphore, #tpu.memory_space<semaphore_mem>>) src(%arg8 : memref<64x128xf32, #tpu.memory_space<vmem>>) dst(%dma_wait3A_98 : memref<10240x128xf32, #tpu.memory_space<vmem_shared>>)
    %barrier3A_99 = arith.constant 0 : index
    tpu.barrier barrier_id(%barrier3A_99)
    %scan3A_100 = arith.constant 0 : i32
    %scan3A_101 = arith.constant 5 : i32
    %scan3A_102 = arith.addi %scan3A_100, %scan3A_101 : i32
    %scan3A_103 = arith.constant 1 : i32
    scf.for %scan3A_105 = %scan3A_100 to %scan3A_102 step %scan3A_103  : i32 {
      %mul3A_106 = arith.constant 128 : i32
      %mul3A_107 = arith.muli %scan3A_105, %mul3A_106 : i32
      %add3A_108 = arith.constant 0 : i32
      %add3A_109 = arith.addi %add3A_108, %mul3A_107 : i32
      %add3A_110 = arith.addi %mul3A_2, %add3A_109 : i32
      %add3A_111 = arith.addi %mul3A_2, %add3A_109 : i32
      "tpu.region"() ({
        %run_scoped3A = tpu.sem_alloc : memref<!tpu.dma_semaphore, #tpu.memory_space<semaphore_mem>>
        %dma_start3A_112 = arith.constant 0 : i32
        %dma_start3A_113 = tpu.memref_slice %arg4[%arg0, %add3A_111, %dma_start3A_112] : memref<2x10240x128xf32, #tpu.memory_space<hbm>> -> memref<1x128x128xf32, #tpu.memory_space<hbm>>
        %dma_start3A_114 = tpu.memref_squeeze %dma_start3A_113 : memref<1x128x128xf32, #tpu.memory_space<hbm>> -> memref<128x128xf32, #tpu.memory_space<hbm>>
        %dma_start3A_115 = arith.constant 0 : i32
        %dma_start3A_116 = tpu.memref_slice %arg15[%add3A_110, %dma_start3A_115] : memref<10240x128xf32, #tpu.memory_space<vmem_shared>> -> memref<128x128xf32, #tpu.memory_space<vmem_shared>>
        tpu.enqueue_dma source(%dma_start3A_116 : memref<128x128xf32, #tpu.memory_space<vmem_shared>>) target(%dma_start3A_114 : memref<128x128xf32, #tpu.memory_space<hbm>>) target_semaphore(%run_scoped3A : memref<!tpu.dma_semaphore, #tpu.memory_space<semaphore_mem>>)
        %dma_wait3A_117 = arith.constant 0 : i32
        %dma_wait3A_118 = tpu.memref_slice %arg4[%arg0, %add3A_111, %dma_wait3A_117] : memref<2x10240x128xf32, #tpu.memory_space<hbm>> -> memref<1x128x128xf32, #tpu.memory_space<hbm>>
        %dma_wait3A_119 = tpu.memref_squeeze %dma_wait3A_118 : memref<1x128x128xf32, #tpu.memory_space<hbm>> -> memref<128x128xf32, #tpu.memory_space<hbm>>
        %dma_wait3A_120 = arith.constant 0 : i32
        %dma_wait3A_121 = tpu.memref_slice %arg15[%add3A_110, %dma_wait3A_120] : memref<10240x128xf32, #tpu.memory_space<vmem_shared>> -> memref<128x128xf32, #tpu.memory_space<vmem_shared>>
        tpu.wait_dma2 semaphore(%run_scoped3A : memref<!tpu.dma_semaphore, #tpu.memory_space<semaphore_mem>>) src(%dma_wait3A_121 : memref<128x128xf32, #tpu.memory_space<vmem_shared>>) dst(%dma_wait3A_119 : memref<128x128xf32, #tpu.memory_space<hbm>>)
        tpu.yield
      }) : () -> ()
    }
    %scan3A_104 = arith.constant 5 : i32
    return
  }
}

#map = affine_map<(d0, d1) -> (0, 0)>
#map1 = affine_map<(d0, d1) -> (0, 0, 0)>
module attributes {stable_mosaic.version = 14 : i64} {
  func.func @body(%arg0: i32, %arg1: i32, %arg2: memref<32x10176xi32, #tpu.memory_space<hbm>>, %arg3: memref<32x10176xi32, #tpu.memory_space<hbm>>, %arg4: memref<2x32x10240xf32, #tpu.memory_space<hbm>>, %arg5: memref<10176xi32, #tpu.memory_space<vmem>>, %arg6: memref<10176xi32, #tpu.memory_space<vmem>>, %arg7: memref<10240xf32, #tpu.memory_space<vmem>>, %arg8: memref<10240xf32, #tpu.memory_space<vmem>>) attributes {dimension_semantics = [#tpu.dimension_semantics<core_parallel>, #tpu.dimension_semantics<subcore_parallel>], iteration_bounds = array<i64: 2, 16>, scalar_prefetch = 0 : i64, scratch_operands = 4 : i64, tpu.core_type = #tpu.core_type<sc_vector_subcore>, window_params = [{transform_indices = #map}, {transform_indices = #map}, {transform_indices = #map1}]} {
    %mul3A = arith.constant 16 : i32
    %mul3A_0 = arith.muli %arg0, %mul3A : i32
    %add3A = arith.addi %mul3A_0, %arg1 : i32
    "tpu.region"() ({
      %run_scoped3A_12 = tpu.sem_alloc : memref<!tpu.dma_semaphore, #tpu.memory_space<semaphore_mem>>
      %dma_start3A = arith.constant 0 : i32
      %dma_start3A_13 = tpu.memref_slice %arg2[%add3A, %dma_start3A] : memref<32x10176xi32, #tpu.memory_space<hbm>> -> memref<1x10176xi32, #tpu.memory_space<hbm>>
      %dma_start3A_14 = tpu.memref_squeeze %dma_start3A_13 : memref<1x10176xi32, #tpu.memory_space<hbm>> -> memref<10176xi32, #tpu.memory_space<hbm>>
      %dma_start3A_15 = arith.constant 0 : i32
      %dma_start3A_16 = tpu.memref_slice %arg2[%add3A, %dma_start3A_15] : memref<32x10176xi32, #tpu.memory_space<hbm>> -> memref<1x10176xi32, #tpu.memory_space<hbm>>
      %dma_start3A_17 = tpu.memref_squeeze %dma_start3A_16 : memref<1x10176xi32, #tpu.memory_space<hbm>> -> memref<10176xi32, #tpu.memory_space<hbm>>
      tpu.enqueue_dma source(%dma_start3A_17 : memref<10176xi32, #tpu.memory_space<hbm>>) target(%arg5 : memref<10176xi32, #tpu.memory_space<vmem>>) target_semaphore(%run_scoped3A_12 : memref<!tpu.dma_semaphore, #tpu.memory_space<semaphore_mem>>)
      %dma_wait3A = arith.constant 0 : i32
      %dma_wait3A_18 = tpu.memref_slice %arg2[%add3A, %dma_wait3A] : memref<32x10176xi32, #tpu.memory_space<hbm>> -> memref<1x10176xi32, #tpu.memory_space<hbm>>
      %dma_wait3A_19 = tpu.memref_squeeze %dma_wait3A_18 : memref<1x10176xi32, #tpu.memory_space<hbm>> -> memref<10176xi32, #tpu.memory_space<hbm>>
      %dma_wait3A_20 = arith.constant 0 : i32
      %dma_wait3A_21 = tpu.memref_slice %arg2[%add3A, %dma_wait3A_20] : memref<32x10176xi32, #tpu.memory_space<hbm>> -> memref<1x10176xi32, #tpu.memory_space<hbm>>
      %dma_wait3A_22 = tpu.memref_squeeze %dma_wait3A_21 : memref<1x10176xi32, #tpu.memory_space<hbm>> -> memref<10176xi32, #tpu.memory_space<hbm>>
      tpu.wait_dma2 semaphore(%run_scoped3A_12 : memref<!tpu.dma_semaphore, #tpu.memory_space<semaphore_mem>>) src(%dma_wait3A_22 : memref<10176xi32, #tpu.memory_space<hbm>>) dst(%arg5 : memref<10176xi32, #tpu.memory_space<vmem>>)
      tpu.yield
    }) : () -> ()
    "tpu.region"() ({
      %run_scoped3A_12 = tpu.sem_alloc : memref<!tpu.dma_semaphore, #tpu.memory_space<semaphore_mem>>
      %dma_start3A = arith.constant 0 : i32
      %dma_start3A_13 = tpu.memref_slice %arg3[%add3A, %dma_start3A] : memref<32x10176xi32, #tpu.memory_space<hbm>> -> memref<1x10176xi32, #tpu.memory_space<hbm>>
      %dma_start3A_14 = tpu.memref_squeeze %dma_start3A_13 : memref<1x10176xi32, #tpu.memory_space<hbm>> -> memref<10176xi32, #tpu.memory_space<hbm>>
      %dma_start3A_15 = arith.constant 0 : i32
      %dma_start3A_16 = tpu.memref_slice %arg3[%add3A, %dma_start3A_15] : memref<32x10176xi32, #tpu.memory_space<hbm>> -> memref<1x10176xi32, #tpu.memory_space<hbm>>
      %dma_start3A_17 = tpu.memref_squeeze %dma_start3A_16 : memref<1x10176xi32, #tpu.memory_space<hbm>> -> memref<10176xi32, #tpu.memory_space<hbm>>
      tpu.enqueue_dma source(%dma_start3A_17 : memref<10176xi32, #tpu.memory_space<hbm>>) target(%arg6 : memref<10176xi32, #tpu.memory_space<vmem>>) target_semaphore(%run_scoped3A_12 : memref<!tpu.dma_semaphore, #tpu.memory_space<semaphore_mem>>)
      %dma_wait3A = arith.constant 0 : i32
      %dma_wait3A_18 = tpu.memref_slice %arg3[%add3A, %dma_wait3A] : memref<32x10176xi32, #tpu.memory_space<hbm>> -> memref<1x10176xi32, #tpu.memory_space<hbm>>
      %dma_wait3A_19 = tpu.memref_squeeze %dma_wait3A_18 : memref<1x10176xi32, #tpu.memory_space<hbm>> -> memref<10176xi32, #tpu.memory_space<hbm>>
      %dma_wait3A_20 = arith.constant 0 : i32
      %dma_wait3A_21 = tpu.memref_slice %arg3[%add3A, %dma_wait3A_20] : memref<32x10176xi32, #tpu.memory_space<hbm>> -> memref<1x10176xi32, #tpu.memory_space<hbm>>
      %dma_wait3A_22 = tpu.memref_squeeze %dma_wait3A_21 : memref<1x10176xi32, #tpu.memory_space<hbm>> -> memref<10176xi32, #tpu.memory_space<hbm>>
      tpu.wait_dma2 semaphore(%run_scoped3A_12 : memref<!tpu.dma_semaphore, #tpu.memory_space<semaphore_mem>>) src(%dma_wait3A_22 : memref<10176xi32, #tpu.memory_space<hbm>>) dst(%arg6 : memref<10176xi32, #tpu.memory_space<vmem>>)
      tpu.yield
    }) : () -> ()
    %scan3A = arith.constant 0 : i32
    %scan3A_1 = arith.constant 640 : i32
    %scan3A_2 = arith.addi %scan3A, %scan3A_1 : i32
    %scan3A_3 = arith.constant 1 : i32
    scf.for %scan3A_12 = %scan3A to %scan3A_2 step %scan3A_3  : i32 {
      %mul3A_13 = arith.constant 16 : i32
      %mul3A_14 = arith.muli %scan3A_12, %mul3A_13 : i32
      %add3A_15 = arith.constant 0 : i32
      %add3A_16 = arith.addi %add3A_15, %mul3A_14 : i32
      %broadcast_in_dim3A_17 = arith.constant 0.000000e+00 : f32
      %broadcast_in_dim3A_18 = vector.broadcast %broadcast_in_dim3A_17 : f32 to vector<16xf32>
      %swap3A = arith.index_cast %add3A_16 : i32 to index
      %swap3A_19 = tpu.vector_load %arg7[%swap3A] {strides = array<i32>} : memref<10240xf32, #tpu.memory_space<vmem>>, vector<16xf32>,
      tpu.vector_store %arg7[%swap3A], %broadcast_in_dim3A_18 {strides = array<i32>} : memref<10240xf32, #tpu.memory_space<vmem>>, vector<16xf32>,
      %broadcast_in_dim3A_20 = arith.constant 0.000000e+00 : f32
      %broadcast_in_dim3A_21 = vector.broadcast %broadcast_in_dim3A_20 : f32 to vector<16xf32>
      %swap3A_22 = arith.index_cast %add3A_16 : i32 to index
      %swap3A_23 = tpu.vector_load %arg8[%swap3A_22] {strides = array<i32>} : memref<10240xf32, #tpu.memory_space<vmem>>, vector<16xf32>,
      tpu.vector_store %arg8[%swap3A_22], %broadcast_in_dim3A_21 {strides = array<i32>} : memref<10240xf32, #tpu.memory_space<vmem>>, vector<16xf32>,
    }
    %scan3A_4 = arith.constant 640 : i32
    %broadcast_in_dim3A = arith.constant 1.000000e+00 : f32
    %broadcast_in_dim3A_5 = vector.broadcast %broadcast_in_dim3A : f32 to vector<16xf32>
    %scan3A_6 = arith.constant 0 : i32
    %scan3A_7 = arith.constant 636 : i32
    %scan3A_8 = arith.addi %scan3A_6, %scan3A_7 : i32
    %scan3A_9 = arith.constant 1 : i32
    scf.for %scan3A_12 = %scan3A_6 to %scan3A_8 step %scan3A_9  : i32 {
      %mul3A_13 = arith.constant 16 : i32
      %mul3A_14 = arith.muli %scan3A_12, %mul3A_13 : i32
      %add3A_15 = arith.constant 0 : i32
      %add3A_16 = arith.addi %add3A_15, %mul3A_14 : i32
      %get3A = arith.index_cast %add3A_16 : i32 to index
      %get3A_17 = tpu.vector_load %arg5[%get3A] {strides = array<i32>} : memref<10176xi32, #tpu.memory_space<vmem>>, vector<16xi32>,
      tpu.vector_store_idx %arg7[%get3A_17], %broadcast_in_dim3A_5 {add = true} : memref<10240xf32, #tpu.memory_space<vmem>>[vector<16xi32>], vector<16xf32>,
      %get3A_18 = arith.index_cast %add3A_16 : i32 to index
      %get3A_19 = tpu.vector_load %arg6[%get3A_18] {strides = array<i32>} : memref<10176xi32, #tpu.memory_space<vmem>>, vector<16xi32>,
      tpu.vector_store_idx %arg8[%get3A_19], %broadcast_in_dim3A_5 {add = true} : memref<10240xf32, #tpu.memory_space<vmem>>[vector<16xi32>], vector<16xf32>,
    }
    %scan3A_10 = arith.constant 636 : i32
    %run_scoped3A = arith.constant 0 : i32
    "tpu.region"() ({
      %run_scoped3A_12 = tpu.sem_alloc : memref<!tpu.dma_semaphore, #tpu.memory_space<semaphore_mem>>
      %dma_start3A = arith.constant 0 : i32
      %dma_start3A_13 = tpu.memref_slice %arg4[%run_scoped3A, %add3A, %dma_start3A] : memref<2x32x10240xf32, #tpu.memory_space<hbm>> -> memref<1x1x10240xf32, #tpu.memory_space<hbm>>
      %dma_start3A_14 = tpu.memref_squeeze %dma_start3A_13 : memref<1x1x10240xf32, #tpu.memory_space<hbm>> -> memref<10240xf32, #tpu.memory_space<hbm>>
      %dma_start3A_15 = arith.constant 0 : i32
      %dma_start3A_16 = tpu.memref_slice %arg4[%run_scoped3A, %add3A, %dma_start3A_15] : memref<2x32x10240xf32, #tpu.memory_space<hbm>> -> memref<1x1x10240xf32, #tpu.memory_space<hbm>>
      %dma_start3A_17 = tpu.memref_squeeze %dma_start3A_16 : memref<1x1x10240xf32, #tpu.memory_space<hbm>> -> memref<10240xf32, #tpu.memory_space<hbm>>
      tpu.enqueue_dma source(%arg7 : memref<10240xf32, #tpu.memory_space<vmem>>) target(%dma_start3A_17 : memref<10240xf32, #tpu.memory_space<hbm>>) target_semaphore(%run_scoped3A_12 : memref<!tpu.dma_semaphore, #tpu.memory_space<semaphore_mem>>)
      %dma_wait3A = arith.constant 0 : i32
      %dma_wait3A_18 = tpu.memref_slice %arg4[%run_scoped3A, %add3A, %dma_wait3A] : memref<2x32x10240xf32, #tpu.memory_space<hbm>> -> memref<1x1x10240xf32, #tpu.memory_space<hbm>>
      %dma_wait3A_19 = tpu.memref_squeeze %dma_wait3A_18 : memref<1x1x10240xf32, #tpu.memory_space<hbm>> -> memref<10240xf32, #tpu.memory_space<hbm>>
      %dma_wait3A_20 = arith.constant 0 : i32
      %dma_wait3A_21 = tpu.memref_slice %arg4[%run_scoped3A, %add3A, %dma_wait3A_20] : memref<2x32x10240xf32, #tpu.memory_space<hbm>> -> memref<1x1x10240xf32, #tpu.memory_space<hbm>>
      %dma_wait3A_22 = tpu.memref_squeeze %dma_wait3A_21 : memref<1x1x10240xf32, #tpu.memory_space<hbm>> -> memref<10240xf32, #tpu.memory_space<hbm>>
      tpu.wait_dma2 semaphore(%run_scoped3A_12 : memref<!tpu.dma_semaphore, #tpu.memory_space<semaphore_mem>>) src(%arg7 : memref<10240xf32, #tpu.memory_space<vmem>>) dst(%dma_wait3A_22 : memref<10240xf32, #tpu.memory_space<hbm>>)
      tpu.yield
    }) : () -> ()
    %run_scoped3A_11 = arith.constant 1 : i32
    "tpu.region"() ({
      %run_scoped3A_12 = tpu.sem_alloc : memref<!tpu.dma_semaphore, #tpu.memory_space<semaphore_mem>>
      %dma_start3A = arith.constant 0 : i32
      %dma_start3A_13 = tpu.memref_slice %arg4[%run_scoped3A_11, %add3A, %dma_start3A] : memref<2x32x10240xf32, #tpu.memory_space<hbm>> -> memref<1x1x10240xf32, #tpu.memory_space<hbm>>
      %dma_start3A_14 = tpu.memref_squeeze %dma_start3A_13 : memref<1x1x10240xf32, #tpu.memory_space<hbm>> -> memref<10240xf32, #tpu.memory_space<hbm>>
      %dma_start3A_15 = arith.constant 0 : i32
      %dma_start3A_16 = tpu.memref_slice %arg4[%run_scoped3A_11, %add3A, %dma_start3A_15] : memref<2x32x10240xf32, #tpu.memory_space<hbm>> -> memref<1x1x10240xf32, #tpu.memory_space<hbm>>
      %dma_start3A_17 = tpu.memref_squeeze %dma_start3A_16 : memref<1x1x10240xf32, #tpu.memory_space<hbm>> -> memref<10240xf32, #tpu.memory_space<hbm>>
      tpu.enqueue_dma source(%arg8 : memref<10240xf32, #tpu.memory_space<vmem>>) target(%dma_start3A_17 : memref<10240xf32, #tpu.memory_space<hbm>>) target_semaphore(%run_scoped3A_12 : memref<!tpu.dma_semaphore, #tpu.memory_space<semaphore_mem>>)
      %dma_wait3A = arith.constant 0 : i32
      %dma_wait3A_18 = tpu.memref_slice %arg4[%run_scoped3A_11, %add3A, %dma_wait3A] : memref<2x32x10240xf32, #tpu.memory_space<hbm>> -> memref<1x1x10240xf32, #tpu.memory_space<hbm>>
      %dma_wait3A_19 = tpu.memref_squeeze %dma_wait3A_18 : memref<1x1x10240xf32, #tpu.memory_space<hbm>> -> memref<10240xf32, #tpu.memory_space<hbm>>
      %dma_wait3A_20 = arith.constant 0 : i32
      %dma_wait3A_21 = tpu.memref_slice %arg4[%run_scoped3A_11, %add3A, %dma_wait3A_20] : memref<2x32x10240xf32, #tpu.memory_space<hbm>> -> memref<1x1x10240xf32, #tpu.memory_space<hbm>>
      %dma_wait3A_22 = tpu.memref_squeeze %dma_wait3A_21 : memref<1x1x10240xf32, #tpu.memory_space<hbm>> -> memref<10240xf32, #tpu.memory_space<hbm>>
      tpu.wait_dma2 semaphore(%run_scoped3A_12 : memref<!tpu.dma_semaphore, #tpu.memory_space<semaphore_mem>>) src(%arg8 : memref<10240xf32, #tpu.memory_space<vmem>>) dst(%dma_wait3A_22 : memref<10240xf32, #tpu.memory_space<hbm>>)
      tpu.yield
    }) : () -> ()
    return
  }
}

module attributes {stable_mosaic.version = 14 : i64} {
  func.func @body(%arg0: i32, %arg1: memref<1000x128xf32, #tpu.memory_space<vmem>>, %arg2: memref<128x128xf32, #tpu.memory_space<vmem>>, %arg3: memref<128x128xf32, #tpu.memory_space<vmem>>, %arg4: memref<1000x128xf32, #tpu.memory_space<vmem>>, %arg5: memref<1000x128xf32, #tpu.memory_space<vmem>>) attributes {dimension_semantics = [#tpu.dimension_semantics<arbitrary>], iteration_bounds = array<i64: 10>, scalar_prefetch = 0 : i64, scratch_operands = 0 : i64, tpu.core_type = #tpu.core_type<tc>, window_params = [{transform_indices = @transform_0, window_bounds = array<i64: 1000, 128>}, {pipeline_mode = #tpu.pipeline_mode<synchronous>, transform_indices = @transform_1, window_bounds = array<i64: 128, 128>}, {pipeline_mode = #tpu.pipeline_mode<synchronous>, transform_indices = @transform_2, window_bounds = array<i64: 128, 128>}, {transform_indices = @transform_3, window_bounds = array<i64: 1000, 128>}, {transform_indices = @transform_4, window_bounds = array<i64: 1000, 128>}]} {
    %get3A = arith.constant 0 : index
    %get3A_0 = arith.constant 0 : index
    %get3A_1 = vector.load %arg1[%get3A, %get3A_0] : memref<1000x128xf32, #tpu.memory_space<vmem>>, vector<1000x128xf32>
    %get3A_2 = arith.constant 0 : index
    %get3A_3 = arith.constant 0 : index
    %get3A_4 = vector.load %arg2[%get3A_2, %get3A_3] : memref<128x128xf32, #tpu.memory_space<vmem>>, vector<128x128xf32>
    %dot_general3A = arith.constant dense<0.000000e+00> : vector<1000x128xf32>
    %dot_general3A_5 = tpu.matmul %get3A_1, %get3A_4, %dot_general3A {dimension_numbers = #tpu.dot_dimension_numbers<[1], [0], [0], [1], [0, 0, 1, 1], [], []>, transpose_lhs_hint = false} : vector<1000x128xf32>, vector<128x128xf32>, vector<1000x128xf32> -> vector<1000x128xf32>
    %swap3A = arith.constant 0 : index
    %swap3A_6 = arith.constant 0 : index
    %swap3A_7 = vector.load %arg4[%swap3A, %swap3A_6] : memref<1000x128xf32, #tpu.memory_space<vmem>>, vector<1000x128xf32>
    tpu.vector_store %arg4[%swap3A, %swap3A_6], %dot_general3A_5 {strides = array<i32>} : memref<1000x128xf32, #tpu.memory_space<vmem>>, vector<1000x128xf32>,
    %get3A_8 = arith.constant 0 : index
    %get3A_9 = arith.constant 0 : index
    %get3A_10 = vector.load %arg3[%get3A_8, %get3A_9] : memref<128x128xf32, #tpu.memory_space<vmem>>, vector<128x128xf32>
    %dot_general3A_11 = arith.constant dense<0.000000e+00> : vector<1000x128xf32>
    %dot_general3A_12 = tpu.matmul %get3A_1, %get3A_10, %dot_general3A_11 {dimension_numbers = #tpu.dot_dimension_numbers<[1], [0], [0], [1], [0, 0, 1, 1], [], []>, transpose_lhs_hint = false} : vector<1000x128xf32>, vector<128x128xf32>, vector<1000x128xf32> -> vector<1000x128xf32>
    %swap3A_13 = arith.constant 0 : index
    %swap3A_14 = arith.constant 0 : index
    %swap3A_15 = vector.load %arg5[%swap3A_13, %swap3A_14] : memref<1000x128xf32, #tpu.memory_space<vmem>>, vector<1000x128xf32>
    tpu.vector_store %arg5[%swap3A_13, %swap3A_14], %dot_general3A_12 {strides = array<i32>} : memref<1000x128xf32, #tpu.memory_space<vmem>>, vector<1000x128xf32>,
    return
  }
  func.func @transform_0(%arg0: i32) -> (i32, i32) {
    %c0_i32 = arith.constant 0 : i32
    %c0_i32_0 = arith.constant 0 : i32
    return %arg0, %c0_i32 : i32, i32
  }
  func.func @transform_1(%arg0: i32) -> (i32, i32) {
    %c0_i32 = arith.constant 0 : i32
    %c0_i32_0 = arith.constant 0 : i32
    %c0_i32_1 = arith.constant 0 : i32
    return %c0_i32, %c0_i32_0 : i32, i32
  }
  func.func @transform_2(%arg0: i32) -> (i32, i32) {
    %c0_i32 = arith.constant 0 : i32
    %c0_i32_0 = arith.constant 0 : i32
    %c0_i32_1 = arith.constant 0 : i32
    return %c0_i32, %c0_i32_0 : i32, i32
  }
  func.func @transform_3(%arg0: i32) -> (i32, i32) {
    %c0_i32 = arith.constant 0 : i32
    %c0_i32_0 = arith.constant 0 : i32
    return %arg0, %c0_i32 : i32, i32
  }
  func.func @transform_4(%arg0: i32) -> (i32, i32) {
    %c0_i32 = arith.constant 0 : i32
    %c0_i32_0 = arith.constant 0 : i32
    return %arg0, %c0_i32 : i32, i32
  }
}

module attributes {stable_mosaic.version = 14 : i64} {
  func.func @body(%arg0: i32, %arg1: memref<2x32x1024xf32, #tpu.memory_space<vmem>>, %arg2: memref<1024x16xf32, #tpu.memory_space<vmem>>, %arg3: memref<1024x16xf32, #tpu.memory_space<vmem>>) attributes {dimension_semantics = [#tpu.dimension_semantics<arbitrary>], iteration_bounds = array<i64: 10>, scalar_prefetch = 0 : i64, scratch_operands = 0 : i64, tpu.core_type = #tpu.core_type<tc>, window_params = [{transform_indices = @transform_0, window_bounds = array<i64: 2, 32, 1024>}, {transform_indices = @transform_1, window_bounds = array<i64: 1024, 16>}, {transform_indices = @transform_2, window_bounds = array<i64: 1024, 16>}]} {
    %get3A = arith.constant 0 : index
    %get3A_0 = arith.constant 0 : index
    %get3A_1 = arith.constant 0 : index
    %get3A_2 = vector.load %arg1[%get3A, %get3A_0, %get3A_1] : memref<2x32x1024xf32, #tpu.memory_space<vmem>>, vector<1x32x1024xf32>
    %get3A_3 = vector.shape_cast %get3A_2 : vector<1x32x1024xf32> to vector<32x1024xf32>
    %reduce_sum3A = arith.constant dense<0.000000e+00> : vector<1024xf32>
    %reduce_sum3A_4 = vector.multi_reduction <add>, %get3A_3, %reduce_sum3A [0] : vector<32x1024xf32> to vector<1024xf32>
    %get3A_5 = arith.constant 1 : index
    %get3A_6 = arith.constant 0 : index
    %get3A_7 = arith.constant 0 : index
    %get3A_8 = vector.load %arg1[%get3A_5, %get3A_6, %get3A_7] : memref<2x32x1024xf32, #tpu.memory_space<vmem>>, vector<1x32x1024xf32>
    %get3A_9 = vector.shape_cast %get3A_8 : vector<1x32x1024xf32> to vector<32x1024xf32>
    %reduce_sum3A_10 = arith.constant dense<0.000000e+00> : vector<1024xf32>
    %reduce_sum3A_11 = vector.multi_reduction <add>, %get3A_9, %reduce_sum3A_10 [0] : vector<32x1024xf32> to vector<1024xf32>
    %max3A = arith.constant 1.000000e+00 : f32
    %max3A_12 = vector.broadcast %max3A : f32 to vector<1024xf32>
    %max3A_13 = arith.maximumf %reduce_sum3A_4, %max3A_12 : vector<1024xf32>
    %rsqrt3A = math.rsqrt %max3A_13 : vector<1024xf32>
    %broadcast_in_dim3A = vector.shape_cast %rsqrt3A : vector<1024xf32> to vector<1024x1xf32>
    %max3A_14 = arith.constant 1.000000e+00 : f32
    %max3A_15 = vector.broadcast %max3A_14 : f32 to vector<1024xf32>
    %max3A_16 = arith.maximumf %reduce_sum3A_11, %max3A_15 : vector<1024xf32>
    %rsqrt3A_17 = math.rsqrt %max3A_16 : vector<1024xf32>
    %broadcast_in_dim3A_18 = vector.shape_cast %rsqrt3A_17 : vector<1024xf32> to vector<1024x1xf32>
    %broadcast_in_dim3A_19 = vector.shape_cast %broadcast_in_dim3A : vector<1024x1xf32> to vector<1024x1xf32>
    %broadcast_in_dim3A_20 = vector.broadcast %broadcast_in_dim3A_19 : vector<1024x1xf32> to vector<1024x16xf32>
    %swap3A = arith.constant 0 : index
    %swap3A_21 = arith.constant 0 : index
    %swap3A_22 = vector.load %arg2[%swap3A, %swap3A_21] : memref<1024x16xf32, #tpu.memory_space<vmem>>, vector<1024x16xf32>
    tpu.vector_store %arg2[%swap3A, %swap3A_21], %broadcast_in_dim3A_20 {strides = array<i32>} : memref<1024x16xf32, #tpu.memory_space<vmem>>, vector<1024x16xf32>,
    %broadcast_in_dim3A_23 = vector.shape_cast %broadcast_in_dim3A_18 : vector<1024x1xf32> to vector<1024x1xf32>
    %broadcast_in_dim3A_24 = vector.broadcast %broadcast_in_dim3A_23 : vector<1024x1xf32> to vector<1024x16xf32>
    %swap3A_25 = arith.constant 0 : index
    %swap3A_26 = arith.constant 0 : index
    %swap3A_27 = vector.load %arg3[%swap3A_25, %swap3A_26] : memref<1024x16xf32, #tpu.memory_space<vmem>>, vector<1024x16xf32>
    tpu.vector_store %arg3[%swap3A_25, %swap3A_26], %broadcast_in_dim3A_24 {strides = array<i32>} : memref<1024x16xf32, #tpu.memory_space<vmem>>, vector<1024x16xf32>,
    return
  }
  func.func @transform_0(%arg0: i32) -> (i32, i32, i32) {
    %c0_i32 = arith.constant 0 : i32
    %c0_i32_0 = arith.constant 0 : i32
    %c0_i32_1 = arith.constant 0 : i32
    return %c0_i32, %c0_i32_0, %arg0 : i32, i32, i32
  }
  func.func @transform_1(%arg0: i32) -> (i32, i32) {
    %c0_i32 = arith.constant 0 : i32
    %c0_i32_0 = arith.constant 0 : i32
    return %arg0, %c0_i32 : i32, i32
  }
  func.func @transform_2(%arg0: i32) -> (i32, i32) {
    %c0_i32 = arith.constant 0 : i32
    %c0_i32_0 = arith.constant 0 : i32
    return %arg0, %c0_i32 : i32, i32
  }
}

module attributes {stable_mosaic.version = 14 : i64} {
  func.func @body(%arg0: i32, %arg1: memref<1000x128xf32, #tpu.memory_space<vmem>>, %arg2: memref<1000x128xf32, #tpu.memory_space<vmem>>, %arg3: memref<1000x16xf32, #tpu.memory_space<vmem>>, %arg4: memref<1x128xf32, #tpu.memory_space<vmem>>, %arg5: memref<1000x128xf32, #tpu.memory_space<vmem>>, %arg6: memref<1000x128xf32, #tpu.memory_space<vmem>>) attributes {dimension_semantics = [#tpu.dimension_semantics<arbitrary>], iteration_bounds = array<i64: 10>, scalar_prefetch = 0 : i64, scratch_operands = 0 : i64, tpu.core_type = #tpu.core_type<tc>, window_params = [{transform_indices = @transform_0, window_bounds = array<i64: 1000, 128>}, {transform_indices = @transform_1, window_bounds = array<i64: 1000, 128>}, {transform_indices = @transform_2, window_bounds = array<i64: 1000, 16>}, {pipeline_mode = #tpu.pipeline_mode<synchronous>, transform_indices = @transform_3, window_bounds = array<i64: 1, 128>}, {transform_indices = @transform_4, window_bounds = array<i64: 1000, 128>}, {transform_indices = @transform_5, window_bounds = array<i64: 1000, 128>}]} {
    %get3A = arith.constant 0 : index
    %get3A_0 = arith.constant 0 : index
    %get3A_1 = vector.load %arg3[%get3A, %get3A_0] : memref<1000x16xf32, #tpu.memory_space<vmem>>, vector<1000x16xf32>
    %slice3A = vector.extract_strided_slice %get3A_1 {offsets = [0, 0], sizes = [1000, 1], strides = [1, 1]} : vector<1000x16xf32> to vector<1000x1xf32>
    %get3A_2 = arith.constant 0 : index
    %get3A_3 = arith.constant 0 : index
    %get3A_4 = vector.load %arg1[%get3A_2, %get3A_3] : memref<1000x128xf32, #tpu.memory_space<vmem>>, vector<1000x128xf32>
    %mul3A = vector.broadcast %slice3A : vector<1000x1xf32> to vector<1000x128xf32>
    %mul3A_5 = arith.mulf %get3A_4, %mul3A : vector<1000x128xf32>
    %swap3A = arith.constant 0 : index
    %swap3A_6 = arith.constant 0 : index
    %swap3A_7 = vector.load %arg5[%swap3A, %swap3A_6] : memref<1000x128xf32, #tpu.memory_space<vmem>>, vector<1000x128xf32>
    tpu.vector_store %arg5[%swap3A, %swap3A_6], %mul3A_5 {strides = array<i32>} : memref<1000x128xf32, #tpu.memory_space<vmem>>, vector<1000x128xf32>,
    %get3A_8 = arith.constant 0 : index
    %get3A_9 = arith.constant 0 : index
    %get3A_10 = vector.load %arg2[%get3A_8, %get3A_9] : memref<1000x128xf32, #tpu.memory_space<vmem>>, vector<1000x128xf32>
    %get3A_11 = arith.constant 0 : index
    %get3A_12 = arith.constant 0 : index
    %get3A_13 = vector.load %arg4[%get3A_11, %get3A_12] : memref<1x128xf32, #tpu.memory_space<vmem>>, vector<1x128xf32>
    %add3A = vector.broadcast %get3A_13 : vector<1x128xf32> to vector<1000x128xf32>
    %add3A_14 = arith.addf %get3A_10, %add3A : vector<1000x128xf32>
    %swap3A_15 = arith.constant 0 : index
    %swap3A_16 = arith.constant 0 : index
    %swap3A_17 = vector.load %arg6[%swap3A_15, %swap3A_16] : memref<1000x128xf32, #tpu.memory_space<vmem>>, vector<1000x128xf32>
    tpu.vector_store %arg6[%swap3A_15, %swap3A_16], %add3A_14 {strides = array<i32>} : memref<1000x128xf32, #tpu.memory_space<vmem>>, vector<1000x128xf32>,
    return
  }
  func.func @transform_0(%arg0: i32) -> (i32, i32) {
    %c0_i32 = arith.constant 0 : i32
    %c0_i32_0 = arith.constant 0 : i32
    return %arg0, %c0_i32 : i32, i32
  }
  func.func @transform_1(%arg0: i32) -> (i32, i32) {
    %c0_i32 = arith.constant 0 : i32
    %c0_i32_0 = arith.constant 0 : i32
    return %arg0, %c0_i32 : i32, i32
  }
  func.func @transform_2(%arg0: i32) -> (i32, i32) {
    %c0_i32 = arith.constant 0 : i32
    %c0_i32_0 = arith.constant 0 : i32
    return %arg0, %c0_i32 : i32, i32
  }
  func.func @transform_3(%arg0: i32) -> (i32, i32) {
    %c0_i32 = arith.constant 0 : i32
    %c0_i32_0 = arith.constant 0 : i32
    %c0_i32_1 = arith.constant 0 : i32
    return %c0_i32, %c0_i32_0 : i32, i32
  }
  func.func @transform_4(%arg0: i32) -> (i32, i32) {
    %c0_i32 = arith.constant 0 : i32
    %c0_i32_0 = arith.constant 0 : i32
    return %arg0, %c0_i32 : i32, i32
  }
  func.func @transform_5(%arg0: i32) -> (i32, i32) {
    %c0_i32 = arith.constant 0 : i32
    %c0_i32_0 = arith.constant 0 : i32
    return %arg0, %c0_i32 : i32, i32
  }
}

module attributes {stable_mosaic.version = 14 : i64} {
  func.func @body(%arg0: i32, %arg1: memref<2x1000x128xf32, #tpu.memory_space<vmem>>, %arg2: memref<1000x16xf32, #tpu.memory_space<vmem>>, %arg3: memref<1000x16xf32, #tpu.memory_space<vmem>>, %arg4: memref<1x128xf32, #tpu.memory_space<vmem>>, %arg5: memref<1000x128xf32, #tpu.memory_space<vmem>>, %arg6: memref<128x128xf32, #tpu.memory_space<vmem>>, %arg7: memref<128x128xf32, #tpu.memory_space<vmem>>, %arg8: memref<1x128xf32, #tpu.memory_space<vmem>>, %arg9: memref<1000x128xf32, #tpu.memory_space<vmem>>, %arg10: memref<1000x128xf32, #tpu.memory_space<vmem>>) attributes {dimension_semantics = [#tpu.dimension_semantics<arbitrary>], iteration_bounds = array<i64: 10>, scalar_prefetch = 0 : i64, scratch_operands = 0 : i64, tpu.core_type = #tpu.core_type<tc>, window_params = [{transform_indices = @transform_0, window_bounds = array<i64: 2, 1000, 128>}, {transform_indices = @transform_1, window_bounds = array<i64: 1000, 16>}, {transform_indices = @transform_2, window_bounds = array<i64: 1000, 16>}, {pipeline_mode = #tpu.pipeline_mode<synchronous>, transform_indices = @transform_3, window_bounds = array<i64: 1, 128>}, {transform_indices = @transform_4, window_bounds = array<i64: 1000, 128>}, {pipeline_mode = #tpu.pipeline_mode<synchronous>, transform_indices = @transform_5, window_bounds = array<i64: 128, 128>}, {pipeline_mode = #tpu.pipeline_mode<synchronous>, transform_indices = @transform_6, window_bounds = array<i64: 128, 128>}, {pipeline_mode = #tpu.pipeline_mode<synchronous>, transform_indices = @transform_7, window_bounds = array<i64: 1, 128>}, {transform_indices = @transform_8, window_bounds = array<i64: 1000, 128>}, {transform_indices = @transform_9, window_bounds = array<i64: 1000, 128>}]} {
    %get3A = arith.constant 0 : index
    %get3A_0 = arith.constant 0 : index
    %get3A_1 = vector.load %arg3[%get3A, %get3A_0] : memref<1000x16xf32, #tpu.memory_space<vmem>>, vector<1000x16xf32>
    %slice3A = vector.extract_strided_slice %get3A_1 {offsets = [0, 0], sizes = [1000, 1], strides = [1, 1]} : vector<1000x16xf32> to vector<1000x1xf32>
    %get3A_2 = arith.constant 0 : index
    %get3A_3 = arith.constant 0 : index
    %get3A_4 = arith.constant 0 : index
    %get3A_5 = vector.load %arg1[%get3A_2, %get3A_3, %get3A_4] : memref<2x1000x128xf32, #tpu.memory_space<vmem>>, vector<1x1000x128xf32>
    %get3A_6 = vector.shape_cast %get3A_5 : vector<1x1000x128xf32> to vector<1000x128xf32>
    %get3A_7 = arith.constant 1 : index
    %get3A_8 = arith.constant 0 : index
    %get3A_9 = arith.constant 0 : index
    %get3A_10 = vector.load %arg1[%get3A_7, %get3A_8, %get3A_9] : memref<2x1000x128xf32, #tpu.memory_space<vmem>>, vector<1x1000x128xf32>
    %get3A_11 = vector.shape_cast %get3A_10 : vector<1x1000x128xf32> to vector<1000x128xf32>
    %add3A = arith.addf %get3A_6, %get3A_11 : vector<1000x128xf32>
    %mul3A = vector.broadcast %slice3A : vector<1000x1xf32> to vector<1000x128xf32>
    %mul3A_12 = arith.mulf %add3A, %mul3A : vector<1000x128xf32>
    %get3A_13 = arith.constant 0 : index
    %get3A_14 = arith.constant 0 : index
    %get3A_15 = vector.load %arg4[%get3A_13, %get3A_14] : memref<1x128xf32, #tpu.memory_space<vmem>>, vector<1x128xf32>
    %add3A_16 = vector.broadcast %get3A_15 : vector<1x128xf32> to vector<1000x128xf32>
    %add3A_17 = arith.addf %mul3A_12, %add3A_16 : vector<1000x128xf32>
    %max3A = arith.constant 0.000000e+00 : f32
    %max3A_18 = vector.broadcast %max3A : f32 to vector<1000x128xf32>
    %max3A_19 = arith.maximumf %add3A_17, %max3A_18 : vector<1000x128xf32>
    %get3A_20 = arith.constant 0 : index
    %get3A_21 = arith.constant 0 : index
    %get3A_22 = vector.load %arg5[%get3A_20, %get3A_21] : memref<1000x128xf32, #tpu.memory_space<vmem>>, vector<1000x128xf32>
    %add3A_23 = arith.addf %max3A_19, %get3A_22 : vector<1000x128xf32>
    %get3A_24 = arith.constant 0 : index
    %get3A_25 = arith.constant 0 : index
    %get3A_26 = vector.load %arg2[%get3A_24, %get3A_25] : memref<1000x16xf32, #tpu.memory_space<vmem>>, vector<1000x16xf32>
    %slice3A_27 = vector.extract_strided_slice %get3A_26 {offsets = [0, 0], sizes = [1000, 1], strides = [1, 1]} : vector<1000x16xf32> to vector<1000x1xf32>
    %get3A_28 = arith.constant 0 : index
    %get3A_29 = arith.constant 0 : index
    %get3A_30 = vector.load %arg6[%get3A_28, %get3A_29] : memref<128x128xf32, #tpu.memory_space<vmem>>, vector<128x128xf32>
    %dot_general3A = arith.constant dense<0.000000e+00> : vector<1000x128xf32>
    %dot_general3A_31 = tpu.matmul %add3A_23, %get3A_30, %dot_general3A {dimension_numbers = #tpu.dot_dimension_numbers<[1], [0], [0], [1], [0, 0, 1, 1], [], []>, transpose_lhs_hint = false} : vector<1000x128xf32>, vector<128x128xf32>, vector<1000x128xf32> -> vector<1000x128xf32>
    %mul3A_32 = vector.broadcast %slice3A_27 : vector<1000x1xf32> to vector<1000x128xf32>
    %mul3A_33 = arith.mulf %dot_general3A_31, %mul3A_32 : vector<1000x128xf32>
    %swap3A = arith.constant 0 : index
    %swap3A_34 = arith.constant 0 : index
    %swap3A_35 = vector.load %arg9[%swap3A, %swap3A_34] : memref<1000x128xf32, #tpu.memory_space<vmem>>, vector<1000x128xf32>
    tpu.vector_store %arg9[%swap3A, %swap3A_34], %mul3A_33 {strides = array<i32>} : memref<1000x128xf32, #tpu.memory_space<vmem>>, vector<1000x128xf32>,
    %get3A_36 = arith.constant 0 : index
    %get3A_37 = arith.constant 0 : index
    %get3A_38 = vector.load %arg7[%get3A_36, %get3A_37] : memref<128x128xf32, #tpu.memory_space<vmem>>, vector<128x128xf32>
    %dot_general3A_39 = arith.constant dense<0.000000e+00> : vector<1000x128xf32>
    %dot_general3A_40 = tpu.matmul %add3A_23, %get3A_38, %dot_general3A_39 {dimension_numbers = #tpu.dot_dimension_numbers<[1], [0], [0], [1], [0, 0, 1, 1], [], []>, transpose_lhs_hint = false} : vector<1000x128xf32>, vector<128x128xf32>, vector<1000x128xf32> -> vector<1000x128xf32>
    %get3A_41 = arith.constant 0 : index
    %get3A_42 = arith.constant 0 : index
    %get3A_43 = vector.load %arg8[%get3A_41, %get3A_42] : memref<1x128xf32, #tpu.memory_space<vmem>>, vector<1x128xf32>
    %add3A_44 = vector.broadcast %get3A_43 : vector<1x128xf32> to vector<1000x128xf32>
    %add3A_45 = arith.addf %dot_general3A_40, %add3A_44 : vector<1000x128xf32>
    %swap3A_46 = arith.constant 0 : index
    %swap3A_47 = arith.constant 0 : index
    %swap3A_48 = vector.load %arg10[%swap3A_46, %swap3A_47] : memref<1000x128xf32, #tpu.memory_space<vmem>>, vector<1000x128xf32>
    tpu.vector_store %arg10[%swap3A_46, %swap3A_47], %add3A_45 {strides = array<i32>} : memref<1000x128xf32, #tpu.memory_space<vmem>>, vector<1000x128xf32>,
    return
  }
  func.func @transform_0(%arg0: i32) -> (i32, i32, i32) {
    %c0_i32 = arith.constant 0 : i32
    %c0_i32_0 = arith.constant 0 : i32
    %c0_i32_1 = arith.constant 0 : i32
    return %c0_i32, %arg0, %c0_i32_0 : i32, i32, i32
  }
  func.func @transform_1(%arg0: i32) -> (i32, i32) {
    %c0_i32 = arith.constant 0 : i32
    %c0_i32_0 = arith.constant 0 : i32
    return %arg0, %c0_i32 : i32, i32
  }
  func.func @transform_2(%arg0: i32) -> (i32, i32) {
    %c0_i32 = arith.constant 0 : i32
    %c0_i32_0 = arith.constant 0 : i32
    return %arg0, %c0_i32 : i32, i32
  }
  func.func @transform_3(%arg0: i32) -> (i32, i32) {
    %c0_i32 = arith.constant 0 : i32
    %c0_i32_0 = arith.constant 0 : i32
    %c0_i32_1 = arith.constant 0 : i32
    return %c0_i32, %c0_i32_0 : i32, i32
  }
  func.func @transform_4(%arg0: i32) -> (i32, i32) {
    %c0_i32 = arith.constant 0 : i32
    %c0_i32_0 = arith.constant 0 : i32
    return %arg0, %c0_i32 : i32, i32
  }
  func.func @transform_5(%arg0: i32) -> (i32, i32) {
    %c0_i32 = arith.constant 0 : i32
    %c0_i32_0 = arith.constant 0 : i32
    %c0_i32_1 = arith.constant 0 : i32
    return %c0_i32, %c0_i32_0 : i32, i32
  }
  func.func @transform_6(%arg0: i32) -> (i32, i32) {
    %c0_i32 = arith.constant 0 : i32
    %c0_i32_0 = arith.constant 0 : i32
    %c0_i32_1 = arith.constant 0 : i32
    return %c0_i32, %c0_i32_0 : i32, i32
  }
  func.func @transform_7(%arg0: i32) -> (i32, i32) {
    %c0_i32 = arith.constant 0 : i32
    %c0_i32_0 = arith.constant 0 : i32
    %c0_i32_1 = arith.constant 0 : i32
    return %c0_i32, %c0_i32_0 : i32, i32
  }
  func.func @transform_8(%arg0: i32) -> (i32, i32) {
    %c0_i32 = arith.constant 0 : i32
    %c0_i32_0 = arith.constant 0 : i32
    return %arg0, %c0_i32 : i32, i32
  }
  func.func @transform_9(%arg0: i32) -> (i32, i32) {
    %c0_i32 = arith.constant 0 : i32
    %c0_i32_0 = arith.constant 0 : i32
    return %arg0, %c0_i32 : i32, i32
  }
}

module attributes {stable_mosaic.version = 14 : i64} {
  func.func @body(%arg0: i32, %arg1: memref<2x1000x128xf32, #tpu.memory_space<vmem>>, %arg2: memref<1000x16xf32, #tpu.memory_space<vmem>>, %arg3: memref<1000x16xf32, #tpu.memory_space<vmem>>, %arg4: memref<1x128xf32, #tpu.memory_space<vmem>>, %arg5: memref<1000x128xf32, #tpu.memory_space<vmem>>, %arg6: memref<128x128xf32, #tpu.memory_space<vmem>>, %arg7: memref<1000x128xf32, #tpu.memory_space<vmem>>, %arg8: memref<1000x128xf32, #tpu.memory_space<vmem>>) attributes {dimension_semantics = [#tpu.dimension_semantics<arbitrary>], iteration_bounds = array<i64: 10>, scalar_prefetch = 0 : i64, scratch_operands = 0 : i64, tpu.core_type = #tpu.core_type<tc>, window_params = [{transform_indices = @transform_0, window_bounds = array<i64: 2, 1000, 128>}, {transform_indices = @transform_1, window_bounds = array<i64: 1000, 16>}, {transform_indices = @transform_2, window_bounds = array<i64: 1000, 16>}, {pipeline_mode = #tpu.pipeline_mode<synchronous>, transform_indices = @transform_3, window_bounds = array<i64: 1, 128>}, {transform_indices = @transform_4, window_bounds = array<i64: 1000, 128>}, {pipeline_mode = #tpu.pipeline_mode<synchronous>, transform_indices = @transform_5, window_bounds = array<i64: 128, 128>}, {transform_indices = @transform_6, window_bounds = array<i64: 1000, 128>}, {transform_indices = @transform_7, window_bounds = array<i64: 1000, 128>}]} {
    %get3A = arith.constant 0 : index
    %get3A_0 = arith.constant 0 : index
    %get3A_1 = vector.load %arg3[%get3A, %get3A_0] : memref<1000x16xf32, #tpu.memory_space<vmem>>, vector<1000x16xf32>
    %slice3A = vector.extract_strided_slice %get3A_1 {offsets = [0, 0], sizes = [1000, 1], strides = [1, 1]} : vector<1000x16xf32> to vector<1000x1xf32>
    %get3A_2 = arith.constant 0 : index
    %get3A_3 = arith.constant 0 : index
    %get3A_4 = arith.constant 0 : index
    %get3A_5 = vector.load %arg1[%get3A_2, %get3A_3, %get3A_4] : memref<2x1000x128xf32, #tpu.memory_space<vmem>>, vector<1x1000x128xf32>
    %get3A_6 = vector.shape_cast %get3A_5 : vector<1x1000x128xf32> to vector<1000x128xf32>
    %get3A_7 = arith.constant 1 : index
    %get3A_8 = arith.constant 0 : index
    %get3A_9 = arith.constant 0 : index
    %get3A_10 = vector.load %arg1[%get3A_7, %get3A_8, %get3A_9] : memref<2x1000x128xf32, #tpu.memory_space<vmem>>, vector<1x1000x128xf32>
    %get3A_11 = vector.shape_cast %get3A_10 : vector<1x1000x128xf32> to vector<1000x128xf32>
    %add3A = arith.addf %get3A_6, %get3A_11 : vector<1000x128xf32>
    %mul3A = vector.broadcast %slice3A : vector<1000x1xf32> to vector<1000x128xf32>
    %mul3A_12 = arith.mulf %add3A, %mul3A : vector<1000x128xf32>
    %get3A_13 = arith.constant 0 : index
    %get3A_14 = arith.constant 0 : index
    %get3A_15 = vector.load %arg4[%get3A_13, %get3A_14] : memref<1x128xf32, #tpu.memory_space<vmem>>, vector<1x128xf32>
    %add3A_16 = vector.broadcast %get3A_15 : vector<1x128xf32> to vector<1000x128xf32>
    %add3A_17 = arith.addf %mul3A_12, %add3A_16 : vector<1000x128xf32>
    %max3A = arith.constant 0.000000e+00 : f32
    %max3A_18 = vector.broadcast %max3A : f32 to vector<1000x128xf32>
    %max3A_19 = arith.maximumf %add3A_17, %max3A_18 : vector<1000x128xf32>
    %get3A_20 = arith.constant 0 : index
    %get3A_21 = arith.constant 0 : index
    %get3A_22 = vector.load %arg5[%get3A_20, %get3A_21] : memref<1000x128xf32, #tpu.memory_space<vmem>>, vector<1000x128xf32>
    %add3A_23 = arith.addf %max3A_19, %get3A_22 : vector<1000x128xf32>
    %get3A_24 = arith.constant 0 : index
    %get3A_25 = arith.constant 0 : index
    %get3A_26 = vector.load %arg2[%get3A_24, %get3A_25] : memref<1000x16xf32, #tpu.memory_space<vmem>>, vector<1000x16xf32>
    %slice3A_27 = vector.extract_strided_slice %get3A_26 {offsets = [0, 0], sizes = [1000, 1], strides = [1, 1]} : vector<1000x16xf32> to vector<1000x1xf32>
    %swap3A = arith.constant 0 : index
    %swap3A_28 = arith.constant 0 : index
    %swap3A_29 = vector.load %arg8[%swap3A, %swap3A_28] : memref<1000x128xf32, #tpu.memory_space<vmem>>, vector<1000x128xf32>
    tpu.vector_store %arg8[%swap3A, %swap3A_28], %add3A_23 {strides = array<i32>} : memref<1000x128xf32, #tpu.memory_space<vmem>>, vector<1000x128xf32>,
    %get3A_30 = arith.constant 0 : index
    %get3A_31 = arith.constant 0 : index
    %get3A_32 = vector.load %arg6[%get3A_30, %get3A_31] : memref<128x128xf32, #tpu.memory_space<vmem>>, vector<128x128xf32>
    %dot_general3A = arith.constant dense<0.000000e+00> : vector<1000x128xf32>
    %dot_general3A_33 = tpu.matmul %add3A_23, %get3A_32, %dot_general3A {dimension_numbers = #tpu.dot_dimension_numbers<[1], [0], [0], [1], [0, 0, 1, 1], [], []>, transpose_lhs_hint = false} : vector<1000x128xf32>, vector<128x128xf32>, vector<1000x128xf32> -> vector<1000x128xf32>
    %mul3A_34 = vector.broadcast %slice3A_27 : vector<1000x1xf32> to vector<1000x128xf32>
    %mul3A_35 = arith.mulf %dot_general3A_33, %mul3A_34 : vector<1000x128xf32>
    %swap3A_36 = arith.constant 0 : index
    %swap3A_37 = arith.constant 0 : index
    %swap3A_38 = vector.load %arg7[%swap3A_36, %swap3A_37] : memref<1000x128xf32, #tpu.memory_space<vmem>>, vector<1000x128xf32>
    tpu.vector_store %arg7[%swap3A_36, %swap3A_37], %mul3A_35 {strides = array<i32>} : memref<1000x128xf32, #tpu.memory_space<vmem>>, vector<1000x128xf32>,
    return
  }
  func.func @transform_0(%arg0: i32) -> (i32, i32, i32) {
    %c0_i32 = arith.constant 0 : i32
    %c0_i32_0 = arith.constant 0 : i32
    %c0_i32_1 = arith.constant 0 : i32
    return %c0_i32, %arg0, %c0_i32_0 : i32, i32, i32
  }
  func.func @transform_1(%arg0: i32) -> (i32, i32) {
    %c0_i32 = arith.constant 0 : i32
    %c0_i32_0 = arith.constant 0 : i32
    return %arg0, %c0_i32 : i32, i32
  }
  func.func @transform_2(%arg0: i32) -> (i32, i32) {
    %c0_i32 = arith.constant 0 : i32
    %c0_i32_0 = arith.constant 0 : i32
    return %arg0, %c0_i32 : i32, i32
  }
  func.func @transform_3(%arg0: i32) -> (i32, i32) {
    %c0_i32 = arith.constant 0 : i32
    %c0_i32_0 = arith.constant 0 : i32
    %c0_i32_1 = arith.constant 0 : i32
    return %c0_i32, %c0_i32_0 : i32, i32
  }
  func.func @transform_4(%arg0: i32) -> (i32, i32) {
    %c0_i32 = arith.constant 0 : i32
    %c0_i32_0 = arith.constant 0 : i32
    return %arg0, %c0_i32 : i32, i32
  }
  func.func @transform_5(%arg0: i32) -> (i32, i32) {
    %c0_i32 = arith.constant 0 : i32
    %c0_i32_0 = arith.constant 0 : i32
    %c0_i32_1 = arith.constant 0 : i32
    return %c0_i32, %c0_i32_0 : i32, i32
  }
  func.func @transform_6(%arg0: i32) -> (i32, i32) {
    %c0_i32 = arith.constant 0 : i32
    %c0_i32_0 = arith.constant 0 : i32
    return %arg0, %c0_i32 : i32, i32
  }
  func.func @transform_7(%arg0: i32) -> (i32, i32) {
    %c0_i32 = arith.constant 0 : i32
    %c0_i32_0 = arith.constant 0 : i32
    return %arg0, %c0_i32 : i32, i32
  }
}

module attributes {stable_mosaic.version = 14 : i64} {
  func.func @body(%arg0: i32, %arg1: memref<2x1000x128xf32, #tpu.memory_space<vmem>>, %arg2: memref<1000x16xf32, #tpu.memory_space<vmem>>, %arg3: memref<1x128xf32, #tpu.memory_space<vmem>>, %arg4: memref<1000x128xf32, #tpu.memory_space<vmem>>, %arg5: memref<1000x128xf32, #tpu.memory_space<vmem>>) attributes {dimension_semantics = [#tpu.dimension_semantics<arbitrary>], iteration_bounds = array<i64: 10>, scalar_prefetch = 0 : i64, scratch_operands = 0 : i64, tpu.core_type = #tpu.core_type<tc>, window_params = [{transform_indices = @transform_0, window_bounds = array<i64: 2, 1000, 128>}, {transform_indices = @transform_1, window_bounds = array<i64: 1000, 16>}, {pipeline_mode = #tpu.pipeline_mode<synchronous>, transform_indices = @transform_2, window_bounds = array<i64: 1, 128>}, {transform_indices = @transform_3, window_bounds = array<i64: 1000, 128>}, {transform_indices = @transform_4, window_bounds = array<i64: 1000, 128>}]} {
    %get3A = arith.constant 0 : index
    %get3A_0 = arith.constant 0 : index
    %get3A_1 = vector.load %arg2[%get3A, %get3A_0] : memref<1000x16xf32, #tpu.memory_space<vmem>>, vector<1000x16xf32>
    %slice3A = vector.extract_strided_slice %get3A_1 {offsets = [0, 0], sizes = [1000, 1], strides = [1, 1]} : vector<1000x16xf32> to vector<1000x1xf32>
    %get3A_2 = arith.constant 0 : index
    %get3A_3 = arith.constant 0 : index
    %get3A_4 = arith.constant 0 : index
    %get3A_5 = vector.load %arg1[%get3A_2, %get3A_3, %get3A_4] : memref<2x1000x128xf32, #tpu.memory_space<vmem>>, vector<1x1000x128xf32>
    %get3A_6 = vector.shape_cast %get3A_5 : vector<1x1000x128xf32> to vector<1000x128xf32>
    %get3A_7 = arith.constant 1 : index
    %get3A_8 = arith.constant 0 : index
    %get3A_9 = arith.constant 0 : index
    %get3A_10 = vector.load %arg1[%get3A_7, %get3A_8, %get3A_9] : memref<2x1000x128xf32, #tpu.memory_space<vmem>>, vector<1x1000x128xf32>
    %get3A_11 = vector.shape_cast %get3A_10 : vector<1x1000x128xf32> to vector<1000x128xf32>
    %add3A = arith.addf %get3A_6, %get3A_11 : vector<1000x128xf32>
    %mul3A = vector.broadcast %slice3A : vector<1000x1xf32> to vector<1000x128xf32>
    %mul3A_12 = arith.mulf %add3A, %mul3A : vector<1000x128xf32>
    %get3A_13 = arith.constant 0 : index
    %get3A_14 = arith.constant 0 : index
    %get3A_15 = vector.load %arg3[%get3A_13, %get3A_14] : memref<1x128xf32, #tpu.memory_space<vmem>>, vector<1x128xf32>
    %add3A_16 = vector.broadcast %get3A_15 : vector<1x128xf32> to vector<1000x128xf32>
    %add3A_17 = arith.addf %mul3A_12, %add3A_16 : vector<1000x128xf32>
    %get3A_18 = arith.constant 0 : index
    %get3A_19 = arith.constant 0 : index
    %get3A_20 = vector.load %arg4[%get3A_18, %get3A_19] : memref<1000x128xf32, #tpu.memory_space<vmem>>, vector<1000x128xf32>
    %add3A_21 = arith.addf %add3A_17, %get3A_20 : vector<1000x128xf32>
    %swap3A = arith.constant 0 : index
    %swap3A_22 = arith.constant 0 : index
    %swap3A_23 = vector.load %arg5[%swap3A, %swap3A_22] : memref<1000x128xf32, #tpu.memory_space<vmem>>, vector<1000x128xf32>
    tpu.vector_store %arg5[%swap3A, %swap3A_22], %add3A_21 {strides = array<i32>} : memref<1000x128xf32, #tpu.memory_space<vmem>>, vector<1000x128xf32>,
    return
  }
  func.func @transform_0(%arg0: i32) -> (i32, i32, i32) {
    %c0_i32 = arith.constant 0 : i32
    %c0_i32_0 = arith.constant 0 : i32
    %c0_i32_1 = arith.constant 0 : i32
    return %c0_i32, %arg0, %c0_i32_0 : i32, i32, i32
  }
  func.func @transform_1(%arg0: i32) -> (i32, i32) {
    %c0_i32 = arith.constant 0 : i32
    %c0_i32_0 = arith.constant 0 : i32
    return %arg0, %c0_i32 : i32, i32
  }
  func.func @transform_2(%arg0: i32) -> (i32, i32) {
    %c0_i32 = arith.constant 0 : i32
    %c0_i32_0 = arith.constant 0 : i32
    %c0_i32_1 = arith.constant 0 : i32
    return %c0_i32, %c0_i32_0 : i32, i32
  }
  func.func @transform_3(%arg0: i32) -> (i32, i32) {
    %c0_i32 = arith.constant 0 : i32
    %c0_i32_0 = arith.constant 0 : i32
    return %arg0, %c0_i32 : i32, i32
  }
  func.func @transform_4(%arg0: i32) -> (i32, i32) {
    %c0_i32 = arith.constant 0 : i32
    %c0_i32_0 = arith.constant 0 : i32
    return %arg0, %c0_i32 : i32, i32
  }
}

</mosaic_0001>

<sc_bundles>
// kernel: kernel.12.cloned.1.call-start
scs
__scs_entry_jumppad:
0x0: {  	(pc) =	sbr.rel $0x88, $3  }
0x1: {  	(tag) =	ssettag $0x0;
	lr =	simm.s32 $0x1  }
0x2: {  	[smem:$0x3F95] =	sst lr;
	_ =	strace $0xD0000000  }
0x3: {  	_ = 	snop  }
0x4: {  	_ = 	snop  }
0x5: {  	_ = 	snop  }
0x6: {  	_ = 	snop  }
0x7: {  	_ = 	snop  }
__scs_overlays_trampoline_lowered:
0x8: {  	[smem:$0x3FA4] =	sst s0  }
0x9: {  	[smem:$0x3FA5] =	sst s1  }
0xa: {  	[smem:$0x3FA6] =	sst s2  }
0xb: {  	[smem:$0x3FA7] =	sst s3  }
0xc: {  	[smem:$0x3FA8] =	sst s4  }
0xd: {  	[smem:$0x3FA9] =	sst s5  }
0xe: {  	[smem:$0x3FAA] =	sst s6  }
0xf: {  	[smem:$0x3FAB] =	sst s7  }
0x10: {  	[smem:$0x3FAC] =	sst s8  }
0x11: {  	[smem:$0x3FAD] =	sst s9;
	s0 =	simm.s32 @!p0 $0x0  }
0x12: {  	s1 =	sld [smem:$0x3F93];
	s0 =	simm.s32 @p0 $0x1  }
0x13: {  	[smem:$0x3FAE] =	sst s0;
	s0 =	simm.s32 @!p1 $0x0  }
0x14: {  	s2 =	sld [smem:$0x3F92];
	s0 =	simm.s32 @p1 $0x1  }
0x15: {  	[smem:$0x3FAF] =	sst s0;
	s0 =	simm.s32 @!p2 $0x0  }
0x16: {  	s3 =	sld [smem:$0x3FDB];
	s0 =	simm.s32 @p2 $0x1  }
0x17: {  	s4 =	simm.s32 $0x1BF5;
	[smem:$0x3FB1] =	sst s0  }
0x18: {  	s0 =	sld [smem:$0x3F94];
	_ =	swait.ge [sflag:s4], $0x0  }
0x19: {  	s7 =	sld [smem:$0x3F95]  }
0x1a: {  	s8 =	sadd.s32 $0xFFFFE003, lr  }
0x1b: {  	s9 =	sadd.s32 $0xFFFFFEF7, lr;
	s5 =	simm.s32 $0xFFFFFFFF;
	p2 =	slt.u32 s8, $0xFFFFF086  }
0x1c: {  	p1 =	slt.u32 s9, $0xF7A;
	s5 =	simm.s32 @!p2 $0x0  }
0x1d: {  	s5 =	simm.s32 @p1 $0x1;
	p0 =	seq.s32 s7, s2  }
0x1e: {  	s7 =	smul.u32 @!p0 $0xF7A, s2;
	p2 =	seq.s32 @!p0 s5, $0x0  }
0x1f: {  	s9 =	smul.u32 $0xF7A, s1;
	s8 =	simm.s32 @!p0 $0x1BF5;
	p2 =	por !p2, p0  }
0x20: {  	[sflag:s8] =	ssyncset.s32 @!p0 $0xFFFFF086;
	s6 =	sadd.s32 @!p0 s3, s7;
	s7 =	simm.s32 @!p0 $0x108  }
0x21: {  	s3 =	sadd.s32 s3, s9;
	s6 =	sadd.s32 @!p0 $0x88, s6;
	s7 =	simm.s32 @p2 $0x1082  }
0x22: {  	[simem:s7], [sflag:s8] =	dma.local @!p0 [hbm:s6], $0xF7A  }
0x23: {  	s9 =	sor.u32 $0xD0000000, s2;
	s6 =	simm.s32 $0x108;
	_ =	swait.ge @!p0 [sflag:s8], $0x0  }
0x24: {  	s3 =	sadd.s32 $0x88, s3;
	s6 =	simm.s32 @!p1 $0x1082;
	[sflag:s4] =	ssyncset.s32 $0xFFFFF086  }
0x25: {  	[simem:s6], [sflag:s4] =	dma.local [hbm:s3], $0xF7A  }
0x26: {  	[smem:$0x3F95] =	sst s1;
	(tag) =	ssettag s2;
	_ =	strace s9  }
0x27: {  	s1 =	sld [smem:$0x3FA5]  }
0x28: {  	s2 =	sld [smem:$0x3FA6]  }
0x29: {  	s4 =	sld [smem:$0x3FA8]  }
0x2a: {  	p0 =	seq.s32 s5, $0x0;
	s5 =	sld [smem:$0x3FA9]  }
0x2b: {  	s6 =	sld [smem:$0x3FAA]  }
0x2c: {  	s7 =	sld [smem:$0x3FAB]  }
0x2d: {  	s3 =	simm.s32 $0x108;
	s8 =	sld [smem:$0x3FAC]  }
0x2e: {  	s3 =	simm.s32 @!p0 $0x1082;
	s9 =	sld [smem:$0x3FAD]  }
0x2f: {  	lr =	sadd.s32 s0, s3;
	s0 =	sld [smem:$0x3FA4]  }
0x30: {  	s3 =	sld [smem:$0x3FA7]  }
0x31: {  	[smem:$0x3FB0] =	sst s10  }
0x32: {  	s10 =	sld [smem:$0x3FAE];
	_ =	sdelay $0x3  }
0x33: {  	p0 =	seq.s32 s10, $0x1;
	s10 =	sld [smem:$0x3FB0];
	_ =	sdelay $0x3  }
0x34: {  	[smem:$0x3FB0] =	sst s10  }
0x35: {  	s10 =	sld [smem:$0x3FAF];
	_ =	sdelay $0x3  }
0x36: {  	p1 =	seq.s32 s10, $0x1;
	s10 =	sld [smem:$0x3FB0];
	_ =	sdelay $0x3  }
0x37: {  	[smem:$0x3FB0] =	sst s10  }
0x38: {  	s10 =	sld [smem:$0x3FB1]  }
0x39: {  	_ = 	snop;
	(pc) =	sbr.ind lr, $3  }
0x3a: {  	_ = 	snop  }
0x3b: {  	_ = 	snop  }
0x3c: {  	p2 =	seq.s32 s10, $0x1;
	s10 =	sld [smem:$0x3FB0]  }
0x3d: {  	_ =	shalt  }
0x3e: {  	_ =	shalt  }
0x3f: {  	_ =	shalt  }
0x40: {  	_ =	shalt  }
0x41: {  	_ =	shalt  }
0x42: {  	_ =	shalt  }
0x43: {  	_ =	shalt  }
0x44: {  	_ =	shalt  }
0x45: {  	_ =	shalt  }
0x46: {  	_ =	shalt  }
0x47: {  	_ =	shalt  }
0x48: {  	_ =	shalt  }
0x49: {  	_ =	shalt  }
0x4a: {  	_ =	shalt  }
0x4b: {  	_ =	shalt  }
0x4c: {  	_ =	shalt  }
0x4d: {  	_ =	shalt  }
0x4e: {  	_ =	shalt  }
0x4f: {  	_ =	shalt  }
0x50: {  	_ =	shalt  }
0x51: {  	_ =	shalt  }
0x52: {  	_ =	shalt  }
0x53: {  	_ =	shalt  }
0x54: {  	_ =	shalt  }
0x55: {  	_ =	shalt  }
0x56: {  	_ =	shalt  }
0x57: {  	_ =	shalt  }
0x58: {  	_ =	shalt  }
0x59: {  	_ =	shalt  }
0x5a: {  	_ =	shalt  }
0x5b: {  	_ =	shalt  }
0x5c: {  	_ =	shalt  }
0x5d: {  	_ =	shalt  }
0x5e: {  	_ =	shalt  }
0x5f: {  	_ =	shalt  }
0x60: {  	_ =	shalt  }
0x61: {  	_ =	shalt  }
0x62: {  	_ =	shalt  }
0x63: {  	_ =	shalt  }
0x64: {  	_ =	shalt  }
0x65: {  	_ =	shalt  }
0x66: {  	_ =	shalt  }
0x67: {  	_ =	shalt  }
0x68: {  	_ =	shalt  }
0x69: {  	_ =	shalt  }
0x6a: {  	_ =	shalt  }
0x6b: {  	_ =	shalt  }
0x6c: {  	_ =	shalt  }
0x6d: {  	_ =	shalt  }
0x6e: {  	_ =	shalt  }
0x6f: {  	_ =	shalt  }
0x70: {  	_ =	shalt  }
0x71: {  	_ =	shalt  }
0x72: {  	_ =	shalt  }
0x73: {  	_ =	shalt  }
0x74: {  	_ =	shalt  }
0x75: {  	_ =	shalt  }
0x76: {  	_ =	shalt  }
0x77: {  	_ =	shalt  }
0x78: {  	_ =	shalt  }
0x79: {  	_ =	shalt  }
0x7a: {  	_ =	shalt  }
0x7b: {  	_ =	shalt  }
0x7c: {  	_ =	shalt  }
0x7d: {  	_ =	shalt  }
0x7e: {  	_ =	shalt  }
0x7f: {  	_ =	shalt  }
0x80: {  	_ =	shalt  }
0x81: {  	_ =	shalt  }
0x82: {  	_ =	shalt  }
0x83: {  	_ =	shalt  }
0x84: {  	_ =	shalt  }
0x85: {  	_ =	shalt  }
0x86: {  	_ =	shalt  }
0x87: {  	_ =	shalt  }
.Lfunc_end0:
.L_simem_size_0:
called_computation_lowered:
.L_overlay_start_0:
0x88: {  	s2 =	sld [smem:$0x3FD9]  }
0x89: {  	s3 =	sld [smem:$0x3FFE];
	_ =	sdelay $0x1  }
0x8a: {  	s1 =	srdreg.scid  }
0x8b: {  	s0 =	sand.u32 $0x1, s1  }
0x8c: {  	s17 =	sshll.u32 s0, $0xA;
	s2 =	sadd.s32 s3, s2  }
0x8d: {  	s2 =	sadd.s32 s2, s17  }
0x8e: {  	[smem:$0x3FBC] =	sst s2  }
0x8f: {  	_ = 	snop  }
0x90: {  	s2 =	sld [smem:$0x3FD0];
	(tm) =	ssettm $0x1  }
0x91: {  	s18 =	sld [smem:$0x3FFB];
	_ =	sdelay $0x3  }
0x92: {  	_ =	strace s18  }
0x93: {  	s3 =	sld [smem:$0x3FFC];
	_ =	sdelay $0x3  }
0x94: {  	_ =	strace s3  }
0x95: {  	s3 =	sld [smem:$0x3FFD];
	_ =	sdelay $0x3  }
0x96: {  	_ =	strace s3  }
0x97: {  	_ =	strace $0x8FFFFFFF  }
0x98: {  	s19 =	sld [smem:$0x3FDB];
	_ =	sdelay $0x1  }
0x99: {  	s4 =	simm.s32 $_scs_section_size  }
0x9a: {  	s5 =	simm.s32 $_size__tile_overlayer_lowered;
	s6 =	simm.s32 $_tile_overlayer_lowered  }
0x9b: {  	s22 =	simm.s32 $0x1BFF;
	s21 =	sshll.u32 s6, $0x1;
	s3 =	sadd.s32 s4, s19  }
0x9c: {  	s7 =	simm.s32 $0x0;
	s20 =	sshll.u32 s5, $0x1;
	s5 =	sadd.s32 s21, s3  }
0x9d: {  	[timem:s7], [sflag:s22] =	dma.local [hbm:s5], s20  }
0x9e: {  	_ =	swait.ge [sflag:s22], s20  }
0x9f: {  	s4 =	ssub.s32 $0x0, s20;
	[sflag:s22] =	ssyncset.done $0x0  }
0xa0: {  	[sflag:s22] =	ssyncadd.s32 s4;
	_ =	sdelay $0x1  }
0xa1: {  	s23 =	simm.s32 $0x1B8B  }
0xa2: {  	_ =	swait.ge [sflag:s23], $0x1  }
0xa3: {  	[sflag:s23] =	ssyncset.done $0x0  }
0xa4: {  	s25 =	simm.s32 $0x1B8E;
	s24 =	sld [smem:$0x3FFE];
	[sflag:s23] =	ssyncadd.s32 $0xFFFFFFFF  }
0xa5: {  	s26 =	simm.s32 $execute0_lowered;
	[smem:$0x3FD2] =	sst s25  }
0xa6: {  	s5 =	sshll.u32 s26, $0x1;
	_ =	strace $0x80000046;
	[dreg:$0x1] =	wrdreg $0xFFFFFFFF  }
0xa7: {  	s28 =	simm.s32 $_size_execute0_lowered;
	s3 =	sadd.s32 s3, s5;
	[dreg:$0x0] =	wrdreg $0x0  }
0xa8: {  	s5 =	sshll.u32 s28, $0x1;
	[dreg:$0x2] =	wrdreg s3  }
0xa9: {  	[dreg:$0x3] =	wrdreg s5  }
0xaa: {  	[dreg:$0x4] =	wrdreg $0xC0  }
0xab: {  	_ =	task [dreg:s7], $0x5FFFF  }
0xac: {  	[dreg:$0x1] =	wrdreg $0xFFFFFFFF  }
0xad: {  	[dreg:$0x0] =	wrdreg $0x60  }
0xae: {  	[dreg:$0x2] =	wrdreg s24  }
0xaf: {  	[dreg:$0x3] =	wrdreg s2  }
0xb0: {  	[dreg:$0x4] =	wrdreg $0x9  }
0xb1: {  	_ =	task.clear_ibuf [dreg:s7], $0x5FFFF;
	_ =	strace $0x90000046  }
0xb2: {  	s29 =	simm.s32 $0x9;
	_ =	strace $0x80000048  }
0xb3: {  	_ =	swait.ge [sflag:s29], $0x1  }
0xb4: {  	[sflag:s29] =	ssyncadd.s32 $0xFFFFFFFF  }
0xb5: {  	_ =	strace $0x90000048  }
0xb6: {  	_ =	sfence  }
0xb7: {  	s30 =	sld [smem:$0x0];
	_ =	sdelay $0x2  }
0xb8: {  	s31 =	sshll.u32 s1, $0xD;
	s1 =	sshrl.u32 s1, $0x2  }
0xb9: {  	s3 =	sand.u32 $0x4000, s31;
	s1 =	sadd.s32 s1, s30  }
0xba: {  	s0 =	sor.u32 s3, s0;
	s1 =	sshll.u32 s1, $0x11  }
0xbb: {  	s0 =	sor.u32 s1, s0  }
0xbc: {  	s0 =	sadd.s32 $0x8F2B, s0  }
0xbd: {  	[sflag:s0] =	ssyncadd.remote.s32 $0x1  }
0xbe: {  	_ =	sfence.sel $0xFFFF  }
0xbf: {  	[dreg:$0x0] =	wrdreg $0xFFFFFFFF;
	(pc) =	sbr.abs _section_cstart, $3  }
0xc0: {  	[dreg:$0x1] =	wrdreg $0xFFFFFFFF  }
0xc1: {  	_ =	task.clear_ibuf [dreg:s7], $0x2FFFF;
	_ =	strace $0x9FFFFFFF  }
0xc2: {  	(tm) =	ssettm $0x7FFFFFFF  }
0xc3: {  	_ =	shalt  }
tec
execute0_lowered:
.L_overlay_start_1:
0x0: {  	(tag) =	ssettag $0x1  }
0x1: {  	s0 =	srdreg.scid;
	s4 =	rddreg [dreg:$0x0]  }
0x2: {  	s6 =	rddreg [dreg:$0x1];
	s2 =	simm.s32 $0x0;
	s3 =	sand.u32 $0x1, s0  }
0x3: {  	s10 =	simm.s32 $0x1;
	s0 =	stileid.u32;
	s1 =	sshll.u32 s3, $0x4  }
0x4: {  	s11 =	simm.s32 $0x2800;
	s12 =	simm.s32 $0x5000;
	s1 =	sor.u32 s0, s1  }
0x5: {  	s13 =	simm.s32 $0x7800;
	s14 =	simm.s32 $0x0;
	s1 =	sshrl.u32 s1, $0x3  }
0x6: {  	s30 =	sshll.u32 s0, $0x7;
	s3 =	ssub.s32 $0x2, s3;
	s5 =	smul.u32 $0x14000, s1  }
0x7: {  	[smem:$0x7FF] =	sst s2;
	s7 =	sand.u32 $0x380, s30;
	s8 =	sshrl.u32 s3, $0x1  }
0x8: {  	s8 =	ssub.s32 s3, s8;
	s1 =	rddreg [dreg:$0x2];
	s5 =	sor.u32 s7, s5  }
0x9: {  	_ =	strace $0x80000047;
	s7 =	sshrl.u32 s5, $0x3;
	s9 =	sadd.s32 $0x50000, s5  }
0xa: {  	s4 =	sadd.s32 s7, s4;
	s5 =	sadd.s32 s6, s7;
	s31 =	sshrl.u32 s9, $0x3  }
0xb: {  	s7 =	smax.u32 s8, $0x1;
	s8 =	simm.s32 $0x80;
	s9 =	simm.s32 $0x400  }
0xc: {  	v0 =	vimm.f32 $0.0e+00;
	v1 =	vimm.f32 $1.000000000e+00;
	s3 =	sadd.s32 $0x4E00, s4;
	s4 =	sadd.s32 $0xEE00, s4;
	s6 =	sadd.s32 s6, s31  }
.LBB2_1:
0xd: {  	[tilespmem:s2], [sflag:$0x1] =	stream.strided.gather [hbm4b:s3+s8], $0x2800, s9, s8, $0x38;
	[tilespmem:$0xA000] =	vst v63  }
0xe: {  	_ =	swait.ge [sflag:s10], $0x2800  }
0xf: {  	[sflag:s10] =	ssyncset.done $0x0  }
0x10: {  	[sflag:s10] =	ssyncadd.s32 $0xFFFFD800  }
0x11: {  	[tilespmem:s11], [sflag:$0x1] =	stream.strided.gather [hbm4b:s4+s8], $0x2800, s9, s8, $0x38;
	[tilespmem:$0xA000] =	vst v63  }
0x12: {  	_ =	swait.ge [sflag:s10], $0x2800  }
0x13: {  	[sflag:s10] =	ssyncset.done $0x0  }
0x14: {  	s15 =	simm.s32 $0x0;
	[sflag:s10] =	ssyncadd.s32 $0xFFFFD800  }
.LBB2_2:
0x15: {  	p0 =	sne.s32 s15, $0x9FC0  }
.Ltmp0:
0x16: {  	_ = 	snop;
	(pc) =	sbr.rel @p0 .LBB2_2-.Ltmp0, $4  }
0x17: {  	_ = 	snop  }
0x18: {  	s16 =	sshra.s32 s15, $0x2  }
0x19: {  	[tilespmem:s16+$0x5000] =	vst v0  }
0x1a: {  	s15 =	sadd.s32 $0x40, s15;
	[tilespmem:s16+$0x7800] =	vst v0  }
0x1b: {  	s16 =	simm.s32 $0x0;
	s15 =	simm.s32 $0x40  }
.LBB2_4:
0x1c: {  	p0 =	sne.s32 s15, $0x9EC0;
	v2 =	vld [tilespmem:s16+$0x0];
	_ =	sdelay $0x7  }
0x1d: {  	[tilespmem:v2+s12+$0x0] =	vst.idx.add.f32.msk $0xffff, v1  }
0x1e: {  	v2 =	vld [tilespmem:s16+$0x2800];
	_ =	sdelay $0x3  }
.Ltmp1:
0x1f: {  	(pc) =	sbr.rel @p0 .LBB2_4-.Ltmp1, $2  }
0x20: {  	_ =	sdelay $0x2  }
0x21: {  	s16 =	sshra.s32 s15, $0x2;
	s15 =	sadd.s32 $0x40, s15;
	[tilespmem:v2+s13+$0x0] =	vst.idx.add.f32.msk $0xffff, v1  }
0x22: {  	v2 =	vld [tilespmem:s16+$0x0];
	_ =	sdelay $0x7  }
0x23: {  	[tilespmem:v2+s12+$0x0] =	vst.idx.add.f32.msk $0xffff, v1  }
0x24: {  	v2 =	vld [tilespmem:s16+$0x2800];
	_ =	sdelay $0x7  }
0x25: {  	[tilespmem:v2+s13+$0x0] =	vst.idx.add.f32.msk $0xffff, v1  }
0x26: {  	[hbm4b:s5+s8] =	stream.strided.scatter [tilespmem:s12], [sflag:$0x1], $0x2800, s9, s8, $0x38;
	[tilespmem:$0xA000] =	vst v63  }
0x27: {  	s14 =	sadd.s32 $0x1, s14;
	_ =	swait.ge [sflag:s10], $0x2800  }
0x28: {  	p0 =	sne.s32 s14, s7;
	[sflag:s10] =	ssyncset.done $0x0  }
.Ltmp2:
0x29: {  	[sflag:s10] =	ssyncadd.s32 $0xFFFFD800;
	(pc) =	sbr.rel @p0 .LBB2_1-.Ltmp2, $4  }
0x2a: {  	[hbm4b:s6+s8] =	stream.strided.scatter [tilespmem:s13], [sflag:$0x1], $0x2800, s9, s8, $0x38;
	[tilespmem:$0xA000] =	vst v63  }
0x2b: {  	_ =	swait.ge [sflag:s10], $0x2800  }
0x2c: {  	[sflag:s10] =	ssyncset.done $0x0  }
0x2d: {  	[sflag:s10] =	ssyncadd.s32 $0xFFFFD800  }
0x2e: {  	_ =	sfence.sel $0x180000  }
0x2f: {  	[bflag:$0x0] =	sbarrier.arrive $0xFFFF  }
0x30: {  	p0 =	sne.s32 s0, $0x0;
	_ =	strace $0x90000047  }
0x31: {  	s0 =	sadd.s32 @!p0 $0x100000, s1;
	[bflag:$0x2] =	sbarrier.arrive $0xFFFF  }
0x32: {  	[sflag:s0] =	ssyncadd.tile.s32 @!p0 $0x1;
	_ =	shalt  }
.Lfunc_end2:
_tile_overlayer_lowered:
.L_overlay_start_2:
0x33: {  	(tag) =	ssettag $0x2  }
0x34: {  	s0 =	rddreg [dreg:$0x0];
	s2 =	stileid.u32  }
0x35: {  	s1 =	rddreg [dreg:$0x1];
	p0 =	sne.s32 s2, $0x0  }
0x36: {  	s3 =	rddreg [dreg:$0x2];
	[bflag:$0x3] =	sbarrier.arrive $0xFFFF;
	s2 =	simm.s32 @!p0 $0x1C01  }
0x37: {  	[timem:s3], [sflag:s2] =	dma.local @!p0 [hbm:s0], s1  }
0x38: {  	s0 =	simm.s32 @!p0 $0x1  }
0x39: {  	_ =	swait.ge @!p0 [sflag:s0], s1  }
0x3a: {  	s1 =	ssub.s32 @!p0 $0x0, s1;
	[sflag:s0] =	ssyncset.done @!p0 $0x0  }
0x3b: {  	[sflag:s0] =	ssyncadd.s32 @!p0 s1  }
0x3c: {  	[bflag:$0x3] =	sbarrier.arrive $0xFFFF  }
0x3d: {  	_ =	shalt  }

// kernel: kernel.15.cloned.1.call-start
scs
__scs_entry_jumppad:
0x0: {  	(pc) =	sbr.rel $0x88, $3  }
0x1: {  	(tag) =	ssettag $0x0;
	lr =	simm.s32 $0x1  }
0x2: {  	[smem:$0x3F95] =	sst lr;
	_ =	strace $0xD0000000  }
0x3: {  	_ = 	snop  }
0x4: {  	_ = 	snop  }
0x5: {  	_ = 	snop  }
0x6: {  	_ = 	snop  }
0x7: {  	_ = 	snop  }
__scs_overlays_trampoline_lowered:
0x8: {  	[smem:$0x3FA4] =	sst s0  }
0x9: {  	[smem:$0x3FA5] =	sst s1  }
0xa: {  	[smem:$0x3FA6] =	sst s2  }
0xb: {  	[smem:$0x3FA7] =	sst s3  }
0xc: {  	[smem:$0x3FA8] =	sst s4  }
0xd: {  	[smem:$0x3FA9] =	sst s5  }
0xe: {  	[smem:$0x3FAA] =	sst s6  }
0xf: {  	[smem:$0x3FAB] =	sst s7  }
0x10: {  	[smem:$0x3FAC] =	sst s8  }
0x11: {  	[smem:$0x3FAD] =	sst s9;
	s0 =	simm.s32 @!p0 $0x0  }
0x12: {  	s1 =	sld [smem:$0x3F93];
	s0 =	simm.s32 @p0 $0x1  }
0x13: {  	[smem:$0x3FAE] =	sst s0;
	s0 =	simm.s32 @!p1 $0x0  }
0x14: {  	s2 =	sld [smem:$0x3F92];
	s0 =	simm.s32 @p1 $0x1  }
0x15: {  	[smem:$0x3FAF] =	sst s0;
	s0 =	simm.s32 @!p2 $0x0  }
0x16: {  	s3 =	sld [smem:$0x3FDB];
	s0 =	simm.s32 @p2 $0x1  }
0x17: {  	s4 =	simm.s32 $0x1BF5;
	[smem:$0x3FB1] =	sst s0  }
0x18: {  	s0 =	sld [smem:$0x3F94];
	_ =	swait.ge [sflag:s4], $0x0  }
0x19: {  	s7 =	sld [smem:$0x3F95]  }
0x1a: {  	s8 =	sadd.s32 $0xFFFFE003, lr  }
0x1b: {  	s9 =	sadd.s32 $0xFFFFFEF7, lr;
	s5 =	simm.s32 $0xFFFFFFFF;
	p2 =	slt.u32 s8, $0xFFFFF086  }
0x1c: {  	p1 =	slt.u32 s9, $0xF7A;
	s5 =	simm.s32 @!p2 $0x0  }
0x1d: {  	s5 =	simm.s32 @p1 $0x1;
	p0 =	seq.s32 s7, s2  }
0x1e: {  	s7 =	smul.u32 @!p0 $0xF7A, s2;
	p2 =	seq.s32 @!p0 s5, $0x0  }
0x1f: {  	s9 =	smul.u32 $0xF7A, s1;
	s8 =	simm.s32 @!p0 $0x1BF5;
	p2 =	por !p2, p0  }
0x20: {  	[sflag:s8] =	ssyncset.s32 @!p0 $0xFFFFF086;
	s6 =	sadd.s32 @!p0 s3, s7;
	s7 =	simm.s32 @!p0 $0x108  }
0x21: {  	s3 =	sadd.s32 s3, s9;
	s6 =	sadd.s32 @!p0 $0x88, s6;
	s7 =	simm.s32 @p2 $0x1082  }
0x22: {  	[simem:s7], [sflag:s8] =	dma.local @!p0 [hbm:s6], $0xF7A  }
0x23: {  	s9 =	sor.u32 $0xD0000000, s2;
	s6 =	simm.s32 $0x108;
	_ =	swait.ge @!p0 [sflag:s8], $0x0  }
0x24: {  	s3 =	sadd.s32 $0x88, s3;
	s6 =	simm.s32 @!p1 $0x1082;
	[sflag:s4] =	ssyncset.s32 $0xFFFFF086  }
0x25: {  	[simem:s6], [sflag:s4] =	dma.local [hbm:s3], $0xF7A  }
0x26: {  	[smem:$0x3F95] =	sst s1;
	(tag) =	ssettag s2;
	_ =	strace s9  }
0x27: {  	s1 =	sld [smem:$0x3FA5]  }
0x28: {  	s2 =	sld [smem:$0x3FA6]  }
0x29: {  	s4 =	sld [smem:$0x3FA8]  }
0x2a: {  	p0 =	seq.s32 s5, $0x0;
	s5 =	sld [smem:$0x3FA9]  }
0x2b: {  	s6 =	sld [smem:$0x3FAA]  }
0x2c: {  	s7 =	sld [smem:$0x3FAB]  }
0x2d: {  	s3 =	simm.s32 $0x108;
	s8 =	sld [smem:$0x3FAC]  }
0x2e: {  	s3 =	simm.s32 @!p0 $0x1082;
	s9 =	sld [smem:$0x3FAD]  }
0x2f: {  	lr =	sadd.s32 s0, s3;
	s0 =	sld [smem:$0x3FA4]  }
0x30: {  	s3 =	sld [smem:$0x3FA7]  }
0x31: {  	[smem:$0x3FB0] =	sst s10  }
0x32: {  	s10 =	sld [smem:$0x3FAE];
	_ =	sdelay $0x3  }
0x33: {  	p0 =	seq.s32 s10, $0x1;
	s10 =	sld [smem:$0x3FB0];
	_ =	sdelay $0x3  }
0x34: {  	[smem:$0x3FB0] =	sst s10  }
0x35: {  	s10 =	sld [smem:$0x3FAF];
	_ =	sdelay $0x3  }
0x36: {  	p1 =	seq.s32 s10, $0x1;
	s10 =	sld [smem:$0x3FB0];
	_ =	sdelay $0x3  }
0x37: {  	[smem:$0x3FB0] =	sst s10  }
0x38: {  	s10 =	sld [smem:$0x3FB1]  }
0x39: {  	_ = 	snop;
	(pc) =	sbr.ind lr, $3  }
0x3a: {  	_ = 	snop  }
0x3b: {  	_ = 	snop  }
0x3c: {  	p2 =	seq.s32 s10, $0x1;
	s10 =	sld [smem:$0x3FB0]  }
0x3d: {  	_ =	shalt  }
0x3e: {  	_ =	shalt  }
0x3f: {  	_ =	shalt  }
0x40: {  	_ =	shalt  }
0x41: {  	_ =	shalt  }
0x42: {  	_ =	shalt  }
0x43: {  	_ =	shalt  }
0x44: {  	_ =	shalt  }
0x45: {  	_ =	shalt  }
0x46: {  	_ =	shalt  }
0x47: {  	_ =	shalt  }
0x48: {  	_ =	shalt  }
0x49: {  	_ =	shalt  }
0x4a: {  	_ =	shalt  }
0x4b: {  	_ =	shalt  }
0x4c: {  	_ =	shalt  }
0x4d: {  	_ =	shalt  }
0x4e: {  	_ =	shalt  }
0x4f: {  	_ =	shalt  }
0x50: {  	_ =	shalt  }
0x51: {  	_ =	shalt  }
0x52: {  	_ =	shalt  }
0x53: {  	_ =	shalt  }
0x54: {  	_ =	shalt  }
0x55: {  	_ =	shalt  }
0x56: {  	_ =	shalt  }
0x57: {  	_ =	shalt  }
0x58: {  	_ =	shalt  }
0x59: {  	_ =	shalt  }
0x5a: {  	_ =	shalt  }
0x5b: {  	_ =	shalt  }
0x5c: {  	_ =	shalt  }
0x5d: {  	_ =	shalt  }
0x5e: {  	_ =	shalt  }
0x5f: {  	_ =	shalt  }
0x60: {  	_ =	shalt  }
0x61: {  	_ =	shalt  }
0x62: {  	_ =	shalt  }
0x63: {  	_ =	shalt  }
0x64: {  	_ =	shalt  }
0x65: {  	_ =	shalt  }
0x66: {  	_ =	shalt  }
0x67: {  	_ =	shalt  }
0x68: {  	_ =	shalt  }
0x69: {  	_ =	shalt  }
0x6a: {  	_ =	shalt  }
0x6b: {  	_ =	shalt  }
0x6c: {  	_ =	shalt  }
0x6d: {  	_ =	shalt  }
0x6e: {  	_ =	shalt  }
0x6f: {  	_ =	shalt  }
0x70: {  	_ =	shalt  }
0x71: {  	_ =	shalt  }
0x72: {  	_ =	shalt  }
0x73: {  	_ =	shalt  }
0x74: {  	_ =	shalt  }
0x75: {  	_ =	shalt  }
0x76: {  	_ =	shalt  }
0x77: {  	_ =	shalt  }
0x78: {  	_ =	shalt  }
0x79: {  	_ =	shalt  }
0x7a: {  	_ =	shalt  }
0x7b: {  	_ =	shalt  }
0x7c: {  	_ =	shalt  }
0x7d: {  	_ =	shalt  }
0x7e: {  	_ =	shalt  }
0x7f: {  	_ =	shalt  }
0x80: {  	_ =	shalt  }
0x81: {  	_ =	shalt  }
0x82: {  	_ =	shalt  }
0x83: {  	_ =	shalt  }
0x84: {  	_ =	shalt  }
0x85: {  	_ =	shalt  }
0x86: {  	_ =	shalt  }
0x87: {  	_ =	shalt  }
.Lfunc_end0:
.L_simem_size_0:
called_computation.1_lowered:
.L_overlay_start_0:
0x88: {  	s2 =	sld [smem:$0x3FD9]  }
0x89: {  	s3 =	sld [smem:$0x3FFE];
	_ =	sdelay $0x1  }
0x8a: {  	s1 =	srdreg.scid  }
0x8b: {  	s0 =	sand.u32 $0x1, s1  }
0x8c: {  	s17 =	sshll.u32 s0, $0xA;
	s2 =	sadd.s32 s3, s2  }
0x8d: {  	s2 =	sadd.s32 s2, s17  }
0x8e: {  	[smem:$0x3FBC] =	sst s2  }
0x8f: {  	_ = 	snop  }
0x90: {  	s2 =	sld [smem:$0x3FD0];
	(tm) =	ssettm $0x1  }
0x91: {  	s18 =	sld [smem:$0x3FFB];
	_ =	sdelay $0x3  }
0x92: {  	_ =	strace s18  }
0x93: {  	s3 =	sld [smem:$0x3FFC];
	_ =	sdelay $0x3  }
0x94: {  	_ =	strace s3  }
0x95: {  	s3 =	sld [smem:$0x3FFD];
	_ =	sdelay $0x3  }
0x96: {  	_ =	strace s3  }
0x97: {  	_ =	strace $0x8FFFFFFF  }
0x98: {  	s19 =	sld [smem:$0x3FDB];
	_ =	sdelay $0x1  }
0x99: {  	s4 =	simm.s32 $_scs_section_size  }
0x9a: {  	s5 =	simm.s32 $_size__tile_overlayer_lowered;
	s6 =	simm.s32 $_tile_overlayer_lowered  }
0x9b: {  	s22 =	simm.s32 $0x1BFF;
	s21 =	sshll.u32 s6, $0x1;
	s3 =	sadd.s32 s4, s19  }
0x9c: {  	s7 =	simm.s32 $0x0;
	s20 =	sshll.u32 s5, $0x1;
	s5 =	sadd.s32 s21, s3  }
0x9d: {  	[timem:s7], [sflag:s22] =	dma.local [hbm:s5], s20  }
0x9e: {  	_ =	swait.ge [sflag:s22], s20  }
0x9f: {  	s4 =	ssub.s32 $0x0, s20;
	[sflag:s22] =	ssyncset.done $0x0  }
0xa0: {  	[sflag:s22] =	ssyncadd.s32 s4;
	_ =	sdelay $0x1  }
0xa1: {  	s23 =	simm.s32 $0x1B8B  }
0xa2: {  	_ =	swait.ge [sflag:s23], $0x1  }
0xa3: {  	[sflag:s23] =	ssyncset.done $0x0  }
0xa4: {  	s25 =	simm.s32 $0x1B8E;
	s24 =	sld [smem:$0x3FFE];
	[sflag:s23] =	ssyncadd.s32 $0xFFFFFFFF  }
0xa5: {  	s26 =	simm.s32 $execute0_lowered;
	[smem:$0x3FD2] =	sst s25  }
0xa6: {  	s5 =	sshll.u32 s26, $0x1;
	_ =	strace $0x80000049;
	[dreg:$0x1] =	wrdreg $0xFFFFFFFF  }
0xa7: {  	s28 =	simm.s32 $_size_execute0_lowered;
	s3 =	sadd.s32 s3, s5;
	[dreg:$0x0] =	wrdreg $0x0  }
0xa8: {  	s5 =	sshll.u32 s28, $0x1;
	[dreg:$0x2] =	wrdreg s3  }
0xa9: {  	[dreg:$0x3] =	wrdreg s5  }
0xaa: {  	[dreg:$0x4] =	wrdreg $0xC0  }
0xab: {  	_ =	task [dreg:s7], $0x5FFFF  }
0xac: {  	[dreg:$0x1] =	wrdreg $0xFFFFFFFF  }
0xad: {  	[dreg:$0x0] =	wrdreg $0x60  }
0xae: {  	[dreg:$0x2] =	wrdreg s2  }
0xaf: {  	[dreg:$0x3] =	wrdreg s24  }
0xb0: {  	[dreg:$0x4] =	wrdreg $0xB0000  }
0xb1: {  	[dreg:$0x5] =	wrdreg $0x9  }
0xb2: {  	_ =	task.clear_ibuf [dreg:s7], $0x6FFFF;
	_ =	strace $0x90000049  }
0xb3: {  	s29 =	simm.s32 $0x9;
	_ =	strace $0x8000004B  }
0xb4: {  	_ =	swait.ge [sflag:s29], $0x1  }
0xb5: {  	[sflag:s29] =	ssyncadd.s32 $0xFFFFFFFF  }
0xb6: {  	_ =	strace $0x9000004B  }
0xb7: {  	_ =	sfence  }
0xb8: {  	s30 =	sld [smem:$0x0];
	_ =	sdelay $0x2  }
0xb9: {  	s31 =	sshll.u32 s1, $0xD;
	s1 =	sshrl.u32 s1, $0x2  }
0xba: {  	s3 =	sand.u32 $0x4000, s31;
	s1 =	sadd.s32 s1, s30  }
0xbb: {  	s0 =	sor.u32 s3, s0;
	s1 =	sshll.u32 s1, $0x11  }
0xbc: {  	s0 =	sor.u32 s1, s0  }
0xbd: {  	s0 =	sadd.s32 $0x8F2B, s0  }
0xbe: {  	[sflag:s0] =	ssyncadd.remote.s32 $0x1  }
0xbf: {  	_ =	sfence.sel $0xFFFF  }
0xc0: {  	[dreg:$0x0] =	wrdreg $0xFFFFFFFF;
	(pc) =	sbr.abs _section_cstart, $3  }
0xc1: {  	[dreg:$0x1] =	wrdreg $0xFFFFFFFF  }
0xc2: {  	_ =	task.clear_ibuf [dreg:s7], $0x2FFFF;
	_ =	strace $0x9FFFFFFF  }
0xc3: {  	(tm) =	ssettm $0x7FFFFFFF  }
tec
execute0_lowered:
.L_overlay_start_1:
0x0: {  	(tag) =	ssettag $0x1  }
0x1: {  	s1 =	rddreg [dreg:$0x0]  }
0x2: {  	s0 =	srdreg.scid;
	s5 =	rddreg [dreg:$0x1]  }
0x3: {  	s8 =	stileid.u32;
	s3 =	rddreg [dreg:$0x2];
	s4 =	simm.s32 $0x0  }
0x4: {  	s28 =	simm.s32 $0x7;
	s29 =	simm.s32 $0x40;
	s31 =	simm.s32 $0x7000  }
0x5: {  	s30 =	simm.s32 $0x1;
	s0 =	sand.u32 $0x1, s0;
	s6 =	smul.u32 $0x50000, s8  }
0x6: {  	[smem:$0x7FF] =	sst s4;
	s9 =	sadd.s32 $0x86E00, s5;
	s2 =	sshll.u32 s0, $0x4  }
0x7: {  	s7 =	smul.u32 $0x140000, s0;
	_ =	strace $0x8000004A;
	s0 =	ssub.s32 $0x2, s0  }
0x8: {  	s2 =	sor.u32 s8, s2;
	s8 =	smul.u32 $0x14000, s8;
	s23 =	sshrl.u32 s0, $0x1  }
0x9: {  	s24 =	sshrl.u32 s6, $0x2;
	s2 =	smul.u32 $0xA00, s2;
	s0 =	ssub.s32 s0, s23  }
0xa: {  	s25 =	sadd.s32 s7, s8;
	s0 =	smax.u32 s0, $0x1;
	s12 =	sadd.s32 $0x4000, s8  }
0xb: {  	s22 =	sadd.s32 $0x8000, s8;
	s2 =	sadd.s32 s2, s5;
	s5 =	sadd.s32 s24, s3  }
0xc: {  	s26 =	sshrl.u32 s25, $0x3;
	[dreg:$0x6] =	wrdreg s0;
	s21 =	sadd.s32 s7, s12  }
0xd: {  	s23 =	sadd.s32 s7, s22;
	s0 =	sadd.s32 s12, s3;
	s2 =	sadd.s32 $0x18E00, s2  }
0xe: {  	s6 =	sadd.s32 $0x2000, s5;
	s10 =	sadd.s32 $0x4000, s5;
	[dreg:$0x4] =	wrdreg s2  }
0xf: {  	s11 =	sadd.s32 $0x6000, s5;
	s20 =	sadd.s32 $0x8000, s5;
	[dreg:$0x7] =	wrdreg s6  }
0x10: {  	s13 =	sadd.s32 $0xA000, s5;
	s14 =	sadd.s32 $0xC000, s5;
	[dreg:$0x8] =	wrdreg s10  }
0x11: {  	s15 =	sadd.s32 $0xE000, s5;
	s16 =	sadd.s32 $0x10000, s5;
	[dreg:$0x9] =	wrdreg s11  }
0x12: {  	s2 =	sadd.s32 s9, s26;
	[dreg:$0xa] =	wrdreg s20;
	s10 =	sadd.s32 $0xC000, s8  }
0x13: {  	s8 =	sadd.s32 $0x10000, s8;
	s6 =	sshrl.u32 s23, $0x3;
	[dreg:$0x5] =	wrdreg s2  }
0x14: {  	s2 =	sshrl.u32 s21, $0x3;
	s11 =	sadd.s32 s7, s10;
	s7 =	sadd.s32 s7, s8  }
0x15: {  	s18 =	sadd.s32 s9, s6;
	s21 =	sadd.s32 $0x12000, s5;
	s25 =	sadd.s32 s10, s3  }
0x16: {  	s26 =	sadd.s32 s8, s3;
	s6 =	simm.s32 $0x3;
	s8 =	simm.s32 $0x5  }
0x17: {  	s17 =	sadd.s32 s9, s2;
	s24 =	sshrl.u32 s11, $0x3;
	s7 =	sshrl.u32 s7, $0x3  }
0x18: {  	s2 =	sadd.s32 s22, s3;
	s22 =	sshrl.u32 s0, $0x3;
	s0 =	simm.s32 $0x9000  }
0x19: {  	s19 =	sadd.s32 s9, s24;
	s20 =	sadd.s32 s9, s7;
	s23 =	sshrl.u32 s2, $0x3  }
0x1a: {  	s24 =	sshrl.u32 s25, $0x3;
	s25 =	sshrl.u32 s26, $0x3;
	s26 =	simm.s32 $0x5000  }
0x1b: {  	v0 =	vimm.f32 $0.0e+00;
	s2 =	simm.s32 $0x2;
	s7 =	simm.s32 $0x4;
	s9 =	simm.s32 $0x6  }
.LBB2_1:
0x1c: {  	s10 =	simm.s32 $0x0;
	s11 =	simm.s32 $0x200  }
.LBB2_2:
0x1d: {  	p0 =	sne.s32 s11, $0x7E00;
	[tilespmem:s10+$0x5070] =	vst v0  }
0x1e: {  	[tilespmem:s10+$0x5000] =	vst v0  }
0x1f: {  	[tilespmem:s10+$0x5010] =	vst v0  }
.Ltmp0:
0x20: {  	[tilespmem:s10+$0x5020] =	vst v0;
	(pc) =	sbr.rel @p0 .LBB2_2-.Ltmp0, $4  }
0x21: {  	[tilespmem:s10+$0x5030] =	vst v0  }
0x22: {  	[tilespmem:s10+$0x5040] =	vst v0  }
0x23: {  	[tilespmem:s10+$0x5050] =	vst v0  }
0x24: {  	[tilespmem:s10+$0x5060] =	vst v0;
	s10 =	sshra.s32 s11, $0x2;
	s11 =	sadd.s32 $0x200, s11  }
0x25: {  	[tilespmem:s10+$0x5070] =	vst v0  }
0x26: {  	[tilespmem:s10+$0x5000] =	vst v0  }
0x27: {  	[tilespmem:s10+$0x5010] =	vst v0  }
0x28: {  	[tilespmem:s10+$0x5020] =	vst v0  }
0x29: {  	[tilespmem:s10+$0x5030] =	vst v0  }
0x2a: {  	[tilespmem:s10+$0x5040] =	vst v0  }
0x2b: {  	[tilespmem:s10+$0x5050] =	vst v0  }
0x2c: {  	[tilespmem:s10+$0x5060] =	vst v0  }
0x2d: {  	[spmem:s5] =	stream.linear.scatter [tilespmem:s26], [sflag:$0x7], $0x2000, $0x38;
	[tilespmem:$0x1F000] =	vst v63  }
0x2e: {  	_ =	swait.ge [sflag:s28], $0x2000  }
0x2f: {  	[sflag:s28] =	ssyncset.done $0x0  }
0x30: {  	s12 =	rddreg [dreg:$0x7];
	[sflag:s28] =	ssyncadd.s32 $0xFFFFE000  }
0x31: {  	[spmem:s12] =	stream.linear.scatter [tilespmem:s26], [sflag:$0x7], $0x2000, $0x38;
	[tilespmem:$0x1F000] =	vst v63  }
0x32: {  	_ =	swait.ge [sflag:s28], $0x2000  }
0x33: {  	[sflag:s28] =	ssyncset.done $0x0  }
0x34: {  	s11 =	rddreg [dreg:$0x8];
	[sflag:s28] =	ssyncadd.s32 $0xFFFFE000  }
0x35: {  	[spmem:s11] =	stream.linear.scatter [tilespmem:s26], [sflag:$0x7], $0x2000, $0x38;
	[tilespmem:$0x1F000] =	vst v63  }
0x36: {  	_ =	swait.ge [sflag:s28], $0x2000  }
0x37: {  	[sflag:s28] =	ssyncset.done $0x0  }
0x38: {  	s12 =	rddreg [dreg:$0x9];
	[sflag:s28] =	ssyncadd.s32 $0xFFFFE000  }
0x39: {  	[spmem:s12] =	stream.linear.scatter [tilespmem:s26], [sflag:$0x7], $0x2000, $0x38;
	[tilespmem:$0x1F000] =	vst v63  }
0x3a: {  	_ =	swait.ge [sflag:s28], $0x2000  }
0x3b: {  	[sflag:s28] =	ssyncset.done $0x0  }
0x3c: {  	s11 =	rddreg [dreg:$0xa];
	[sflag:s28] =	ssyncadd.s32 $0xFFFFE000  }
0x3d: {  	[spmem:s11] =	stream.linear.scatter [tilespmem:s26], [sflag:$0x7], $0x2000, $0x38;
	[tilespmem:$0x1F000] =	vst v63  }
0x3e: {  	_ =	swait.ge [sflag:s28], $0x2000  }
0x3f: {  	[sflag:s28] =	ssyncset.done $0x0  }
0x40: {  	[sflag:s28] =	ssyncadd.s32 $0xFFFFE000  }
0x41: {  	[spmem:s13] =	stream.linear.scatter [tilespmem:s26], [sflag:$0x7], $0x2000, $0x38;
	[tilespmem:$0x1F000] =	vst v63  }
0x42: {  	_ =	swait.ge [sflag:s28], $0x2000  }
0x43: {  	[sflag:s28] =	ssyncset.done $0x0  }
0x44: {  	[sflag:s28] =	ssyncadd.s32 $0xFFFFE000  }
0x45: {  	[spmem:s14] =	stream.linear.scatter [tilespmem:s26], [sflag:$0x7], $0x2000, $0x38;
	[tilespmem:$0x1F000] =	vst v63  }
0x46: {  	_ =	swait.ge [sflag:s28], $0x2000  }
0x47: {  	[sflag:s28] =	ssyncset.done $0x0  }
0x48: {  	[sflag:s28] =	ssyncadd.s32 $0xFFFFE000  }
0x49: {  	[spmem:s15] =	stream.linear.scatter [tilespmem:s26], [sflag:$0x7], $0x2000, $0x38;
	[tilespmem:$0x1F000] =	vst v63  }
0x4a: {  	_ =	swait.ge [sflag:s28], $0x2000  }
0x4b: {  	[sflag:s28] =	ssyncset.done $0x0  }
0x4c: {  	[sflag:s28] =	ssyncadd.s32 $0xFFFFE000  }
0x4d: {  	[spmem:s16] =	stream.linear.scatter [tilespmem:s26], [sflag:$0x7], $0x2000, $0x38;
	[tilespmem:$0x1F000] =	vst v63  }
0x4e: {  	_ =	swait.ge [sflag:s28], $0x2000  }
0x4f: {  	[sflag:s28] =	ssyncset.done $0x0  }
0x50: {  	[sflag:s28] =	ssyncadd.s32 $0xFFFFE000  }
0x51: {  	[spmem:s21] =	stream.linear.scatter [tilespmem:s26], [sflag:$0x7], $0x2000, $0x38;
	[tilespmem:$0x1F000] =	vst v63  }
0x52: {  	_ =	swait.ge [sflag:s28], $0x2000  }
0x53: {  	[sflag:s28] =	ssyncset.done $0x0  }
0x54: {  	[sflag:s28] =	ssyncadd.s32 $0xFFFFE000  }
0x55: {  	[bflag:$0x0] =	sbarrier.arrive $0xFFFF  }
0x56: {  	s12 =	simm.s32 $0x0;
	s11 =	rddreg [dreg:$0x4]  }
0x57: {  	[tilespmem:s12], [sflag:$0x7] =	stream.linear.gather [hbm4b:s11+s12], $0x4F80, $0x38;
	[tilespmem:$0x1F000] =	vst v63  }
0x58: {  	_ =	swait.ge [sflag:s28], $0x4F80  }
0x59: {  	[sflag:s28] =	ssyncset.done $0x0  }
0x5a: {  	[sflag:s28] =	ssyncadd.s32 $0xFFFFB080  }
0x5b: {  	[tilespmem:s26], [sflag:$0x1] =	stream.indirect.gather [hbm4b:s1+s29], $0x80, s12, s29, $0xb8;
	[tilespmem:$0x1F000] =	vst v63  }
0x5c: {  	s12 =	simm.s32 $0x80  }
0x5d: {  	[tilespmem:s31], [sflag:$0x2] =	stream.indirect.gather [hbm4b:s1+s29], $0x80, s12, s29, $0xb8;
	[tilespmem:$0x1F000] =	vst v63  }
0x5e: {  	s11 =	simm.s32 $0x100  }
0x5f: {  	[tilespmem:s0], [sflag:$0x3] =	stream.indirect.gather [hbm4b:s1+s29], $0x80, s11, s29, $0xb8;
	[tilespmem:$0x1F000] =	vst v63  }
0x60: {  	_ =	swait.ge [sflag:s30], $0x2000  }
0x61: {  	[sflag:s30] =	ssyncset.done $0x0  }
0x62: {  	s12 =	simm.s32 $0x40;
	[sflag:s30] =	ssyncadd.s32 $0xFFFFE000  }
0x63: {  	[spmem:s3] =	stream.indirect.scatter.add.f32 [tilespmem:s26], [sflag:$0x4], $0x80, s12, s29, $0xb8;
	[tilespmem:$0x1F000] =	vst v63  }
0x64: {  	_ =	swait.ge [sflag:s2], $0x2000  }
0x65: {  	[sflag:s2] =	ssyncset.done $0x0  }
0x66: {  	s11 =	simm.s32 $0xC0;
	[sflag:s2] =	ssyncadd.s32 $0xFFFFE000  }
0x67: {  	[spmem:s3] =	stream.indirect.scatter.add.f32 [tilespmem:s31], [sflag:$0x5], $0x80, s11, s29, $0xb8;
	[tilespmem:$0x1F000] =	vst v63  }
0x68: {  	_ =	swait.ge [sflag:s6], $0x2000  }
0x69: {  	[sflag:s6] =	ssyncset.done $0x0  }
0x6a: {  	s12 =	simm.s32 $0x140;
	[sflag:s6] =	ssyncadd.s32 $0xFFFFE000  }
0x6b: {  	[spmem:s3] =	stream.indirect.scatter.add.f32 [tilespmem:s0], [sflag:$0x6], $0x80, s12, s29, $0xb8;
	[tilespmem:$0x1F000] =	vst v63  }
0x6c: {  	_ =	swait.ge [sflag:s7], $0x2000  }
0x6d: {  	[sflag:s7] =	ssyncset.done $0x0  }
0x6e: {  	s11 =	simm.s32 $0x180;
	[sflag:s7] =	ssyncadd.s32 $0xFFFFE000  }
0x6f: {  	[tilespmem:s26], [sflag:$0x1] =	stream.indirect.gather [hbm4b:s1+s29], $0x80, s11, s29, $0xb8;
	[tilespmem:$0x1F000] =	vst v63  }
0x70: {  	_ =	swait.ge [sflag:s8], $0x2000  }
0x71: {  	[sflag:s8] =	ssyncset.done $0x0  }
0x72: {  	s12 =	simm.s32 $0x200;
	[sflag:s8] =	ssyncadd.s32 $0xFFFFE000  }
0x73: {  	[tilespmem:s31], [sflag:$0x2] =	stream.indirect.gather [hbm4b:s1+s29], $0x80, s12, s29, $0xb8;
	[tilespmem:$0x1F000] =	vst v63  }
0x74: {  	_ =	swait.ge [sflag:s9], $0x2000  }
0x75: {  	[sflag:s9] =	ssyncset.done $0x0  }
0x76: {  	s10 =	simm.s32 $0x600;
	s11 =	simm.s32 $0x280;
	[sflag:s9] =	ssyncadd.s32 $0xFFFFE000  }
.LBB2_4:
0x77: {  	[tilespmem:s0], [sflag:$0x3] =	stream.indirect.gather [hbm4b:s1+s29], $0x80, s11, s29, $0xb8;
	[tilespmem:$0x1F000] =	vst v63  }
0x78: {  	s11 =	smov.u32 s10  }
0x79: {  	p0 =	sne.s32 s10, $0x13200;
	s10 =	sadd.s32 $0x600, s10;
	_ =	swait.ge [sflag:s30], $0x2000  }
0x7a: {  	s11 =	sshra.s32 s11, $0x2;
	[sflag:s30] =	ssyncset.done $0x0  }
0x7b: {  	s12 =	sadd.s32 $0x40, s11;
	[sflag:s30] =	ssyncadd.s32 $0xFFFFE000  }
0x7c: {  	[spmem:s3] =	stream.indirect.scatter.add.f32 [tilespmem:s26], [sflag:$0x4], $0x80, s12, s29, $0xb8;
	[tilespmem:$0x1F000] =	vst v63  }
0x7d: {  	_ =	swait.ge [sflag:s2], $0x2000  }
0x7e: {  	[sflag:s2] =	ssyncset.done $0x0  }
0x7f: {  	s12 =	sadd.s32 $0xC0, s11;
	[sflag:s2] =	ssyncadd.s32 $0xFFFFE000  }
0x80: {  	[spmem:s3] =	stream.indirect.scatter.add.f32 [tilespmem:s31], [sflag:$0x5], $0x80, s12, s29, $0xb8;
	[tilespmem:$0x1F000] =	vst v63  }
0x81: {  	_ =	swait.ge [sflag:s6], $0x2000  }
0x82: {  	[sflag:s6] =	ssyncset.done $0x0  }
0x83: {  	s12 =	sadd.s32 $0x140, s11;
	[sflag:s6] =	ssyncadd.s32 $0xFFFFE000  }
0x84: {  	[spmem:s3] =	stream.indirect.scatter.add.f32 [tilespmem:s0], [sflag:$0x6], $0x80, s12, s29, $0xb8;
	[tilespmem:$0x1F000] =	vst v63  }
0x85: {  	_ =	swait.ge [sflag:s7], $0x2000  }
0x86: {  	[sflag:s7] =	ssyncset.done $0x0  }
0x87: {  	s12 =	sadd.s32 $0x180, s11;
	[sflag:s7] =	ssyncadd.s32 $0xFFFFE000  }
0x88: {  	[tilespmem:s26], [sflag:$0x1] =	stream.indirect.gather [hbm4b:s1+s29], $0x80, s12, s29, $0xb8;
	[tilespmem:$0x1F000] =	vst v63  }
0x89: {  	_ =	swait.ge [sflag:s8], $0x2000  }
0x8a: {  	[sflag:s8] =	ssyncset.done $0x0  }
.Ltmp1:
0x8b: {  	s12 =	sadd.s32 $0x200, s11;
	[sflag:s8] =	ssyncadd.s32 $0xFFFFE000;
	(pc) =	sbr.rel @p0 .LBB2_4-.Ltmp1, $4  }
0x8c: {  	[tilespmem:s31], [sflag:$0x2] =	stream.indirect.gather [hbm4b:s1+s29], $0x80, s12, s29, $0xb8;
	[tilespmem:$0x1F000] =	vst v63  }
0x8d: {  	_ =	swait.ge [sflag:s9], $0x2000  }
0x8e: {  	[sflag:s9] =	ssyncset.done $0x0  }
0x8f: {  	s11 =	sadd.s32 $0x280, s11;
	[sflag:s9] =	ssyncadd.s32 $0xFFFFE000  }
0x90: {  	[tilespmem:s0], [sflag:$0x3] =	stream.indirect.gather [hbm4b:s1+s29], $0x80, s11, s29, $0xb8;
	[tilespmem:$0x1F000] =	vst v63  }
0x91: {  	_ =	swait.ge [sflag:s30], $0x2000  }
0x92: {  	[sflag:s30] =	ssyncset.done $0x0  }
0x93: {  	s10 =	simm.s32 $0x4E40;
	[sflag:s30] =	ssyncadd.s32 $0xFFFFE000  }
0x94: {  	[spmem:s3] =	stream.indirect.scatter.add.f32 [tilespmem:s26], [sflag:$0x4], $0x80, s10, s29, $0xb8;
	[tilespmem:$0x1F000] =	vst v63  }
0x95: {  	_ =	swait.ge [sflag:s2], $0x2000  }
0x96: {  	[sflag:s2] =	ssyncset.done $0x0  }
0x97: {  	s11 =	simm.s32 $0x4EC0;
	[sflag:s2] =	ssyncadd.s32 $0xFFFFE000  }
0x98: {  	[spmem:s3] =	stream.indirect.scatter.add.f32 [tilespmem:s31], [sflag:$0x5], $0x80, s11, s29, $0xb8;
	[tilespmem:$0x1F000] =	vst v63  }
0x99: {  	_ =	swait.ge [sflag:s6], $0x2000  }
0x9a: {  	[sflag:s6] =	ssyncset.done $0x0  }
0x9b: {  	s12 =	simm.s32 $0x4F40;
	[sflag:s6] =	ssyncadd.s32 $0xFFFFE000  }
0x9c: {  	[spmem:s3] =	stream.indirect.scatter.add.f32 [tilespmem:s0], [sflag:$0x6], $0x80, s12, s29, $0xb8;
	[tilespmem:$0x1F000] =	vst v63  }
0x9d: {  	_ =	swait.ge [sflag:s7], $0x2000  }
0x9e: {  	[sflag:s7] =	ssyncset.done $0x0  }
0x9f: {  	[sflag:s7] =	ssyncadd.s32 $0xFFFFE000  }
0xa0: {  	_ =	swait.ge [sflag:s8], $0x2000  }
0xa1: {  	[sflag:s8] =	ssyncset.done $0x0  }
0xa2: {  	[sflag:s8] =	ssyncadd.s32 $0xFFFFE000  }
0xa3: {  	_ =	swait.ge [sflag:s9], $0x2000  }
0xa4: {  	[sflag:s9] =	ssyncset.done $0x0  }
0xa5: {  	s11 =	stileid.u32;
	[sflag:s9] =	ssyncadd.s32 $0xFFFFE000  }
0xa6: {  	s10 =	sshll.u32 s11, $0x6;
	[bflag:$0x0] =	sbarrier.arrive $0xFFFF  }
0xa7: {  	s11 =	sshrl.u32 s5, $0x3;
	s10 =	sor.u32 $0x1C07, s10;
	s12 =	rddreg [dreg:$0x5]  }
0xa8: {  	[hbm:s12], [sflag:s10] =	dma.local [spmem:s11], $0x800  }
0xa9: {  	_ =	swait.ge [sflag:s28], $0x800  }
0xaa: {  	[sflag:s28] =	ssyncset.done $0x0  }
0xab: {  	[sflag:s28] =	ssyncadd.s32 $0xFFFFF800  }
0xac: {  	[hbm:s17], [sflag:s10] =	dma.local [spmem:s22], $0x800  }
0xad: {  	_ =	swait.ge [sflag:s28], $0x800  }
0xae: {  	[sflag:s28] =	ssyncset.done $0x0  }
0xaf: {  	[sflag:s28] =	ssyncadd.s32 $0xFFFFF800  }
0xb0: {  	[hbm:s18], [sflag:s10] =	dma.local [spmem:s23], $0x800  }
0xb1: {  	_ =	swait.ge [sflag:s28], $0x800  }
0xb2: {  	[sflag:s28] =	ssyncset.done $0x0  }
0xb3: {  	[sflag:s28] =	ssyncadd.s32 $0xFFFFF800  }
0xb4: {  	[hbm:s19], [sflag:s10] =	dma.local [spmem:s24], $0x800  }
0xb5: {  	_ =	swait.ge [sflag:s28], $0x800  }
0xb6: {  	[sflag:s28] =	ssyncset.done $0x0  }
0xb7: {  	[sflag:s28] =	ssyncadd.s32 $0xFFFFF800  }
0xb8: {  	[hbm:s20], [sflag:s10] =	dma.local [spmem:s25], $0x800  }
0xb9: {  	_ =	swait.ge [sflag:s28], $0x800  }
0xba: {  	s4 =	sadd.s32 $0x1, s4;
	s12 =	rddreg [dreg:$0x6]  }
0xbb: {  	p0 =	sne.s32 s4, s12  }
.Ltmp2:
0xbc: {  	_ = 	snop;
	(pc) =	sbr.rel @p0 .LBB2_1-.Ltmp2, $3  }
0xbd: {  	_ =	sdelay $0x1  }
0xbe: {  	[sflag:s28] =	ssyncset.done $0x0  }
0xbf: {  	[sflag:s28] =	ssyncadd.s32 $0xFFFFF800  }
0xc0: {  	_ =	sfence.sel $0x180000  }
0xc1: {  	[bflag:$0x0] =	sbarrier.arrive $0xFFFF  }
0xc2: {  	_ =	strace $0x9000004A  }
0xc3: {  	s0 =	stileid.u32;
	[bflag:$0x2] =	sbarrier.arrive $0xFFFF  }
0xc4: {  	p0 =	sne.s32 s0, $0x0;
	s0 =	rddreg [dreg:$0x3]  }
0xc5: {  	s0 =	sadd.s32 @!p0 $0x100000, s0  }
0xc6: {  	[sflag:s0] =	ssyncadd.tile.s32 @!p0 $0x1;
	_ =	shalt  }
.Lfunc_end2:
_tile_overlayer_lowered:
.L_overlay_start_2:
0xc7: {  	(tag) =	ssettag $0x2  }
0xc8: {  	s0 =	rddreg [dreg:$0x0];
	s2 =	stileid.u32  }
0xc9: {  	s1 =	rddreg [dreg:$0x1];
	p0 =	sne.s32 s2, $0x0  }
0xca: {  	s3 =	rddreg [dreg:$0x2];
	[bflag:$0x3] =	sbarrier.arrive $0xFFFF;
	s2 =	simm.s32 @!p0 $0x1C07  }
0xcb: {  	[timem:s3], [sflag:s2] =	dma.local @!p0 [hbm:s0], s1  }
0xcc: {  	s0 =	simm.s32 @!p0 $0x7  }
0xcd: {  	_ =	swait.ge @!p0 [sflag:s0], s1  }
0xce: {  	s1 =	ssub.s32 @!p0 $0x0, s1;
	[sflag:s0] =	ssyncset.done @!p0 $0x0  }
0xcf: {  	[sflag:s0] =	ssyncadd.s32 @!p0 s1  }
0xd0: {  	[bflag:$0x3] =	sbarrier.arrive $0xFFFF  }
0xd1: {  	_ =	shalt  }

// kernel: kernel.18.cloned.1.call-start
scs
__scs_entry_jumppad:
0x0: {  	(pc) =	sbr.rel $0x88, $3  }
0x1: {  	(tag) =	ssettag $0x0;
	lr =	simm.s32 $0x1  }
0x2: {  	[smem:$0x3F95] =	sst lr;
	_ =	strace $0xD0000000  }
0x3: {  	_ = 	snop  }
0x4: {  	_ = 	snop  }
0x5: {  	_ = 	snop  }
0x6: {  	_ = 	snop  }
0x7: {  	_ = 	snop  }
__scs_overlays_trampoline_lowered:
0x8: {  	[smem:$0x3FA4] =	sst s0  }
0x9: {  	[smem:$0x3FA5] =	sst s1  }
0xa: {  	[smem:$0x3FA6] =	sst s2  }
0xb: {  	[smem:$0x3FA7] =	sst s3  }
0xc: {  	[smem:$0x3FA8] =	sst s4  }
0xd: {  	[smem:$0x3FA9] =	sst s5  }
0xe: {  	[smem:$0x3FAA] =	sst s6  }
0xf: {  	[smem:$0x3FAB] =	sst s7  }
0x10: {  	[smem:$0x3FAC] =	sst s8  }
0x11: {  	[smem:$0x3FAD] =	sst s9;
	s0 =	simm.s32 @!p0 $0x0  }
0x12: {  	s1 =	sld [smem:$0x3F93];
	s0 =	simm.s32 @p0 $0x1  }
0x13: {  	[smem:$0x3FAE] =	sst s0;
	s0 =	simm.s32 @!p1 $0x0  }
0x14: {  	s2 =	sld [smem:$0x3F92];
	s0 =	simm.s32 @p1 $0x1  }
0x15: {  	[smem:$0x3FAF] =	sst s0;
	s0 =	simm.s32 @!p2 $0x0  }
0x16: {  	s3 =	sld [smem:$0x3FDB];
	s0 =	simm.s32 @p2 $0x1  }
0x17: {  	s4 =	simm.s32 $0x1BF5;
	[smem:$0x3FB1] =	sst s0  }
0x18: {  	s0 =	sld [smem:$0x3F94];
	_ =	swait.ge [sflag:s4], $0x0  }
0x19: {  	s7 =	sld [smem:$0x3F95]  }
0x1a: {  	s8 =	sadd.s32 $0xFFFFE003, lr  }
0x1b: {  	s9 =	sadd.s32 $0xFFFFFEF7, lr;
	s5 =	simm.s32 $0xFFFFFFFF;
	p2 =	slt.u32 s8, $0xFFFFF086  }
0x1c: {  	p1 =	slt.u32 s9, $0xF7A;
	s5 =	simm.s32 @!p2 $0x0  }
0x1d: {  	s5 =	simm.s32 @p1 $0x1;
	p0 =	seq.s32 s7, s2  }
0x1e: {  	s7 =	smul.u32 @!p0 $0xF7A, s2;
	p2 =	seq.s32 @!p0 s5, $0x0  }
0x1f: {  	s9 =	smul.u32 $0xF7A, s1;
	s8 =	simm.s32 @!p0 $0x1BF5;
	p2 =	por !p2, p0  }
0x20: {  	[sflag:s8] =	ssyncset.s32 @!p0 $0xFFFFF086;
	s6 =	sadd.s32 @!p0 s3, s7;
	s7 =	simm.s32 @!p0 $0x108  }
0x21: {  	s3 =	sadd.s32 s3, s9;
	s6 =	sadd.s32 @!p0 $0x88, s6;
	s7 =	simm.s32 @p2 $0x1082  }
0x22: {  	[simem:s7], [sflag:s8] =	dma.local @!p0 [hbm:s6], $0xF7A  }
0x23: {  	s9 =	sor.u32 $0xD0000000, s2;
	s6 =	simm.s32 $0x108;
	_ =	swait.ge @!p0 [sflag:s8], $0x0  }
0x24: {  	s3 =	sadd.s32 $0x88, s3;
	s6 =	simm.s32 @!p1 $0x1082;
	[sflag:s4] =	ssyncset.s32 $0xFFFFF086  }
0x25: {  	[simem:s6], [sflag:s4] =	dma.local [hbm:s3], $0xF7A  }
0x26: {  	[smem:$0x3F95] =	sst s1;
	(tag) =	ssettag s2;
	_ =	strace s9  }
0x27: {  	s1 =	sld [smem:$0x3FA5]  }
0x28: {  	s2 =	sld [smem:$0x3FA6]  }
0x29: {  	s4 =	sld [smem:$0x3FA8]  }
0x2a: {  	p0 =	seq.s32 s5, $0x0;
	s5 =	sld [smem:$0x3FA9]  }
0x2b: {  	s6 =	sld [smem:$0x3FAA]  }
0x2c: {  	s7 =	sld [smem:$0x3FAB]  }
0x2d: {  	s3 =	simm.s32 $0x108;
	s8 =	sld [smem:$0x3FAC]  }
0x2e: {  	s3 =	simm.s32 @!p0 $0x1082;
	s9 =	sld [smem:$0x3FAD]  }
0x2f: {  	lr =	sadd.s32 s0, s3;
	s0 =	sld [smem:$0x3FA4]  }
0x30: {  	s3 =	sld [smem:$0x3FA7]  }
0x31: {  	[smem:$0x3FB0] =	sst s10  }
0x32: {  	s10 =	sld [smem:$0x3FAE];
	_ =	sdelay $0x3  }
0x33: {  	p0 =	seq.s32 s10, $0x1;
	s10 =	sld [smem:$0x3FB0];
	_ =	sdelay $0x3  }
0x34: {  	[smem:$0x3FB0] =	sst s10  }
0x35: {  	s10 =	sld [smem:$0x3FAF];
	_ =	sdelay $0x3  }
0x36: {  	p1 =	seq.s32 s10, $0x1;
	s10 =	sld [smem:$0x3FB0];
	_ =	sdelay $0x3  }
0x37: {  	[smem:$0x3FB0] =	sst s10  }
0x38: {  	s10 =	sld [smem:$0x3FB1]  }
0x39: {  	_ = 	snop;
	(pc) =	sbr.ind lr, $3  }
0x3a: {  	_ = 	snop  }
0x3b: {  	_ = 	snop  }
0x3c: {  	p2 =	seq.s32 s10, $0x1;
	s10 =	sld [smem:$0x3FB0]  }
0x3d: {  	_ =	shalt  }
0x3e: {  	_ =	shalt  }
0x3f: {  	_ =	shalt  }
0x40: {  	_ =	shalt  }
0x41: {  	_ =	shalt  }
0x42: {  	_ =	shalt  }
0x43: {  	_ =	shalt  }
0x44: {  	_ =	shalt  }
0x45: {  	_ =	shalt  }
0x46: {  	_ =	shalt  }
0x47: {  	_ =	shalt  }
0x48: {  	_ =	shalt  }
0x49: {  	_ =	shalt  }
0x4a: {  	_ =	shalt  }
0x4b: {  	_ =	shalt  }
0x4c: {  	_ =	shalt  }
0x4d: {  	_ =	shalt  }
0x4e: {  	_ =	shalt  }
0x4f: {  	_ =	shalt  }
0x50: {  	_ =	shalt  }
0x51: {  	_ =	shalt  }
0x52: {  	_ =	shalt  }
0x53: {  	_ =	shalt  }
0x54: {  	_ =	shalt  }
0x55: {  	_ =	shalt  }
0x56: {  	_ =	shalt  }
0x57: {  	_ =	shalt  }
0x58: {  	_ =	shalt  }
0x59: {  	_ =	shalt  }
0x5a: {  	_ =	shalt  }
0x5b: {  	_ =	shalt  }
0x5c: {  	_ =	shalt  }
0x5d: {  	_ =	shalt  }
0x5e: {  	_ =	shalt  }
0x5f: {  	_ =	shalt  }
0x60: {  	_ =	shalt  }
0x61: {  	_ =	shalt  }
0x62: {  	_ =	shalt  }
0x63: {  	_ =	shalt  }
0x64: {  	_ =	shalt  }
0x65: {  	_ =	shalt  }
0x66: {  	_ =	shalt  }
0x67: {  	_ =	shalt  }
0x68: {  	_ =	shalt  }
0x69: {  	_ =	shalt  }
0x6a: {  	_ =	shalt  }
0x6b: {  	_ =	shalt  }
0x6c: {  	_ =	shalt  }
0x6d: {  	_ =	shalt  }
0x6e: {  	_ =	shalt  }
0x6f: {  	_ =	shalt  }
0x70: {  	_ =	shalt  }
0x71: {  	_ =	shalt  }
0x72: {  	_ =	shalt  }
0x73: {  	_ =	shalt  }
0x74: {  	_ =	shalt  }
0x75: {  	_ =	shalt  }
0x76: {  	_ =	shalt  }
0x77: {  	_ =	shalt  }
0x78: {  	_ =	shalt  }
0x79: {  	_ =	shalt  }
0x7a: {  	_ =	shalt  }
0x7b: {  	_ =	shalt  }
0x7c: {  	_ =	shalt  }
0x7d: {  	_ =	shalt  }
0x7e: {  	_ =	shalt  }
0x7f: {  	_ =	shalt  }
0x80: {  	_ =	shalt  }
0x81: {  	_ =	shalt  }
0x82: {  	_ =	shalt  }
0x83: {  	_ =	shalt  }
0x84: {  	_ =	shalt  }
0x85: {  	_ =	shalt  }
0x86: {  	_ =	shalt  }
0x87: {  	_ =	shalt  }
.Lfunc_end0:
.L_simem_size_0:
called_computation.2_lowered:
.L_overlay_start_0:
0x88: {  	s2 =	sld [smem:$0x3FD9]  }
0x89: {  	s3 =	sld [smem:$0x3FFE];
	_ =	sdelay $0x1  }
0x8a: {  	s1 =	srdreg.scid  }
0x8b: {  	s0 =	sand.u32 $0x1, s1  }
0x8c: {  	s17 =	sshll.u32 s0, $0xA;
	s2 =	sadd.s32 s3, s2  }
0x8d: {  	s2 =	sadd.s32 s2, s17  }
0x8e: {  	[smem:$0x3FBC] =	sst s2  }
0x8f: {  	_ = 	snop  }
0x90: {  	s2 =	sld [smem:$0x3FD0];
	(tm) =	ssettm $0x1  }
0x91: {  	s18 =	sld [smem:$0x3FFB];
	_ =	sdelay $0x3  }
0x92: {  	_ =	strace s18  }
0x93: {  	s3 =	sld [smem:$0x3FFC];
	_ =	sdelay $0x3  }
0x94: {  	_ =	strace s3  }
0x95: {  	s3 =	sld [smem:$0x3FFD];
	_ =	sdelay $0x3  }
0x96: {  	_ =	strace s3  }
0x97: {  	_ =	strace $0x8FFFFFFF  }
0x98: {  	s19 =	sld [smem:$0x3FDB];
	_ =	sdelay $0x1  }
0x99: {  	s4 =	simm.s32 $_scs_section_size  }
0x9a: {  	s5 =	simm.s32 $_size__tile_overlayer_lowered;
	s6 =	simm.s32 $_tile_overlayer_lowered  }
0x9b: {  	s22 =	simm.s32 $0x1BFF;
	s21 =	sshll.u32 s6, $0x1;
	s3 =	sadd.s32 s4, s19  }
0x9c: {  	s7 =	simm.s32 $0x0;
	s20 =	sshll.u32 s5, $0x1;
	s5 =	sadd.s32 s21, s3  }
0x9d: {  	[timem:s7], [sflag:s22] =	dma.local [hbm:s5], s20  }
0x9e: {  	_ =	swait.ge [sflag:s22], s20  }
0x9f: {  	s4 =	ssub.s32 $0x0, s20;
	[sflag:s22] =	ssyncset.done $0x0  }
0xa0: {  	[sflag:s22] =	ssyncadd.s32 s4;
	_ =	sdelay $0x1  }
0xa1: {  	s23 =	simm.s32 $0x1B8B  }
0xa2: {  	_ =	swait.ge [sflag:s23], $0x1  }
0xa3: {  	[sflag:s23] =	ssyncset.done $0x0  }
0xa4: {  	s25 =	simm.s32 $0x1B8E;
	s24 =	sld [smem:$0x3FFE];
	[sflag:s23] =	ssyncadd.s32 $0xFFFFFFFF  }
0xa5: {  	s26 =	simm.s32 $execute0_lowered;
	[smem:$0x3FD2] =	sst s25  }
0xa6: {  	s5 =	sshll.u32 s26, $0x1;
	_ =	strace $0x8000004C;
	[dreg:$0x1] =	wrdreg $0xFFFFFFFF  }
0xa7: {  	s28 =	simm.s32 $_size_execute0_lowered;
	s3 =	sadd.s32 s3, s5;
	[dreg:$0x0] =	wrdreg $0x0  }
0xa8: {  	s5 =	sshll.u32 s28, $0x1;
	[dreg:$0x2] =	wrdreg s3  }
0xa9: {  	[dreg:$0x3] =	wrdreg s5  }
0xaa: {  	[dreg:$0x4] =	wrdreg $0xC0  }
0xab: {  	_ =	task [dreg:s7], $0x5FFFF  }
0xac: {  	[dreg:$0x1] =	wrdreg $0xFFFFFFFF  }
0xad: {  	[dreg:$0x0] =	wrdreg $0x60  }
0xae: {  	[dreg:$0x2] =	wrdreg s2  }
0xaf: {  	[dreg:$0x3] =	wrdreg s24  }
0xb0: {  	[dreg:$0x4] =	wrdreg $0xB0000  }
0xb1: {  	[dreg:$0x5] =	wrdreg $0x9  }
0xb2: {  	_ =	task.clear_ibuf [dreg:s7], $0x6FFFF;
	_ =	strace $0x9000004C  }
0xb3: {  	s29 =	simm.s32 $0x9;
	_ =	strace $0x8000004E  }
0xb4: {  	_ =	swait.ge [sflag:s29], $0x1  }
0xb5: {  	[sflag:s29] =	ssyncadd.s32 $0xFFFFFFFF  }
0xb6: {  	_ =	strace $0x9000004E  }
0xb7: {  	_ =	sfence  }
0xb8: {  	s30 =	sld [smem:$0x0];
	_ =	sdelay $0x2  }
0xb9: {  	s31 =	sshll.u32 s1, $0xD;
	s1 =	sshrl.u32 s1, $0x2  }
0xba: {  	s3 =	sand.u32 $0x4000, s31;
	s1 =	sadd.s32 s1, s30  }
0xbb: {  	s0 =	sor.u32 s3, s0;
	s1 =	sshll.u32 s1, $0x11  }
0xbc: {  	s0 =	sor.u32 s1, s0  }
0xbd: {  	s0 =	sadd.s32 $0x8F2B, s0  }
0xbe: {  	[sflag:s0] =	ssyncadd.remote.s32 $0x1  }
0xbf: {  	_ =	sfence.sel $0xFFFF  }
0xc0: {  	[dreg:$0x0] =	wrdreg $0xFFFFFFFF;
	(pc) =	sbr.abs _section_cstart, $3  }
0xc1: {  	[dreg:$0x1] =	wrdreg $0xFFFFFFFF  }
0xc2: {  	_ =	task.clear_ibuf [dreg:s7], $0x2FFFF;
	_ =	strace $0x9FFFFFFF  }
0xc3: {  	(tm) =	ssettm $0x7FFFFFFF  }
tec
execute0_lowered:
.L_overlay_start_1:
0x0: {  	(tag) =	ssettag $0x1  }
0x1: {  	s1 =	rddreg [dreg:$0x0]  }
0x2: {  	s0 =	srdreg.scid;
	s5 =	rddreg [dreg:$0x1]  }
0x3: {  	s8 =	stileid.u32;
	s3 =	rddreg [dreg:$0x2];
	s4 =	simm.s32 $0x0  }
0x4: {  	s28 =	simm.s32 $0x7;
	s29 =	simm.s32 $0x40;
	s31 =	simm.s32 $0x7000  }
0x5: {  	s30 =	simm.s32 $0x1;
	s0 =	sand.u32 $0x1, s0;
	s6 =	smul.u32 $0x50000, s8  }
0x6: {  	[smem:$0x7FF] =	sst s4;
	s9 =	sadd.s32 $0x5EE00, s5;
	s2 =	sshll.u32 s0, $0x4  }
0x7: {  	s7 =	smul.u32 $0x140000, s0;
	_ =	strace $0x8000004D;
	s0 =	ssub.s32 $0x2, s0  }
0x8: {  	s2 =	sor.u32 s8, s2;
	s8 =	smul.u32 $0x14000, s8;
	s23 =	sshrl.u32 s0, $0x1  }
0x9: {  	s24 =	sshrl.u32 s6, $0x2;
	s2 =	smul.u32 $0xA00, s2;
	s0 =	ssub.s32 s0, s23  }
0xa: {  	s25 =	sadd.s32 s7, s8;
	s0 =	smax.u32 s0, $0x1;
	s12 =	sadd.s32 $0x4000, s8  }
0xb: {  	s22 =	sadd.s32 $0x8000, s8;
	s2 =	sadd.s32 s2, s5;
	s5 =	sadd.s32 s24, s3  }
0xc: {  	s26 =	sshrl.u32 s25, $0x3;
	[dreg:$0x6] =	wrdreg s0;
	s21 =	sadd.s32 s7, s12  }
0xd: {  	s23 =	sadd.s32 s7, s22;
	s0 =	sadd.s32 s12, s3;
	s2 =	sadd.s32 $0x18E00, s2  }
0xe: {  	s6 =	sadd.s32 $0x2000, s5;
	s10 =	sadd.s32 $0x4000, s5;
	[dreg:$0x4] =	wrdreg s2  }
0xf: {  	s11 =	sadd.s32 $0x6000, s5;
	s20 =	sadd.s32 $0x8000, s5;
	[dreg:$0x7] =	wrdreg s6  }
0x10: {  	s13 =	sadd.s32 $0xA000, s5;
	s14 =	sadd.s32 $0xC000, s5;
	[dreg:$0x8] =	wrdreg s10  }
0x11: {  	s15 =	sadd.s32 $0xE000, s5;
	s16 =	sadd.s32 $0x10000, s5;
	[dreg:$0x9] =	wrdreg s11  }
0x12: {  	s2 =	sadd.s32 s9, s26;
	[dreg:$0xa] =	wrdreg s20;
	s10 =	sadd.s32 $0xC000, s8  }
0x13: {  	s8 =	sadd.s32 $0x10000, s8;
	s6 =	sshrl.u32 s23, $0x3;
	[dreg:$0x5] =	wrdreg s2  }
0x14: {  	s2 =	sshrl.u32 s21, $0x3;
	s11 =	sadd.s32 s7, s10;
	s7 =	sadd.s32 s7, s8  }
0x15: {  	s18 =	sadd.s32 s9, s6;
	s21 =	sadd.s32 $0x12000, s5;
	s25 =	sadd.s32 s10, s3  }
0x16: {  	s26 =	sadd.s32 s8, s3;
	s6 =	simm.s32 $0x3;
	s8 =	simm.s32 $0x5  }
0x17: {  	s17 =	sadd.s32 s9, s2;
	s24 =	sshrl.u32 s11, $0x3;
	s7 =	sshrl.u32 s7, $0x3  }
0x18: {  	s2 =	sadd.s32 s22, s3;
	s22 =	sshrl.u32 s0, $0x3;
	s0 =	simm.s32 $0x9000  }
0x19: {  	s19 =	sadd.s32 s9, s24;
	s20 =	sadd.s32 s9, s7;
	s23 =	sshrl.u32 s2, $0x3  }
0x1a: {  	s24 =	sshrl.u32 s25, $0x3;
	s25 =	sshrl.u32 s26, $0x3;
	s26 =	simm.s32 $0x5000  }
0x1b: {  	v0 =	vimm.f32 $0.0e+00;
	s2 =	simm.s32 $0x2;
	s7 =	simm.s32 $0x4;
	s9 =	simm.s32 $0x6  }
.LBB2_1:
0x1c: {  	s10 =	simm.s32 $0x0;
	s11 =	simm.s32 $0x200  }
.LBB2_2:
0x1d: {  	p0 =	sne.s32 s11, $0x7E00;
	[tilespmem:s10+$0x5070] =	vst v0  }
0x1e: {  	[tilespmem:s10+$0x5000] =	vst v0  }
0x1f: {  	[tilespmem:s10+$0x5010] =	vst v0  }
.Ltmp0:
0x20: {  	[tilespmem:s10+$0x5020] =	vst v0;
	(pc) =	sbr.rel @p0 .LBB2_2-.Ltmp0, $4  }
0x21: {  	[tilespmem:s10+$0x5030] =	vst v0  }
0x22: {  	[tilespmem:s10+$0x5040] =	vst v0  }
0x23: {  	[tilespmem:s10+$0x5050] =	vst v0  }
0x24: {  	[tilespmem:s10+$0x5060] =	vst v0;
	s10 =	sshra.s32 s11, $0x2;
	s11 =	sadd.s32 $0x200, s11  }
0x25: {  	[tilespmem:s10+$0x5070] =	vst v0  }
0x26: {  	[tilespmem:s10+$0x5000] =	vst v0  }
0x27: {  	[tilespmem:s10+$0x5010] =	vst v0  }
0x28: {  	[tilespmem:s10+$0x5020] =	vst v0  }
0x29: {  	[tilespmem:s10+$0x5030] =	vst v0  }
0x2a: {  	[tilespmem:s10+$0x5040] =	vst v0  }
0x2b: {  	[tilespmem:s10+$0x5050] =	vst v0  }
0x2c: {  	[tilespmem:s10+$0x5060] =	vst v0  }
0x2d: {  	[spmem:s5] =	stream.linear.scatter [tilespmem:s26], [sflag:$0x7], $0x2000, $0x38;
	[tilespmem:$0x1F000] =	vst v63  }
0x2e: {  	_ =	swait.ge [sflag:s28], $0x2000  }
0x2f: {  	[sflag:s28] =	ssyncset.done $0x0  }
0x30: {  	s12 =	rddreg [dreg:$0x7];
	[sflag:s28] =	ssyncadd.s32 $0xFFFFE000  }
0x31: {  	[spmem:s12] =	stream.linear.scatter [tilespmem:s26], [sflag:$0x7], $0x2000, $0x38;
	[tilespmem:$0x1F000] =	vst v63  }
0x32: {  	_ =	swait.ge [sflag:s28], $0x2000  }
0x33: {  	[sflag:s28] =	ssyncset.done $0x0  }
0x34: {  	s11 =	rddreg [dreg:$0x8];
	[sflag:s28] =	ssyncadd.s32 $0xFFFFE000  }
0x35: {  	[spmem:s11] =	stream.linear.scatter [tilespmem:s26], [sflag:$0x7], $0x2000, $0x38;
	[tilespmem:$0x1F000] =	vst v63  }
0x36: {  	_ =	swait.ge [sflag:s28], $0x2000  }
0x37: {  	[sflag:s28] =	ssyncset.done $0x0  }
0x38: {  	s12 =	rddreg [dreg:$0x9];
	[sflag:s28] =	ssyncadd.s32 $0xFFFFE000  }
0x39: {  	[spmem:s12] =	stream.linear.scatter [tilespmem:s26], [sflag:$0x7], $0x2000, $0x38;
	[tilespmem:$0x1F000] =	vst v63  }
0x3a: {  	_ =	swait.ge [sflag:s28], $0x2000  }
0x3b: {  	[sflag:s28] =	ssyncset.done $0x0  }
0x3c: {  	s11 =	rddreg [dreg:$0xa];
	[sflag:s28] =	ssyncadd.s32 $0xFFFFE000  }
0x3d: {  	[spmem:s11] =	stream.linear.scatter [tilespmem:s26], [sflag:$0x7], $0x2000, $0x38;
	[tilespmem:$0x1F000] =	vst v63  }
0x3e: {  	_ =	swait.ge [sflag:s28], $0x2000  }
0x3f: {  	[sflag:s28] =	ssyncset.done $0x0  }
0x40: {  	[sflag:s28] =	ssyncadd.s32 $0xFFFFE000  }
0x41: {  	[spmem:s13] =	stream.linear.scatter [tilespmem:s26], [sflag:$0x7], $0x2000, $0x38;
	[tilespmem:$0x1F000] =	vst v63  }
0x42: {  	_ =	swait.ge [sflag:s28], $0x2000  }
0x43: {  	[sflag:s28] =	ssyncset.done $0x0  }
0x44: {  	[sflag:s28] =	ssyncadd.s32 $0xFFFFE000  }
0x45: {  	[spmem:s14] =	stream.linear.scatter [tilespmem:s26], [sflag:$0x7], $0x2000, $0x38;
	[tilespmem:$0x1F000] =	vst v63  }
0x46: {  	_ =	swait.ge [sflag:s28], $0x2000  }
0x47: {  	[sflag:s28] =	ssyncset.done $0x0  }
0x48: {  	[sflag:s28] =	ssyncadd.s32 $0xFFFFE000  }
0x49: {  	[spmem:s15] =	stream.linear.scatter [tilespmem:s26], [sflag:$0x7], $0x2000, $0x38;
	[tilespmem:$0x1F000] =	vst v63  }
0x4a: {  	_ =	swait.ge [sflag:s28], $0x2000  }
0x4b: {  	[sflag:s28] =	ssyncset.done $0x0  }
0x4c: {  	[sflag:s28] =	ssyncadd.s32 $0xFFFFE000  }
0x4d: {  	[spmem:s16] =	stream.linear.scatter [tilespmem:s26], [sflag:$0x7], $0x2000, $0x38;
	[tilespmem:$0x1F000] =	vst v63  }
0x4e: {  	_ =	swait.ge [sflag:s28], $0x2000  }
0x4f: {  	[sflag:s28] =	ssyncset.done $0x0  }
0x50: {  	[sflag:s28] =	ssyncadd.s32 $0xFFFFE000  }
0x51: {  	[spmem:s21] =	stream.linear.scatter [tilespmem:s26], [sflag:$0x7], $0x2000, $0x38;
	[tilespmem:$0x1F000] =	vst v63  }
0x52: {  	_ =	swait.ge [sflag:s28], $0x2000  }
0x53: {  	[sflag:s28] =	ssyncset.done $0x0  }
0x54: {  	[sflag:s28] =	ssyncadd.s32 $0xFFFFE000  }
0x55: {  	[bflag:$0x0] =	sbarrier.arrive $0xFFFF  }
0x56: {  	s12 =	simm.s32 $0x0;
	s11 =	rddreg [dreg:$0x4]  }
0x57: {  	[tilespmem:s12], [sflag:$0x7] =	stream.linear.gather [hbm4b:s11+s12], $0x4F80, $0x38;
	[tilespmem:$0x1F000] =	vst v63  }
0x58: {  	_ =	swait.ge [sflag:s28], $0x4F80  }
0x59: {  	[sflag:s28] =	ssyncset.done $0x0  }
0x5a: {  	[sflag:s28] =	ssyncadd.s32 $0xFFFFB080  }
0x5b: {  	[tilespmem:s26], [sflag:$0x1] =	stream.indirect.gather [hbm4b:s1+s29], $0x80, s12, s29, $0xb8;
	[tilespmem:$0x1F000] =	vst v63  }
0x5c: {  	s12 =	simm.s32 $0x80  }
0x5d: {  	[tilespmem:s31], [sflag:$0x2] =	stream.indirect.gather [hbm4b:s1+s29], $0x80, s12, s29, $0xb8;
	[tilespmem:$0x1F000] =	vst v63  }
0x5e: {  	s11 =	simm.s32 $0x100  }
0x5f: {  	[tilespmem:s0], [sflag:$0x3] =	stream.indirect.gather [hbm4b:s1+s29], $0x80, s11, s29, $0xb8;
	[tilespmem:$0x1F000] =	vst v63  }
0x60: {  	_ =	swait.ge [sflag:s30], $0x2000  }
0x61: {  	[sflag:s30] =	ssyncset.done $0x0  }
0x62: {  	s12 =	simm.s32 $0x40;
	[sflag:s30] =	ssyncadd.s32 $0xFFFFE000  }
0x63: {  	[spmem:s3] =	stream.indirect.scatter.add.f32 [tilespmem:s26], [sflag:$0x4], $0x80, s12, s29, $0xb8;
	[tilespmem:$0x1F000] =	vst v63  }
0x64: {  	_ =	swait.ge [sflag:s2], $0x2000  }
0x65: {  	[sflag:s2] =	ssyncset.done $0x0  }
0x66: {  	s11 =	simm.s32 $0xC0;
	[sflag:s2] =	ssyncadd.s32 $0xFFFFE000  }
0x67: {  	[spmem:s3] =	stream.indirect.scatter.add.f32 [tilespmem:s31], [sflag:$0x5], $0x80, s11, s29, $0xb8;
	[tilespmem:$0x1F000] =	vst v63  }
0x68: {  	_ =	swait.ge [sflag:s6], $0x2000  }
0x69: {  	[sflag:s6] =	ssyncset.done $0x0  }
0x6a: {  	s12 =	simm.s32 $0x140;
	[sflag:s6] =	ssyncadd.s32 $0xFFFFE000  }
0x6b: {  	[spmem:s3] =	stream.indirect.scatter.add.f32 [tilespmem:s0], [sflag:$0x6], $0x80, s12, s29, $0xb8;
	[tilespmem:$0x1F000] =	vst v63  }
0x6c: {  	_ =	swait.ge [sflag:s7], $0x2000  }
0x6d: {  	[sflag:s7] =	ssyncset.done $0x0  }
0x6e: {  	s11 =	simm.s32 $0x180;
	[sflag:s7] =	ssyncadd.s32 $0xFFFFE000  }
0x6f: {  	[tilespmem:s26], [sflag:$0x1] =	stream.indirect.gather [hbm4b:s1+s29], $0x80, s11, s29, $0xb8;
	[tilespmem:$0x1F000] =	vst v63  }
0x70: {  	_ =	swait.ge [sflag:s8], $0x2000  }
0x71: {  	[sflag:s8] =	ssyncset.done $0x0  }
0x72: {  	s12 =	simm.s32 $0x200;
	[sflag:s8] =	ssyncadd.s32 $0xFFFFE000  }
0x73: {  	[tilespmem:s31], [sflag:$0x2] =	stream.indirect.gather [hbm4b:s1+s29], $0x80, s12, s29, $0xb8;
	[tilespmem:$0x1F000] =	vst v63  }
0x74: {  	_ =	swait.ge [sflag:s9], $0x2000  }
0x75: {  	[sflag:s9] =	ssyncset.done $0x0  }
0x76: {  	s10 =	simm.s32 $0x600;
	s11 =	simm.s32 $0x280;
	[sflag:s9] =	ssyncadd.s32 $0xFFFFE000  }
.LBB2_4:
0x77: {  	[tilespmem:s0], [sflag:$0x3] =	stream.indirect.gather [hbm4b:s1+s29], $0x80, s11, s29, $0xb8;
	[tilespmem:$0x1F000] =	vst v63  }
0x78: {  	s11 =	smov.u32 s10  }
0x79: {  	p0 =	sne.s32 s10, $0x13200;
	s10 =	sadd.s32 $0x600, s10;
	_ =	swait.ge [sflag:s30], $0x2000  }
0x7a: {  	s11 =	sshra.s32 s11, $0x2;
	[sflag:s30] =	ssyncset.done $0x0  }
0x7b: {  	s12 =	sadd.s32 $0x40, s11;
	[sflag:s30] =	ssyncadd.s32 $0xFFFFE000  }
0x7c: {  	[spmem:s3] =	stream.indirect.scatter.add.f32 [tilespmem:s26], [sflag:$0x4], $0x80, s12, s29, $0xb8;
	[tilespmem:$0x1F000] =	vst v63  }
0x7d: {  	_ =	swait.ge [sflag:s2], $0x2000  }
0x7e: {  	[sflag:s2] =	ssyncset.done $0x0  }
0x7f: {  	s12 =	sadd.s32 $0xC0, s11;
	[sflag:s2] =	ssyncadd.s32 $0xFFFFE000  }
0x80: {  	[spmem:s3] =	stream.indirect.scatter.add.f32 [tilespmem:s31], [sflag:$0x5], $0x80, s12, s29, $0xb8;
	[tilespmem:$0x1F000] =	vst v63  }
0x81: {  	_ =	swait.ge [sflag:s6], $0x2000  }
0x82: {  	[sflag:s6] =	ssyncset.done $0x0  }
0x83: {  	s12 =	sadd.s32 $0x140, s11;
	[sflag:s6] =	ssyncadd.s32 $0xFFFFE000  }
0x84: {  	[spmem:s3] =	stream.indirect.scatter.add.f32 [tilespmem:s0], [sflag:$0x6], $0x80, s12, s29, $0xb8;
	[tilespmem:$0x1F000] =	vst v63  }
0x85: {  	_ =	swait.ge [sflag:s7], $0x2000  }
0x86: {  	[sflag:s7] =	ssyncset.done $0x0  }
0x87: {  	s12 =	sadd.s32 $0x180, s11;
	[sflag:s7] =	ssyncadd.s32 $0xFFFFE000  }
0x88: {  	[tilespmem:s26], [sflag:$0x1] =	stream.indirect.gather [hbm4b:s1+s29], $0x80, s12, s29, $0xb8;
	[tilespmem:$0x1F000] =	vst v63  }
0x89: {  	_ =	swait.ge [sflag:s8], $0x2000  }
0x8a: {  	[sflag:s8] =	ssyncset.done $0x0  }
.Ltmp1:
0x8b: {  	s12 =	sadd.s32 $0x200, s11;
	[sflag:s8] =	ssyncadd.s32 $0xFFFFE000;
	(pc) =	sbr.rel @p0 .LBB2_4-.Ltmp1, $4  }
0x8c: {  	[tilespmem:s31], [sflag:$0x2] =	stream.indirect.gather [hbm4b:s1+s29], $0x80, s12, s29, $0xb8;
	[tilespmem:$0x1F000] =	vst v63  }
0x8d: {  	_ =	swait.ge [sflag:s9], $0x2000  }
0x8e: {  	[sflag:s9] =	ssyncset.done $0x0  }
0x8f: {  	s11 =	sadd.s32 $0x280, s11;
	[sflag:s9] =	ssyncadd.s32 $0xFFFFE000  }
0x90: {  	[tilespmem:s0], [sflag:$0x3] =	stream.indirect.gather [hbm4b:s1+s29], $0x80, s11, s29, $0xb8;
	[tilespmem:$0x1F000] =	vst v63  }
0x91: {  	_ =	swait.ge [sflag:s30], $0x2000  }
0x92: {  	[sflag:s30] =	ssyncset.done $0x0  }
0x93: {  	s10 =	simm.s32 $0x4E40;
	[sflag:s30] =	ssyncadd.s32 $0xFFFFE000  }
0x94: {  	[spmem:s3] =	stream.indirect.scatter.add.f32 [tilespmem:s26], [sflag:$0x4], $0x80, s10, s29, $0xb8;
	[tilespmem:$0x1F000] =	vst v63  }
0x95: {  	_ =	swait.ge [sflag:s2], $0x2000  }
0x96: {  	[sflag:s2] =	ssyncset.done $0x0  }
0x97: {  	s11 =	simm.s32 $0x4EC0;
	[sflag:s2] =	ssyncadd.s32 $0xFFFFE000  }
0x98: {  	[spmem:s3] =	stream.indirect.scatter.add.f32 [tilespmem:s31], [sflag:$0x5], $0x80, s11, s29, $0xb8;
	[tilespmem:$0x1F000] =	vst v63  }
0x99: {  	_ =	swait.ge [sflag:s6], $0x2000  }
0x9a: {  	[sflag:s6] =	ssyncset.done $0x0  }
0x9b: {  	s12 =	simm.s32 $0x4F40;
	[sflag:s6] =	ssyncadd.s32 $0xFFFFE000  }
0x9c: {  	[spmem:s3] =	stream.indirect.scatter.add.f32 [tilespmem:s0], [sflag:$0x6], $0x80, s12, s29, $0xb8;
	[tilespmem:$0x1F000] =	vst v63  }
0x9d: {  	_ =	swait.ge [sflag:s7], $0x2000  }
0x9e: {  	[sflag:s7] =	ssyncset.done $0x0  }
0x9f: {  	[sflag:s7] =	ssyncadd.s32 $0xFFFFE000  }
0xa0: {  	_ =	swait.ge [sflag:s8], $0x2000  }
0xa1: {  	[sflag:s8] =	ssyncset.done $0x0  }
0xa2: {  	[sflag:s8] =	ssyncadd.s32 $0xFFFFE000  }
0xa3: {  	_ =	swait.ge [sflag:s9], $0x2000  }
0xa4: {  	[sflag:s9] =	ssyncset.done $0x0  }
0xa5: {  	s11 =	stileid.u32;
	[sflag:s9] =	ssyncadd.s32 $0xFFFFE000  }
0xa6: {  	s10 =	sshll.u32 s11, $0x6;
	[bflag:$0x0] =	sbarrier.arrive $0xFFFF  }
0xa7: {  	s11 =	sshrl.u32 s5, $0x3;
	s10 =	sor.u32 $0x1C07, s10;
	s12 =	rddreg [dreg:$0x5]  }
0xa8: {  	[hbm:s12], [sflag:s10] =	dma.local [spmem:s11], $0x800  }
0xa9: {  	_ =	swait.ge [sflag:s28], $0x800  }
0xaa: {  	[sflag:s28] =	ssyncset.done $0x0  }
0xab: {  	[sflag:s28] =	ssyncadd.s32 $0xFFFFF800  }
0xac: {  	[hbm:s17], [sflag:s10] =	dma.local [spmem:s22], $0x800  }
0xad: {  	_ =	swait.ge [sflag:s28], $0x800  }
0xae: {  	[sflag:s28] =	ssyncset.done $0x0  }
0xaf: {  	[sflag:s28] =	ssyncadd.s32 $0xFFFFF800  }
0xb0: {  	[hbm:s18], [sflag:s10] =	dma.local [spmem:s23], $0x800  }
0xb1: {  	_ =	swait.ge [sflag:s28], $0x800  }
0xb2: {  	[sflag:s28] =	ssyncset.done $0x0  }
0xb3: {  	[sflag:s28] =	ssyncadd.s32 $0xFFFFF800  }
0xb4: {  	[hbm:s19], [sflag:s10] =	dma.local [spmem:s24], $0x800  }
0xb5: {  	_ =	swait.ge [sflag:s28], $0x800  }
0xb6: {  	[sflag:s28] =	ssyncset.done $0x0  }
0xb7: {  	[sflag:s28] =	ssyncadd.s32 $0xFFFFF800  }
0xb8: {  	[hbm:s20], [sflag:s10] =	dma.local [spmem:s25], $0x800  }
0xb9: {  	_ =	swait.ge [sflag:s28], $0x800  }
0xba: {  	s4 =	sadd.s32 $0x1, s4;
	s12 =	rddreg [dreg:$0x6]  }
0xbb: {  	p0 =	sne.s32 s4, s12  }
.Ltmp2:
0xbc: {  	_ = 	snop;
	(pc) =	sbr.rel @p0 .LBB2_1-.Ltmp2, $3  }
0xbd: {  	_ =	sdelay $0x1  }
0xbe: {  	[sflag:s28] =	ssyncset.done $0x0  }
0xbf: {  	[sflag:s28] =	ssyncadd.s32 $0xFFFFF800  }
0xc0: {  	_ =	sfence.sel $0x180000  }
0xc1: {  	[bflag:$0x0] =	sbarrier.arrive $0xFFFF  }
0xc2: {  	_ =	strace $0x9000004D  }
0xc3: {  	s0 =	stileid.u32;
	[bflag:$0x2] =	sbarrier.arrive $0xFFFF  }
0xc4: {  	p0 =	sne.s32 s0, $0x0;
	s0 =	rddreg [dreg:$0x3]  }
0xc5: {  	s0 =	sadd.s32 @!p0 $0x100000, s0  }
0xc6: {  	[sflag:s0] =	ssyncadd.tile.s32 @!p0 $0x1;
	_ =	shalt  }
.Lfunc_end2:
_tile_overlayer_lowered:
.L_overlay_start_2:
0xc7: {  	(tag) =	ssettag $0x2  }
0xc8: {  	s0 =	rddreg [dreg:$0x0];
	s2 =	stileid.u32  }
0xc9: {  	s1 =	rddreg [dreg:$0x1];
	p0 =	sne.s32 s2, $0x0  }
0xca: {  	s3 =	rddreg [dreg:$0x2];
	[bflag:$0x3] =	sbarrier.arrive $0xFFFF;
	s2 =	simm.s32 @!p0 $0x1C07  }
0xcb: {  	[timem:s3], [sflag:s2] =	dma.local @!p0 [hbm:s0], s1  }
0xcc: {  	s0 =	simm.s32 @!p0 $0x7  }
0xcd: {  	_ =	swait.ge @!p0 [sflag:s0], s1  }
0xce: {  	s1 =	ssub.s32 @!p0 $0x0, s1;
	[sflag:s0] =	ssyncset.done @!p0 $0x0  }
0xcf: {  	[sflag:s0] =	ssyncadd.s32 @!p0 s1  }
0xd0: {  	[bflag:$0x3] =	sbarrier.arrive $0xFFFF  }
0xd1: {  	_ =	shalt  }

// kernel: kernel.21.cloned.1.call-start
scs
__scs_entry_jumppad:
0x0: {  	(pc) =	sbr.rel $0x88, $3  }
0x1: {  	(tag) =	ssettag $0x0;
	lr =	simm.s32 $0x1  }
0x2: {  	[smem:$0x3F95] =	sst lr;
	_ =	strace $0xD0000000  }
0x3: {  	_ = 	snop  }
0x4: {  	_ = 	snop  }
0x5: {  	_ = 	snop  }
0x6: {  	_ = 	snop  }
0x7: {  	_ = 	snop  }
__scs_overlays_trampoline_lowered:
0x8: {  	[smem:$0x3FA4] =	sst s0  }
0x9: {  	[smem:$0x3FA5] =	sst s1  }
0xa: {  	[smem:$0x3FA6] =	sst s2  }
0xb: {  	[smem:$0x3FA7] =	sst s3  }
0xc: {  	[smem:$0x3FA8] =	sst s4  }
0xd: {  	[smem:$0x3FA9] =	sst s5  }
0xe: {  	[smem:$0x3FAA] =	sst s6  }
0xf: {  	[smem:$0x3FAB] =	sst s7  }
0x10: {  	[smem:$0x3FAC] =	sst s8  }
0x11: {  	[smem:$0x3FAD] =	sst s9;
	s0 =	simm.s32 @!p0 $0x0  }
0x12: {  	s1 =	sld [smem:$0x3F93];
	s0 =	simm.s32 @p0 $0x1  }
0x13: {  	[smem:$0x3FAE] =	sst s0;
	s0 =	simm.s32 @!p1 $0x0  }
0x14: {  	s2 =	sld [smem:$0x3F92];
	s0 =	simm.s32 @p1 $0x1  }
0x15: {  	[smem:$0x3FAF] =	sst s0;
	s0 =	simm.s32 @!p2 $0x0  }
0x16: {  	s3 =	sld [smem:$0x3FDB];
	s0 =	simm.s32 @p2 $0x1  }
0x17: {  	s4 =	simm.s32 $0x1BF5;
	[smem:$0x3FB1] =	sst s0  }
0x18: {  	s0 =	sld [smem:$0x3F94];
	_ =	swait.ge [sflag:s4], $0x0  }
0x19: {  	s7 =	sld [smem:$0x3F95]  }
0x1a: {  	s8 =	sadd.s32 $0xFFFFE003, lr  }
0x1b: {  	s9 =	sadd.s32 $0xFFFFFEF7, lr;
	s5 =	simm.s32 $0xFFFFFFFF;
	p2 =	slt.u32 s8, $0xFFFFF086  }
0x1c: {  	p1 =	slt.u32 s9, $0xF7A;
	s5 =	simm.s32 @!p2 $0x0  }
0x1d: {  	s5 =	simm.s32 @p1 $0x1;
	p0 =	seq.s32 s7, s2  }
0x1e: {  	s7 =	smul.u32 @!p0 $0xF7A, s2;
	p2 =	seq.s32 @!p0 s5, $0x0  }
0x1f: {  	s9 =	smul.u32 $0xF7A, s1;
	s8 =	simm.s32 @!p0 $0x1BF5;
	p2 =	por !p2, p0  }
0x20: {  	[sflag:s8] =	ssyncset.s32 @!p0 $0xFFFFF086;
	s6 =	sadd.s32 @!p0 s3, s7;
	s7 =	simm.s32 @!p0 $0x108  }
0x21: {  	s3 =	sadd.s32 s3, s9;
	s6 =	sadd.s32 @!p0 $0x88, s6;
	s7 =	simm.s32 @p2 $0x1082  }
0x22: {  	[simem:s7], [sflag:s8] =	dma.local @!p0 [hbm:s6], $0xF7A  }
0x23: {  	s9 =	sor.u32 $0xD0000000, s2;
	s6 =	simm.s32 $0x108;
	_ =	swait.ge @!p0 [sflag:s8], $0x0  }
0x24: {  	s3 =	sadd.s32 $0x88, s3;
	s6 =	simm.s32 @!p1 $0x1082;
	[sflag:s4] =	ssyncset.s32 $0xFFFFF086  }
0x25: {  	[simem:s6], [sflag:s4] =	dma.local [hbm:s3], $0xF7A  }
0x26: {  	[smem:$0x3F95] =	sst s1;
	(tag) =	ssettag s2;
	_ =	strace s9  }
0x27: {  	s1 =	sld [smem:$0x3FA5]  }
0x28: {  	s2 =	sld [smem:$0x3FA6]  }
0x29: {  	s4 =	sld [smem:$0x3FA8]  }
0x2a: {  	p0 =	seq.s32 s5, $0x0;
	s5 =	sld [smem:$0x3FA9]  }
0x2b: {  	s6 =	sld [smem:$0x3FAA]  }
0x2c: {  	s7 =	sld [smem:$0x3FAB]  }
0x2d: {  	s3 =	simm.s32 $0x108;
	s8 =	sld [smem:$0x3FAC]  }
0x2e: {  	s3 =	simm.s32 @!p0 $0x1082;
	s9 =	sld [smem:$0x3FAD]  }
0x2f: {  	lr =	sadd.s32 s0, s3;
	s0 =	sld [smem:$0x3FA4]  }
0x30: {  	s3 =	sld [smem:$0x3FA7]  }
0x31: {  	[smem:$0x3FB0] =	sst s10  }
0x32: {  	s10 =	sld [smem:$0x3FAE];
	_ =	sdelay $0x3  }
0x33: {  	p0 =	seq.s32 s10, $0x1;
	s10 =	sld [smem:$0x3FB0];
	_ =	sdelay $0x3  }
0x34: {  	[smem:$0x3FB0] =	sst s10  }
0x35: {  	s10 =	sld [smem:$0x3FAF];
	_ =	sdelay $0x3  }
0x36: {  	p1 =	seq.s32 s10, $0x1;
	s10 =	sld [smem:$0x3FB0];
	_ =	sdelay $0x3  }
0x37: {  	[smem:$0x3FB0] =	sst s10  }
0x38: {  	s10 =	sld [smem:$0x3FB1]  }
0x39: {  	_ = 	snop;
	(pc) =	sbr.ind lr, $3  }
0x3a: {  	_ = 	snop  }
0x3b: {  	_ = 	snop  }
0x3c: {  	p2 =	seq.s32 s10, $0x1;
	s10 =	sld [smem:$0x3FB0]  }
0x3d: {  	_ =	shalt  }
0x3e: {  	_ =	shalt  }
0x3f: {  	_ =	shalt  }
0x40: {  	_ =	shalt  }
0x41: {  	_ =	shalt  }
0x42: {  	_ =	shalt  }
0x43: {  	_ =	shalt  }
0x44: {  	_ =	shalt  }
0x45: {  	_ =	shalt  }
0x46: {  	_ =	shalt  }
0x47: {  	_ =	shalt  }
0x48: {  	_ =	shalt  }
0x49: {  	_ =	shalt  }
0x4a: {  	_ =	shalt  }
0x4b: {  	_ =	shalt  }
0x4c: {  	_ =	shalt  }
0x4d: {  	_ =	shalt  }
0x4e: {  	_ =	shalt  }
0x4f: {  	_ =	shalt  }
0x50: {  	_ =	shalt  }
0x51: {  	_ =	shalt  }
0x52: {  	_ =	shalt  }
0x53: {  	_ =	shalt  }
0x54: {  	_ =	shalt  }
0x55: {  	_ =	shalt  }
0x56: {  	_ =	shalt  }
0x57: {  	_ =	shalt  }
0x58: {  	_ =	shalt  }
0x59: {  	_ =	shalt  }
0x5a: {  	_ =	shalt  }
0x5b: {  	_ =	shalt  }
0x5c: {  	_ =	shalt  }
0x5d: {  	_ =	shalt  }
0x5e: {  	_ =	shalt  }
0x5f: {  	_ =	shalt  }
0x60: {  	_ =	shalt  }
0x61: {  	_ =	shalt  }
0x62: {  	_ =	shalt  }
0x63: {  	_ =	shalt  }
0x64: {  	_ =	shalt  }
0x65: {  	_ =	shalt  }
0x66: {  	_ =	shalt  }
0x67: {  	_ =	shalt  }
0x68: {  	_ =	shalt  }
0x69: {  	_ =	shalt  }
0x6a: {  	_ =	shalt  }
0x6b: {  	_ =	shalt  }
0x6c: {  	_ =	shalt  }
0x6d: {  	_ =	shalt  }
0x6e: {  	_ =	shalt  }
0x6f: {  	_ =	shalt  }
0x70: {  	_ =	shalt  }
0x71: {  	_ =	shalt  }
0x72: {  	_ =	shalt  }
0x73: {  	_ =	shalt  }
0x74: {  	_ =	shalt  }
0x75: {  	_ =	shalt  }
0x76: {  	_ =	shalt  }
0x77: {  	_ =	shalt  }
0x78: {  	_ =	shalt  }
0x79: {  	_ =	shalt  }
0x7a: {  	_ =	shalt  }
0x7b: {  	_ =	shalt  }
0x7c: {  	_ =	shalt  }
0x7d: {  	_ =	shalt  }
0x7e: {  	_ =	shalt  }
0x7f: {  	_ =	shalt  }
0x80: {  	_ =	shalt  }
0x81: {  	_ =	shalt  }
0x82: {  	_ =	shalt  }
0x83: {  	_ =	shalt  }
0x84: {  	_ =	shalt  }
0x85: {  	_ =	shalt  }
0x86: {  	_ =	shalt  }
0x87: {  	_ =	shalt  }
.Lfunc_end0:
.L_simem_size_0:
called_computation.3_lowered:
.L_overlay_start_0:
0x88: {  	s2 =	sld [smem:$0x3FD9]  }
0x89: {  	s3 =	sld [smem:$0x3FFE];
	_ =	sdelay $0x1  }
0x8a: {  	s1 =	srdreg.scid  }
0x8b: {  	s0 =	sand.u32 $0x1, s1  }
0x8c: {  	s17 =	sshll.u32 s0, $0xA;
	s2 =	sadd.s32 s3, s2  }
0x8d: {  	s2 =	sadd.s32 s2, s17  }
0x8e: {  	[smem:$0x3FBC] =	sst s2  }
0x8f: {  	_ = 	snop  }
0x90: {  	s2 =	sld [smem:$0x3FD0];
	(tm) =	ssettm $0x1  }
0x91: {  	s18 =	sld [smem:$0x3FFB];
	_ =	sdelay $0x3  }
0x92: {  	_ =	strace s18  }
0x93: {  	s3 =	sld [smem:$0x3FFC];
	_ =	sdelay $0x3  }
0x94: {  	_ =	strace s3  }
0x95: {  	s3 =	sld [smem:$0x3FFD];
	_ =	sdelay $0x3  }
0x96: {  	_ =	strace s3  }
0x97: {  	_ =	strace $0x8FFFFFFF  }
0x98: {  	s19 =	sld [smem:$0x3FDB];
	_ =	sdelay $0x1  }
0x99: {  	s4 =	simm.s32 $_scs_section_size  }
0x9a: {  	s5 =	simm.s32 $_size__tile_overlayer_lowered;
	s6 =	simm.s32 $_tile_overlayer_lowered  }
0x9b: {  	s22 =	simm.s32 $0x1BFF;
	s21 =	sshll.u32 s6, $0x1;
	s3 =	sadd.s32 s4, s19  }
0x9c: {  	s7 =	simm.s32 $0x0;
	s20 =	sshll.u32 s5, $0x1;
	s5 =	sadd.s32 s21, s3  }
0x9d: {  	[timem:s7], [sflag:s22] =	dma.local [hbm:s5], s20  }
0x9e: {  	_ =	swait.ge [sflag:s22], s20  }
0x9f: {  	s4 =	ssub.s32 $0x0, s20;
	[sflag:s22] =	ssyncset.done $0x0  }
0xa0: {  	[sflag:s22] =	ssyncadd.s32 s4;
	_ =	sdelay $0x1  }
0xa1: {  	s23 =	simm.s32 $0x1B8B  }
0xa2: {  	_ =	swait.ge [sflag:s23], $0x1  }
0xa3: {  	[sflag:s23] =	ssyncset.done $0x0  }
0xa4: {  	s25 =	simm.s32 $0x1B8E;
	s24 =	sld [smem:$0x3FFE];
	[sflag:s23] =	ssyncadd.s32 $0xFFFFFFFF  }
0xa5: {  	s26 =	simm.s32 $execute0_lowered;
	[smem:$0x3FD2] =	sst s25  }
0xa6: {  	s5 =	sshll.u32 s26, $0x1;
	_ =	strace $0x8000004F;
	[dreg:$0x1] =	wrdreg $0xFFFFFFFF  }
0xa7: {  	s28 =	simm.s32 $_size_execute0_lowered;
	s3 =	sadd.s32 s3, s5;
	[dreg:$0x0] =	wrdreg $0x0  }
0xa8: {  	s5 =	sshll.u32 s28, $0x1;
	[dreg:$0x2] =	wrdreg s3  }
0xa9: {  	[dreg:$0x3] =	wrdreg s5  }
0xaa: {  	[dreg:$0x4] =	wrdreg $0xC0  }
0xab: {  	_ =	task [dreg:s7], $0x5FFFF  }
0xac: {  	[dreg:$0x1] =	wrdreg $0xFFFFFFFF  }
0xad: {  	[dreg:$0x0] =	wrdreg $0x60  }
0xae: {  	[dreg:$0x2] =	wrdreg s2  }
0xaf: {  	[dreg:$0x3] =	wrdreg s24  }
0xb0: {  	[dreg:$0x4] =	wrdreg $0xB0000  }
0xb1: {  	[dreg:$0x5] =	wrdreg $0x9  }
0xb2: {  	_ =	task.clear_ibuf [dreg:s7], $0x6FFFF;
	_ =	strace $0x9000004F  }
0xb3: {  	s29 =	simm.s32 $0x9;
	_ =	strace $0x80000051  }
0xb4: {  	_ =	swait.ge [sflag:s29], $0x1  }
0xb5: {  	[sflag:s29] =	ssyncadd.s32 $0xFFFFFFFF  }
0xb6: {  	_ =	strace $0x90000051  }
0xb7: {  	_ =	sfence  }
0xb8: {  	s30 =	sld [smem:$0x0];
	_ =	sdelay $0x2  }
0xb9: {  	s31 =	sshll.u32 s1, $0xD;
	s1 =	sshrl.u32 s1, $0x2  }
0xba: {  	s3 =	sand.u32 $0x4000, s31;
	s1 =	sadd.s32 s1, s30  }
0xbb: {  	s0 =	sor.u32 s3, s0;
	s1 =	sshll.u32 s1, $0x11  }
0xbc: {  	s0 =	sor.u32 s1, s0  }
0xbd: {  	s0 =	sadd.s32 $0x8F2B, s0  }
0xbe: {  	[sflag:s0] =	ssyncadd.remote.s32 $0x1  }
0xbf: {  	_ =	sfence.sel $0xFFFF  }
0xc0: {  	[dreg:$0x0] =	wrdreg $0xFFFFFFFF;
	(pc) =	sbr.abs _section_cstart, $3  }
0xc1: {  	[dreg:$0x1] =	wrdreg $0xFFFFFFFF  }
0xc2: {  	_ =	task.clear_ibuf [dreg:s7], $0x2FFFF;
	_ =	strace $0x9FFFFFFF  }
0xc3: {  	(tm) =	ssettm $0x7FFFFFFF  }
tec
execute0_lowered:
.L_overlay_start_1:
0x0: {  	(tag) =	ssettag $0x1  }
0x1: {  	s1 =	rddreg [dreg:$0x0]  }
0x2: {  	s0 =	srdreg.scid;
	s5 =	rddreg [dreg:$0x1]  }
0x3: {  	s8 =	stileid.u32;
	s3 =	rddreg [dreg:$0x2];
	s4 =	simm.s32 $0x0  }
0x4: {  	s28 =	simm.s32 $0x7;
	s29 =	simm.s32 $0x40;
	s31 =	simm.s32 $0x7000  }
0x5: {  	s30 =	simm.s32 $0x1;
	s0 =	sand.u32 $0x1, s0;
	s6 =	smul.u32 $0x50000, s8  }
0x6: {  	[smem:$0x7FF] =	sst s4;
	s9 =	sadd.s32 $0x5EE00, s5;
	s2 =	sshll.u32 s0, $0x4  }
0x7: {  	s7 =	smul.u32 $0x140000, s0;
	_ =	strace $0x80000050;
	s0 =	ssub.s32 $0x2, s0  }
0x8: {  	s2 =	sor.u32 s8, s2;
	s8 =	smul.u32 $0x14000, s8;
	s23 =	sshrl.u32 s0, $0x1  }
0x9: {  	s24 =	sshrl.u32 s6, $0x2;
	s2 =	smul.u32 $0xA00, s2;
	s0 =	ssub.s32 s0, s23  }
0xa: {  	s25 =	sadd.s32 s7, s8;
	s0 =	smax.u32 s0, $0x1;
	s12 =	sadd.s32 $0x4000, s8  }
0xb: {  	s22 =	sadd.s32 $0x8000, s8;
	s2 =	sadd.s32 s2, s5;
	s5 =	sadd.s32 s24, s3  }
0xc: {  	s26 =	sshrl.u32 s25, $0x3;
	[dreg:$0x6] =	wrdreg s0;
	s21 =	sadd.s32 s7, s12  }
0xd: {  	s23 =	sadd.s32 s7, s22;
	s0 =	sadd.s32 s12, s3;
	s2 =	sadd.s32 $0x18E00, s2  }
0xe: {  	s6 =	sadd.s32 $0x2000, s5;
	s10 =	sadd.s32 $0x4000, s5;
	[dreg:$0x4] =	wrdreg s2  }
0xf: {  	s11 =	sadd.s32 $0x6000, s5;
	s20 =	sadd.s32 $0x8000, s5;
	[dreg:$0x7] =	wrdreg s6  }
0x10: {  	s13 =	sadd.s32 $0xA000, s5;
	s14 =	sadd.s32 $0xC000, s5;
	[dreg:$0x8] =	wrdreg s10  }
0x11: {  	s15 =	sadd.s32 $0xE000, s5;
	s16 =	sadd.s32 $0x10000, s5;
	[dreg:$0x9] =	wrdreg s11  }
0x12: {  	s2 =	sadd.s32 s9, s26;
	[dreg:$0xa] =	wrdreg s20;
	s10 =	sadd.s32 $0xC000, s8  }
0x13: {  	s8 =	sadd.s32 $0x10000, s8;
	s6 =	sshrl.u32 s23, $0x3;
	[dreg:$0x5] =	wrdreg s2  }
0x14: {  	s2 =	sshrl.u32 s21, $0x3;
	s11 =	sadd.s32 s7, s10;
	s7 =	sadd.s32 s7, s8  }
0x15: {  	s18 =	sadd.s32 s9, s6;
	s21 =	sadd.s32 $0x12000, s5;
	s25 =	sadd.s32 s10, s3  }
0x16: {  	s26 =	sadd.s32 s8, s3;
	s6 =	simm.s32 $0x3;
	s8 =	simm.s32 $0x5  }
0x17: {  	s17 =	sadd.s32 s9, s2;
	s24 =	sshrl.u32 s11, $0x3;
	s7 =	sshrl.u32 s7, $0x3  }
0x18: {  	s2 =	sadd.s32 s22, s3;
	s22 =	sshrl.u32 s0, $0x3;
	s0 =	simm.s32 $0x9000  }
0x19: {  	s19 =	sadd.s32 s9, s24;
	s20 =	sadd.s32 s9, s7;
	s23 =	sshrl.u32 s2, $0x3  }
0x1a: {  	s24 =	sshrl.u32 s25, $0x3;
	s25 =	sshrl.u32 s26, $0x3;
	s26 =	simm.s32 $0x5000  }
0x1b: {  	v0 =	vimm.f32 $0.0e+00;
	s2 =	simm.s32 $0x2;
	s7 =	simm.s32 $0x4;
	s9 =	simm.s32 $0x6  }
.LBB2_1:
0x1c: {  	s10 =	simm.s32 $0x0;
	s11 =	simm.s32 $0x200  }
.LBB2_2:
0x1d: {  	p0 =	sne.s32 s11, $0x7E00;
	[tilespmem:s10+$0x5070] =	vst v0  }
0x1e: {  	[tilespmem:s10+$0x5000] =	vst v0  }
0x1f: {  	[tilespmem:s10+$0x5010] =	vst v0  }
.Ltmp0:
0x20: {  	[tilespmem:s10+$0x5020] =	vst v0;
	(pc) =	sbr.rel @p0 .LBB2_2-.Ltmp0, $4  }
0x21: {  	[tilespmem:s10+$0x5030] =	vst v0  }
0x22: {  	[tilespmem:s10+$0x5040] =	vst v0  }
0x23: {  	[tilespmem:s10+$0x5050] =	vst v0  }
0x24: {  	[tilespmem:s10+$0x5060] =	vst v0;
	s10 =	sshra.s32 s11, $0x2;
	s11 =	sadd.s32 $0x200, s11  }
0x25: {  	[tilespmem:s10+$0x5070] =	vst v0  }
0x26: {  	[tilespmem:s10+$0x5000] =	vst v0  }
0x27: {  	[tilespmem:s10+$0x5010] =	vst v0  }
0x28: {  	[tilespmem:s10+$0x5020] =	vst v0  }
0x29: {  	[tilespmem:s10+$0x5030] =	vst v0  }
0x2a: {  	[tilespmem:s10+$0x5040] =	vst v0  }
0x2b: {  	[tilespmem:s10+$0x5050] =	vst v0  }
0x2c: {  	[tilespmem:s10+$0x5060] =	vst v0  }
0x2d: {  	[spmem:s5] =	stream.linear.scatter [tilespmem:s26], [sflag:$0x7], $0x2000, $0x38;
	[tilespmem:$0x1F000] =	vst v63  }
0x2e: {  	_ =	swait.ge [sflag:s28], $0x2000  }
0x2f: {  	[sflag:s28] =	ssyncset.done $0x0  }
0x30: {  	s12 =	rddreg [dreg:$0x7];
	[sflag:s28] =	ssyncadd.s32 $0xFFFFE000  }
0x31: {  	[spmem:s12] =	stream.linear.scatter [tilespmem:s26], [sflag:$0x7], $0x2000, $0x38;
	[tilespmem:$0x1F000] =	vst v63  }
0x32: {  	_ =	swait.ge [sflag:s28], $0x2000  }
0x33: {  	[sflag:s28] =	ssyncset.done $0x0  }
0x34: {  	s11 =	rddreg [dreg:$0x8];
	[sflag:s28] =	ssyncadd.s32 $0xFFFFE000  }
0x35: {  	[spmem:s11] =	stream.linear.scatter [tilespmem:s26], [sflag:$0x7], $0x2000, $0x38;
	[tilespmem:$0x1F000] =	vst v63  }
0x36: {  	_ =	swait.ge [sflag:s28], $0x2000  }
0x37: {  	[sflag:s28] =	ssyncset.done $0x0  }
0x38: {  	s12 =	rddreg [dreg:$0x9];
	[sflag:s28] =	ssyncadd.s32 $0xFFFFE000  }
0x39: {  	[spmem:s12] =	stream.linear.scatter [tilespmem:s26], [sflag:$0x7], $0x2000, $0x38;
	[tilespmem:$0x1F000] =	vst v63  }
0x3a: {  	_ =	swait.ge [sflag:s28], $0x2000  }
0x3b: {  	[sflag:s28] =	ssyncset.done $0x0  }
0x3c: {  	s11 =	rddreg [dreg:$0xa];
	[sflag:s28] =	ssyncadd.s32 $0xFFFFE000  }
0x3d: {  	[spmem:s11] =	stream.linear.scatter [tilespmem:s26], [sflag:$0x7], $0x2000, $0x38;
	[tilespmem:$0x1F000] =	vst v63  }
0x3e: {  	_ =	swait.ge [sflag:s28], $0x2000  }
0x3f: {  	[sflag:s28] =	ssyncset.done $0x0  }
0x40: {  	[sflag:s28] =	ssyncadd.s32 $0xFFFFE000  }
0x41: {  	[spmem:s13] =	stream.linear.scatter [tilespmem:s26], [sflag:$0x7], $0x2000, $0x38;
	[tilespmem:$0x1F000] =	vst v63  }
0x42: {  	_ =	swait.ge [sflag:s28], $0x2000  }
0x43: {  	[sflag:s28] =	ssyncset.done $0x0  }
0x44: {  	[sflag:s28] =	ssyncadd.s32 $0xFFFFE000  }
0x45: {  	[spmem:s14] =	stream.linear.scatter [tilespmem:s26], [sflag:$0x7], $0x2000, $0x38;
	[tilespmem:$0x1F000] =	vst v63  }
0x46: {  	_ =	swait.ge [sflag:s28], $0x2000  }
0x47: {  	[sflag:s28] =	ssyncset.done $0x0  }
0x48: {  	[sflag:s28] =	ssyncadd.s32 $0xFFFFE000  }
0x49: {  	[spmem:s15] =	stream.linear.scatter [tilespmem:s26], [sflag:$0x7], $0x2000, $0x38;
	[tilespmem:$0x1F000] =	vst v63  }
0x4a: {  	_ =	swait.ge [sflag:s28], $0x2000  }
0x4b: {  	[sflag:s28] =	ssyncset.done $0x0  }
0x4c: {  	[sflag:s28] =	ssyncadd.s32 $0xFFFFE000  }
0x4d: {  	[spmem:s16] =	stream.linear.scatter [tilespmem:s26], [sflag:$0x7], $0x2000, $0x38;
	[tilespmem:$0x1F000] =	vst v63  }
0x4e: {  	_ =	swait.ge [sflag:s28], $0x2000  }
0x4f: {  	[sflag:s28] =	ssyncset.done $0x0  }
0x50: {  	[sflag:s28] =	ssyncadd.s32 $0xFFFFE000  }
0x51: {  	[spmem:s21] =	stream.linear.scatter [tilespmem:s26], [sflag:$0x7], $0x2000, $0x38;
	[tilespmem:$0x1F000] =	vst v63  }
0x52: {  	_ =	swait.ge [sflag:s28], $0x2000  }
0x53: {  	[sflag:s28] =	ssyncset.done $0x0  }
0x54: {  	[sflag:s28] =	ssyncadd.s32 $0xFFFFE000  }
0x55: {  	[bflag:$0x0] =	sbarrier.arrive $0xFFFF  }
0x56: {  	s12 =	simm.s32 $0x0;
	s11 =	rddreg [dreg:$0x4]  }
0x57: {  	[tilespmem:s12], [sflag:$0x7] =	stream.linear.gather [hbm4b:s11+s12], $0x4F80, $0x38;
	[tilespmem:$0x1F000] =	vst v63  }
0x58: {  	_ =	swait.ge [sflag:s28], $0x4F80  }
0x59: {  	[sflag:s28] =	ssyncset.done $0x0  }
0x5a: {  	[sflag:s28] =	ssyncadd.s32 $0xFFFFB080  }
0x5b: {  	[tilespmem:s26], [sflag:$0x1] =	stream.indirect.gather [hbm4b:s1+s29], $0x80, s12, s29, $0xb8;
	[tilespmem:$0x1F000] =	vst v63  }
0x5c: {  	s12 =	simm.s32 $0x80  }
0x5d: {  	[tilespmem:s31], [sflag:$0x2] =	stream.indirect.gather [hbm4b:s1+s29], $0x80, s12, s29, $0xb8;
	[tilespmem:$0x1F000] =	vst v63  }
0x5e: {  	s11 =	simm.s32 $0x100  }
0x5f: {  	[tilespmem:s0], [sflag:$0x3] =	stream.indirect.gather [hbm4b:s1+s29], $0x80, s11, s29, $0xb8;
	[tilespmem:$0x1F000] =	vst v63  }
0x60: {  	_ =	swait.ge [sflag:s30], $0x2000  }
0x61: {  	[sflag:s30] =	ssyncset.done $0x0  }
0x62: {  	s12 =	simm.s32 $0x40;
	[sflag:s30] =	ssyncadd.s32 $0xFFFFE000  }
0x63: {  	[spmem:s3] =	stream.indirect.scatter.add.f32 [tilespmem:s26], [sflag:$0x4], $0x80, s12, s29, $0xb8;
	[tilespmem:$0x1F000] =	vst v63  }
0x64: {  	_ =	swait.ge [sflag:s2], $0x2000  }
0x65: {  	[sflag:s2] =	ssyncset.done $0x0  }
0x66: {  	s11 =	simm.s32 $0xC0;
	[sflag:s2] =	ssyncadd.s32 $0xFFFFE000  }
0x67: {  	[spmem:s3] =	stream.indirect.scatter.add.f32 [tilespmem:s31], [sflag:$0x5], $0x80, s11, s29, $0xb8;
	[tilespmem:$0x1F000] =	vst v63  }
0x68: {  	_ =	swait.ge [sflag:s6], $0x2000  }
0x69: {  	[sflag:s6] =	ssyncset.done $0x0  }
0x6a: {  	s12 =	simm.s32 $0x140;
	[sflag:s6] =	ssyncadd.s32 $0xFFFFE000  }
0x6b: {  	[spmem:s3] =	stream.indirect.scatter.add.f32 [tilespmem:s0], [sflag:$0x6], $0x80, s12, s29, $0xb8;
	[tilespmem:$0x1F000] =	vst v63  }
0x6c: {  	_ =	swait.ge [sflag:s7], $0x2000  }
0x6d: {  	[sflag:s7] =	ssyncset.done $0x0  }
0x6e: {  	s11 =	simm.s32 $0x180;
	[sflag:s7] =	ssyncadd.s32 $0xFFFFE000  }
0x6f: {  	[tilespmem:s26], [sflag:$0x1] =	stream.indirect.gather [hbm4b:s1+s29], $0x80, s11, s29, $0xb8;
	[tilespmem:$0x1F000] =	vst v63  }
0x70: {  	_ =	swait.ge [sflag:s8], $0x2000  }
0x71: {  	[sflag:s8] =	ssyncset.done $0x0  }
0x72: {  	s12 =	simm.s32 $0x200;
	[sflag:s8] =	ssyncadd.s32 $0xFFFFE000  }
0x73: {  	[tilespmem:s31], [sflag:$0x2] =	stream.indirect.gather [hbm4b:s1+s29], $0x80, s12, s29, $0xb8;
	[tilespmem:$0x1F000] =	vst v63  }
0x74: {  	_ =	swait.ge [sflag:s9], $0x2000  }
0x75: {  	[sflag:s9] =	ssyncset.done $0x0  }
0x76: {  	s10 =	simm.s32 $0x600;
	s11 =	simm.s32 $0x280;
	[sflag:s9] =	ssyncadd.s32 $0xFFFFE000  }
.LBB2_4:
0x77: {  	[tilespmem:s0], [sflag:$0x3] =	stream.indirect.gather [hbm4b:s1+s29], $0x80, s11, s29, $0xb8;
	[tilespmem:$0x1F000] =	vst v63  }
0x78: {  	s11 =	smov.u32 s10  }
0x79: {  	p0 =	sne.s32 s10, $0x13200;
	s10 =	sadd.s32 $0x600, s10;
	_ =	swait.ge [sflag:s30], $0x2000  }
0x7a: {  	s11 =	sshra.s32 s11, $0x2;
	[sflag:s30] =	ssyncset.done $0x0  }
0x7b: {  	s12 =	sadd.s32 $0x40, s11;
	[sflag:s30] =	ssyncadd.s32 $0xFFFFE000  }
0x7c: {  	[spmem:s3] =	stream.indirect.scatter.add.f32 [tilespmem:s26], [sflag:$0x4], $0x80, s12, s29, $0xb8;
	[tilespmem:$0x1F000] =	vst v63  }
0x7d: {  	_ =	swait.ge [sflag:s2], $0x2000  }
0x7e: {  	[sflag:s2] =	ssyncset.done $0x0  }
0x7f: {  	s12 =	sadd.s32 $0xC0, s11;
	[sflag:s2] =	ssyncadd.s32 $0xFFFFE000  }
0x80: {  	[spmem:s3] =	stream.indirect.scatter.add.f32 [tilespmem:s31], [sflag:$0x5], $0x80, s12, s29, $0xb8;
	[tilespmem:$0x1F000] =	vst v63  }
0x81: {  	_ =	swait.ge [sflag:s6], $0x2000  }
0x82: {  	[sflag:s6] =	ssyncset.done $0x0  }
0x83: {  	s12 =	sadd.s32 $0x140, s11;
	[sflag:s6] =	ssyncadd.s32 $0xFFFFE000  }
0x84: {  	[spmem:s3] =	stream.indirect.scatter.add.f32 [tilespmem:s0], [sflag:$0x6], $0x80, s12, s29, $0xb8;
	[tilespmem:$0x1F000] =	vst v63  }
0x85: {  	_ =	swait.ge [sflag:s7], $0x2000  }
0x86: {  	[sflag:s7] =	ssyncset.done $0x0  }
0x87: {  	s12 =	sadd.s32 $0x180, s11;
	[sflag:s7] =	ssyncadd.s32 $0xFFFFE000  }
0x88: {  	[tilespmem:s26], [sflag:$0x1] =	stream.indirect.gather [hbm4b:s1+s29], $0x80, s12, s29, $0xb8;
	[tilespmem:$0x1F000] =	vst v63  }
0x89: {  	_ =	swait.ge [sflag:s8], $0x2000  }
0x8a: {  	[sflag:s8] =	ssyncset.done $0x0  }
.Ltmp1:
0x8b: {  	s12 =	sadd.s32 $0x200, s11;
	[sflag:s8] =	ssyncadd.s32 $0xFFFFE000;
	(pc) =	sbr.rel @p0 .LBB2_4-.Ltmp1, $4  }
0x8c: {  	[tilespmem:s31], [sflag:$0x2] =	stream.indirect.gather [hbm4b:s1+s29], $0x80, s12, s29, $0xb8;
	[tilespmem:$0x1F000] =	vst v63  }
0x8d: {  	_ =	swait.ge [sflag:s9], $0x2000  }
0x8e: {  	[sflag:s9] =	ssyncset.done $0x0  }
0x8f: {  	s11 =	sadd.s32 $0x280, s11;
	[sflag:s9] =	ssyncadd.s32 $0xFFFFE000  }
0x90: {  	[tilespmem:s0], [sflag:$0x3] =	stream.indirect.gather [hbm4b:s1+s29], $0x80, s11, s29, $0xb8;
	[tilespmem:$0x1F000] =	vst v63  }
0x91: {  	_ =	swait.ge [sflag:s30], $0x2000  }
0x92: {  	[sflag:s30] =	ssyncset.done $0x0  }
0x93: {  	s10 =	simm.s32 $0x4E40;
	[sflag:s30] =	ssyncadd.s32 $0xFFFFE000  }
0x94: {  	[spmem:s3] =	stream.indirect.scatter.add.f32 [tilespmem:s26], [sflag:$0x4], $0x80, s10, s29, $0xb8;
	[tilespmem:$0x1F000] =	vst v63  }
0x95: {  	_ =	swait.ge [sflag:s2], $0x2000  }
0x96: {  	[sflag:s2] =	ssyncset.done $0x0  }
0x97: {  	s11 =	simm.s32 $0x4EC0;
	[sflag:s2] =	ssyncadd.s32 $0xFFFFE000  }
0x98: {  	[spmem:s3] =	stream.indirect.scatter.add.f32 [tilespmem:s31], [sflag:$0x5], $0x80, s11, s29, $0xb8;
	[tilespmem:$0x1F000] =	vst v63  }
0x99: {  	_ =	swait.ge [sflag:s6], $0x2000  }
0x9a: {  	[sflag:s6] =	ssyncset.done $0x0  }
0x9b: {  	s12 =	simm.s32 $0x4F40;
	[sflag:s6] =	ssyncadd.s32 $0xFFFFE000  }
0x9c: {  	[spmem:s3] =	stream.indirect.scatter.add.f32 [tilespmem:s0], [sflag:$0x6], $0x80, s12, s29, $0xb8;
	[tilespmem:$0x1F000] =	vst v63  }
0x9d: {  	_ =	swait.ge [sflag:s7], $0x2000  }
0x9e: {  	[sflag:s7] =	ssyncset.done $0x0  }
0x9f: {  	[sflag:s7] =	ssyncadd.s32 $0xFFFFE000  }
0xa0: {  	_ =	swait.ge [sflag:s8], $0x2000  }
0xa1: {  	[sflag:s8] =	ssyncset.done $0x0  }
0xa2: {  	[sflag:s8] =	ssyncadd.s32 $0xFFFFE000  }
0xa3: {  	_ =	swait.ge [sflag:s9], $0x2000  }
0xa4: {  	[sflag:s9] =	ssyncset.done $0x0  }
0xa5: {  	s11 =	stileid.u32;
	[sflag:s9] =	ssyncadd.s32 $0xFFFFE000  }
0xa6: {  	s10 =	sshll.u32 s11, $0x6;
	[bflag:$0x0] =	sbarrier.arrive $0xFFFF  }
0xa7: {  	s11 =	sshrl.u32 s5, $0x3;
	s10 =	sor.u32 $0x1C07, s10;
	s12 =	rddreg [dreg:$0x5]  }
0xa8: {  	[hbm:s12], [sflag:s10] =	dma.local [spmem:s11], $0x800  }
0xa9: {  	_ =	swait.ge [sflag:s28], $0x800  }
0xaa: {  	[sflag:s28] =	ssyncset.done $0x0  }
0xab: {  	[sflag:s28] =	ssyncadd.s32 $0xFFFFF800  }
0xac: {  	[hbm:s17], [sflag:s10] =	dma.local [spmem:s22], $0x800  }
0xad: {  	_ =	swait.ge [sflag:s28], $0x800  }
0xae: {  	[sflag:s28] =	ssyncset.done $0x0  }
0xaf: {  	[sflag:s28] =	ssyncadd.s32 $0xFFFFF800  }
0xb0: {  	[hbm:s18], [sflag:s10] =	dma.local [spmem:s23], $0x800  }
0xb1: {  	_ =	swait.ge [sflag:s28], $0x800  }
0xb2: {  	[sflag:s28] =	ssyncset.done $0x0  }
0xb3: {  	[sflag:s28] =	ssyncadd.s32 $0xFFFFF800  }
0xb4: {  	[hbm:s19], [sflag:s10] =	dma.local [spmem:s24], $0x800  }
0xb5: {  	_ =	swait.ge [sflag:s28], $0x800  }
0xb6: {  	[sflag:s28] =	ssyncset.done $0x0  }
0xb7: {  	[sflag:s28] =	ssyncadd.s32 $0xFFFFF800  }
0xb8: {  	[hbm:s20], [sflag:s10] =	dma.local [spmem:s25], $0x800  }
0xb9: {  	_ =	swait.ge [sflag:s28], $0x800  }
0xba: {  	s4 =	sadd.s32 $0x1, s4;
	s12 =	rddreg [dreg:$0x6]  }
0xbb: {  	p0 =	sne.s32 s4, s12  }
.Ltmp2:
0xbc: {  	_ = 	snop;
	(pc) =	sbr.rel @p0 .LBB2_1-.Ltmp2, $3  }
0xbd: {  	_ =	sdelay $0x1  }
0xbe: {  	[sflag:s28] =	ssyncset.done $0x0  }
0xbf: {  	[sflag:s28] =	ssyncadd.s32 $0xFFFFF800  }
0xc0: {  	_ =	sfence.sel $0x180000  }
0xc1: {  	[bflag:$0x0] =	sbarrier.arrive $0xFFFF  }
0xc2: {  	_ =	strace $0x90000050  }
0xc3: {  	s0 =	stileid.u32;
	[bflag:$0x2] =	sbarrier.arrive $0xFFFF  }
0xc4: {  	p0 =	sne.s32 s0, $0x0;
	s0 =	rddreg [dreg:$0x3]  }
0xc5: {  	s0 =	sadd.s32 @!p0 $0x100000, s0  }
0xc6: {  	[sflag:s0] =	ssyncadd.tile.s32 @!p0 $0x1;
	_ =	shalt  }
.Lfunc_end2:
_tile_overlayer_lowered:
.L_overlay_start_2:
0xc7: {  	(tag) =	ssettag $0x2  }
0xc8: {  	s0 =	rddreg [dreg:$0x0];
	s2 =	stileid.u32  }
0xc9: {  	s1 =	rddreg [dreg:$0x1];
	p0 =	sne.s32 s2, $0x0  }
0xca: {  	s3 =	rddreg [dreg:$0x2];
	[bflag:$0x3] =	sbarrier.arrive $0xFFFF;
	s2 =	simm.s32 @!p0 $0x1C07  }
0xcb: {  	[timem:s3], [sflag:s2] =	dma.local @!p0 [hbm:s0], s1  }
0xcc: {  	s0 =	simm.s32 @!p0 $0x7  }
0xcd: {  	_ =	swait.ge @!p0 [sflag:s0], s1  }
0xce: {  	s1 =	ssub.s32 @!p0 $0x0, s1;
	[sflag:s0] =	ssyncset.done @!p0 $0x0  }
0xcf: {  	[sflag:s0] =	ssyncadd.s32 @!p0 s1  }
0xd0: {  	[bflag:$0x3] =	sbarrier.arrive $0xFFFF  }
0xd1: {  	_ =	shalt  }

</sc_bundles>
